<compile_context>
chip_gen: v7x
topology: tpu7x:2x2x1
jax: 0.10.2.dev20260603
libtpu: 0.0.44.dev20260713+nightly
codegen_flags: <defaults>
</compile_context>

<pallas_src>
import functools

import jax
import jax.numpy as jnp
from jax import lax
from jax.experimental import pallas as pl
from jax.experimental.pallas import tpu as pltpu
from jax.experimental.pallas import tpu_sc as plsc

N = 50000
E = 800000
H = 64
NG = 64
NPAD = 50048
BN = NPAD // 16
IDX_W = 128
ROWS_PER_TILE = 400
EPAD = 16 * ROWS_PER_TILE * IDX_W
IDX_ROWS = EPAD // IDX_W
EB = 512
CPB = 5
NBLKE = 20
EPT = NBLKE * CPB * EB
RING = 2
F32 = jnp.float32
BF16 = jnp.bfloat16


def _sc_body(with_deg, *refs):
    if with_deg:
        (xv, idxh, z2, z1, msum_out, deg_out, acc, dega,
         istg0, istg1, rb0, rb1, ones_v, stage,
         sg0, sg1, ss0, ss1, sem_i, sem_d) = refs
    else:
        (xv, idxh, z2, msum_out, acc,
         istg0, istg1, rb0, rb1,
         sg0, sg1, ss0, ss1, sem_i) = refs
    istg = (istg0, istg1)
    rows = (rb0, rb1)
    sem_g = (sg0, sg1)
    sem_s = (ss0, ss1)
    c = lax.axis_index("c")
    s = lax.axis_index("s")
    r0 = s * BN
    pltpu.sync_copy(z2.at[pl.ds(r0, BN)], acc.at[pl.ds(r0, BN)])
    if with_deg:
        pltpu.sync_copy(z1.at[pl.ds(r0, BN)], stage)
        pltpu.sync_copy(stage, dega.at[pl.ds(r0, BN)])
        for j in range(EB // 16):
            ones_v[pl.ds(j * 16, 16)] = jnp.full((16,), 1.0, F32)
    plsc.subcore_barrier()

    ibase = (c * 16 + s) * NBLKE * 2 * CPB
    pltpu.sync_copy(idxh.at[pl.ds(ibase, 2 * CPB)], istg[0])

    def block(b, q):
        ss = istg[q]
        pre = pltpu.async_copy(
            idxh.at[pl.ds(ibase + (b + 1) * 2 * CPB, 2 * CPB)],
            istg[1 - q], sem_i)

        def issue_g(i):
            return pltpu.async_copy(xv.at[ss.at[2 * i]], rows[i % RING],
                                    sem_g[i % RING])

        def issue_s(i):
            return pltpu.async_copy(rows[i % RING], acc.at[ss.at[2 * i + 1]],
                                    sem_s[i % RING], add=True)

        g = {}
        sc = {}
        g[0] = issue_g(0)
        for i in range(CPB):
            g[i].wait()
            sc[i] = issue_s(i)
            if with_deg:
                @pl.when(c == i % 2)
                def _():
                    pltpu.async_copy(ones_v, dega.at[ss.at[2 * i + 1]],
                                     sem_d, add=True)
            if i + 1 < CPB:
                if i - 1 >= 0:
                    sc[i - 1].wait()
                g[i + 1] = issue_g(i + 1)
        if with_deg:
            for i in range(CPB):
                @pl.when(c == i % 2)
                def _():
                    pltpu.make_async_copy(
                        ones_v, dega.at[ss.at[2 * i + 1]], sem_d).wait()
        for t in range(max(0, CPB - RING), CPB):
            sc[t].wait()
        pre.wait()

    def two_blocks(j, carry):
        block(2 * j, 0)
        block(2 * j + 1, 1)
        return carry

    lax.fori_loop(0, NBLKE // 2, two_blocks, 0)
    plsc.subcore_barrier()
    pltpu.sync_copy(acc.at[pl.ds(r0, BN)],
                    msum_out.at[pl.ds(c * NPAD + r0, BN)])
    if with_deg:
        pltpu.sync_copy(dega.at[pl.ds(r0, BN)], stage)
        pltpu.sync_copy(stage, deg_out.at[pl.ds(c * NPAD + r0, BN)])


def _make_sc_pass(with_deg):
    mesh = plsc.VectorSubcoreMesh(core_axis_name="c", subcore_axis_name="s")
    out_type = (jax.ShapeDtypeStruct((2 * NPAD, 32), BF16),)
    if with_deg:
        out_type = out_type + (jax.ShapeDtypeStruct((2 * NPAD,), F32),)
    scratch = [pltpu.VMEM_SHARED((NPAD, 32), BF16)]
    if with_deg:
        scratch.append(pltpu.VMEM_SHARED((NPAD,), F32))
    scratch += [
        pltpu.VMEM((2 * CPB, EB), jnp.int32),
        pltpu.VMEM((2 * CPB, EB), jnp.int32),
        pltpu.VMEM((EB, 32), BF16),
        pltpu.VMEM((EB, 32), BF16),
    ]
    if with_deg:
        scratch.append(pltpu.VMEM((EB,), F32))
        scratch.append(pltpu.VMEM((BN,), F32))
    scratch += [pltpu.SemaphoreType.DMA] * (2 * RING + 1)
    if with_deg:
        scratch.append(pltpu.SemaphoreType.DMA)
    return pl.kernel(
        functools.partial(_sc_body, with_deg),
        out_type=out_type,
        mesh=mesh,
        scratch_types=scratch,
        compiler_params=pltpu.CompilerParams(use_tc_tiling_on_sc=False),
    )


def _pre_body(nf_ref, w_ref, b_ref, o_ref):
    o_ref[...] = (jnp.dot(nf_ref[...], w_ref[...],
                          preferred_element_type=F32) + b_ref[...])


def _layer0_body(x_ref, ma_ref, mb_ref, deg_ref, skip_ref, wl_ref, wr_ref,
                 b_ref, o_ref):
    s00 = jax.nn.sigmoid(skip_ref[0, 0])
    d = jnp.maximum(deg_ref[...], 1.0)
    m = jnp.concatenate([ma_ref[...], mb_ref[...]], axis=1).astype(F32) / d
    h = s00 * (jnp.dot(m, wl_ref[...], preferred_element_type=F32)
               + jnp.dot(x_ref[...], wr_ref[...], preferred_element_type=F32))
    o_ref[...] = jnp.maximum(h + b_ref[...], 0.0)


def _layer1_pool_body(x_ref, x1_ref, m0a_ref, m0b_ref, m1a_ref, m1b_ref,
                      deg_ref, batch_ref, skip_ref, wl_ref, wr_ref, b_ref,
                      pooled_ref):
    i = pl.program_id(0)
    s10 = jax.nn.sigmoid(skip_ref[1, 0])
    s11 = jax.nn.sigmoid(skip_ref[1, 1])
    d = jnp.maximum(deg_ref[...], 1.0)
    m0 = jnp.concatenate([m0a_ref[...], m0b_ref[...]], axis=1).astype(F32) / d
    m1 = jnp.concatenate([m1a_ref[...], m1b_ref[...]], axis=1).astype(F32) / d
    x = x_ref[...]
    x1 = x1_ref[...]
    wl = wl_ref[...]
    wr = wr_ref[...]
    h = (s10 * (jnp.dot(m0, wl[:H], preferred_element_type=F32)
                + jnp.dot(x, wr[:H], preferred_element_type=F32))
         + s11 * (jnp.dot(m1, wl[H:], preferred_element_type=F32)
                  + jnp.dot(x1, wr[H:], preferred_element_type=F32))
         + b_ref[...])
    x2 = jnp.maximum(h, 0.0)
    emb = jnp.concatenate([x, x1, x2], axis=1)
    b = batch_ref[0, 0, :]
    oh = (b[:, None] == lax.broadcasted_iota(jnp.int32, (BN, NG), 1)
          ).astype(F32)
    part = lax.dot_general(oh, emb, (((0,), (0,)), ((), ())),
                           preferred_element_type=F32)

    @pl.when(i == 0)
    def _():
        pooled_ref[...] = part

    @pl.when(i > 0)
    def _():
        pooled_ref[...] += part


def _mlp_body(p_ref, w1_ref, b1_ref, w2_ref, b2_ref, w3_ref, b3_ref,
              w4_ref, b4_ref, o_ref):
    h = jnp.dot(p_ref[...], w1_ref[...], preferred_element_type=F32) + b1_ref[...]
    h = jnp.where(h >= 0, h, 0.1 * h)
    h = jnp.maximum(jnp.dot(h, w2_ref[...], preferred_element_type=F32)
                    + b2_ref[...], 0.0)
    h = jnp.maximum(jnp.dot(h, w3_ref[...], preferred_element_type=F32)
                    + b3_ref[...], 0.0)
    o_ref[...] = jnp.dot(h, w4_ref[...], preferred_element_type=F32) + b4_ref[...]


def _full(shape):
    return pl.BlockSpec(shape, lambda i: tuple(0 for _ in shape))


def kernel(node_feature, edge_index, batch, learnable_skip, W_pre, b_pre,
           W0l, b0, W0r, W1l, b1, W1r,
           Wp1, bp1, Wp2, bp2, Wp3, bp3, Wp4, bp4):
    src = edge_index[0]
    dst = edge_index[1]
    pad = EPAD - E
    srcp = jnp.concatenate([src, jnp.zeros((pad,), jnp.int32)])
    dstp = jnp.concatenate([dst, jnp.full((pad,), N, jnp.int32)])
    dst4 = dstp.reshape(16, NBLKE, CPB, 1, EB)
    idxh = jnp.concatenate(
        [jnp.stack([(2 * srcp + cc).reshape(16, NBLKE, CPB, 1, EB)
                    for cc in range(2)]),
         jnp.stack([dst4, dst4])], axis=4
    ).reshape(2 * 16 * NBLKE * 2 * CPB, EB)
    idxh = jnp.pad(idxh, ((0, 2 * CPB), (0, 0)))
    nf_pad = jnp.pad(node_feature, ((0, NPAD - N), (0, 0)))
    batch3 = jnp.pad(batch, (0, NPAD - N), constant_values=NG
                     ).reshape(16, 1, BN)
    zb = jnp.zeros((NPAD, 32), BF16)
    z1 = jnp.zeros((NPAD,), F32)

    x_pad = pl.pallas_call(
        _pre_body,
        grid=(16,),
        in_specs=[pl.BlockSpec((BN, 5), lambda i: (i, 0)),
                  _full((5, H)), _full((1, H))],
        out_specs=pl.BlockSpec((BN, H), lambda i: (i, 0)),
        out_shape=jax.ShapeDtypeStruct((NPAD, H), F32),
    )(nf_pad, W_pre, b_pre.reshape(1, H))

    xv = x_pad.astype(BF16).reshape(2 * NPAD, 32)
    msum0, degp = _make_sc_pass(True)(xv, idxh, zb, z1)
    deg2 = (degp[:NPAD] + degp[NPAD:]).reshape(NPAD, 1)

    mspec_a = pl.BlockSpec((BN, 32), lambda i: (i, 0))
    mspec_b = pl.BlockSpec((BN, 32), lambda i: (i + 16, 0))
    dspec = pl.BlockSpec((BN, 1), lambda i: (i, 0))
    x1_pad = pl.pallas_call(
        _layer0_body,
        grid=(16,),
        in_specs=[pl.BlockSpec((BN, H), lambda i: (i, 0)),
                  mspec_a, mspec_b, dspec,
                  _full((2, 2)), _full((H, H)), _full((H, H)), _full((1, H))],
        out_specs=pl.BlockSpec((BN, H), lambda i: (i, 0)),
        out_shape=jax.ShapeDtypeStruct((NPAD, H), F32),
    )(x_pad, msum0, msum0, deg2, learnable_skip, W0l, W0r, b0.reshape(1, H))

    x1v = x1_pad.astype(BF16).reshape(2 * NPAD, 32)
    (msum1,) = _make_sc_pass(False)(x1v, idxh, zb)

    pooled = pl.pallas_call(
        _layer1_pool_body,
        grid=(16,),
        in_specs=[pl.BlockSpec((BN, H), lambda i: (i, 0)),
                  pl.BlockSpec((BN, H), lambda i: (i, 0)),
                  mspec_a, mspec_b, mspec_a, mspec_b, dspec,
                  pl.BlockSpec((1, 1, BN), lambda i: (i, 0, 0)),
                  _full((2, 2)), _full((2 * H, H)), _full((2 * H, H)),
                  _full((1, H))],
        out_specs=pl.BlockSpec((NG, 3 * H), lambda i: (0, 0)),
        out_shape=jax.ShapeDtypeStruct((NG, 3 * H), F32),
    )(x_pad, x1_pad, msum0, msum0, msum1, msum1, deg2, batch3,
      learnable_skip, W1l, W1r, b1.reshape(1, H))

    out = pl.pallas_call(
        _mlp_body,
        out_shape=jax.ShapeDtypeStruct((NG, H), F32),
    )(pooled, Wp1, bp1.reshape(1, H), Wp2, bp2.reshape(1, H),
      Wp3, bp3.reshape(1, 256), Wp4, bp4.reshape(1, H))

    return out

# --- scband reference (transcript-rebuilt; emitter-appended) ---
"""Pipeline reference for scband-gnnencoder-13159779795336 (READ-ONLY COPY).

The authoritative reference and input builder live on the scoring server;
editing this copy changes nothing except your own understanding.
"""

import jax, jax.numpy as jnp
import numpy as np

N = 50000
E = 800000
IN_DIM = 5
H = 64
OUT = 64
NG = 64


def _lin_params(key, fan_in, fan_out, bias=True):
    k1, k2 = jax.random.split(key)
    s = 1.0 / np.sqrt(fan_in)
    W = jax.random.uniform(k1, (fan_in, fan_out), dtype=jnp.float32, minval=-s, maxval=s)
    if bias:
        b = jax.random.uniform(k2, (fan_out,), dtype=jnp.float32, minval=-s, maxval=s)
        return W, b
    return W


def setup_inputs(seed: int = 0) -> dict:
    key = jax.random.key(seed)
    ks = jax.random.split(key, 16)
    node_feature = jax.random.normal(ks[0], (N, IN_DIM), dtype=jnp.float32)
    edge_index = jax.random.randint(ks[1], (2, E), 0, N, dtype=jnp.int32)
    batch = jnp.sort(jax.random.randint(ks[2], (N,), 0, NG, dtype=jnp.int32))
    learnable_skip = jnp.ones((2, 2), dtype=jnp.float32)
    W_pre, b_pre = _lin_params(ks[3], IN_DIM, H)
    # SAGEConv layer 0: in = H*1 = 64
    W0l, b0 = _lin_params(ks[4], H, H)
    W0r = _lin_params(ks[5], H, H, bias=False)
    # SAGEConv layer 1: in = H*2 = 128
    W1l, b1 = _lin_params(ks[6], 2 * H, H)
    W1r = _lin_params(ks[7], 2 * H, H, bias=False)
    # post_mp: Linear(192,64), LeakyReLU, Linear(64,64), ReLU, Linear(64,256), ReLU, Linear(256,64)
    Wp1, bp1 = _lin_params(ks[8], 3 * H, H)
    Wp2, bp2 = _lin_params(ks[9], H, OUT)
    Wp3, bp3 = _lin_params(ks[10], OUT, 256)
    Wp4, bp4 = _lin_params(ks[11], 256, OUT)
    return {
        "node_feature": node_feature, "edge_index": edge_index, "batch": batch,
        "learnable_skip": learnable_skip, "W_pre": W_pre, "b_pre": b_pre,
        "W0l": W0l, "b0": b0, "W0r": W0r,
        "W1l": W1l, "b1": b1, "W1r": W1r,
        "Wp1": Wp1, "bp1": bp1, "Wp2": Wp2, "bp2": bp2,
        "Wp3": Wp3, "bp3": bp3, "Wp4": Wp4, "bp4": bp4,
    }


def _sage_conv(x, edge_index, Wl, b, Wr):
    src = edge_index[0]
    dst = edge_index[1]
    msg = jnp.take(x, src, axis=0)
    agg_sum = jax.ops.segment_sum(msg, dst, num_segments=N)
    deg = jax.ops.segment_sum(jnp.ones((msg.shape[0],), dtype=x.dtype), dst, num_segments=N)
    agg = agg_sum / jnp.clip(deg, 1.0)[:, None]
    return agg @ Wl + b + x @ Wr


def reference(node_feature, edge_index, batch, learnable_skip, W_pre, b_pre,
              W0l, b0, W0r, W1l, b1, W1r,
              Wp1, bp1, Wp2, bp2, Wp3, bp3, Wp4, bp4):
    x = node_feature @ W_pre + b_pre  # [N, H]
    all_emb = x[:, None, :]  # [N, 1, H]
    emb = x
    conv_params = [(W0l, b0, W0r), (W1l, b1, W1r)]
    for i in range(2):
        skip_vals = jax.nn.sigmoid(learnable_skip[i, : i + 1])[None, :, None]
        curr_emb = (all_emb * skip_vals).reshape(x.shape[0], -1)
        Wl, b, Wr = conv_params[i]
        x = _sage_conv(curr_emb, edge_index, Wl, b, Wr)
        x = jax.nn.relu(x)
        # dropout p=0.0 -> identity
        emb = jnp.concatenate((emb, x), axis=1)
        all_emb = jnp.concatenate((all_emb, x[:, None, :]), axis=1)
    pooled = jax.ops.segment_sum(emb, batch, num_segments=NG)  # [NG, 3H]
    h = pooled @ Wp1 + bp1
    h = jnp.where(h >= 0, h, 0.1 * h)  # LeakyReLU(0.1)
    h = jax.nn.relu(h @ Wp2 + bp2)
    h = jax.nn.relu(h @ Wp3 + bp3)
    out = h @ Wp4 + bp4
    return out

if __name__ == "__main__":
    import jax
    _d = setup_inputs()
    print(jax.jit(kernel)(*tuple(_d.values())))

</pallas_src>

<mosaic_0001>
#map = affine_map<(d0, d1) -> (0, 0)>
#map1 = affine_map<(d0, d1) -> (0)>
module attributes {stable_mosaic.version = 14 : i64} {
  func.func @_sc_body(%arg0: i32, %arg1: i32, %arg2: memref<100096x32xbf16, #tpu.memory_space<hbm>>, %arg3: memref<6410x512xi32, #tpu.memory_space<hbm>>, %arg4: memref<50048x32xbf16, #tpu.memory_space<hbm>>, %arg5: memref<50048xf32, #tpu.memory_space<hbm>>, %arg6: memref<100096x32xbf16, #tpu.memory_space<hbm>>, %arg7: memref<100096xf32, #tpu.memory_space<hbm>>, %arg8: memref<50048x32xbf16, #tpu.memory_space<vmem_shared>>, %arg9: memref<50048xf32, #tpu.memory_space<vmem_shared>>, %arg10: memref<10x512xi32, #tpu.memory_space<vmem>>, %arg11: memref<10x512xi32, #tpu.memory_space<vmem>>, %arg12: memref<512x32xbf16, #tpu.memory_space<vmem>>, %arg13: memref<512x32xbf16, #tpu.memory_space<vmem>>, %arg14: memref<512xf32, #tpu.memory_space<vmem>>, %arg15: memref<3128xf32, #tpu.memory_space<vmem>>, %arg16: memref<!tpu.dma_semaphore, #tpu.memory_space<semaphore_mem>>, %arg17: memref<!tpu.dma_semaphore, #tpu.memory_space<semaphore_mem>>, %arg18: memref<!tpu.dma_semaphore, #tpu.memory_space<semaphore_mem>>, %arg19: memref<!tpu.dma_semaphore, #tpu.memory_space<semaphore_mem>>, %arg20: memref<!tpu.dma_semaphore, #tpu.memory_space<semaphore_mem>>, %arg21: memref<!tpu.dma_semaphore, #tpu.memory_space<semaphore_mem>>) attributes {dimension_semantics = [#tpu.dimension_semantics<core_parallel>, #tpu.dimension_semantics<subcore_parallel>], iteration_bounds = array<i64: 2, 16>, scalar_prefetch = 0 : i64, scratch_operands = 14 : i64, tpu.core_type = #tpu.core_type<sc_vector_subcore>, window_params = [{transform_indices = #map}, {transform_indices = #map}, {transform_indices = #map}, {transform_indices = #map1}, {transform_indices = #map}, {transform_indices = #map1}]} {
    %mul3A = arith.constant 3128 : i32
    %mul3A_0 = arith.muli %arg1, %mul3A : i32
    "tpu.region"() ({
      %run_scoped3A = tpu.sem_alloc : memref<!tpu.dma_semaphore, #tpu.memory_space<semaphore_mem>>
      %dma_start3A = arith.constant 0 : i32
      %dma_start3A_211 = tpu.memref_slice %arg8[%mul3A_0, %dma_start3A] : memref<50048x32xbf16, #tpu.memory_space<vmem_shared>> -> memref<3128x32xbf16, #tpu.memory_space<vmem_shared>>
      %dma_start3A_212 = arith.constant 0 : i32
      %dma_start3A_213 = tpu.memref_slice %arg4[%mul3A_0, %dma_start3A_212] : memref<50048x32xbf16, #tpu.memory_space<hbm>> -> memref<3128x32xbf16, #tpu.memory_space<hbm>>
      tpu.enqueue_dma source(%dma_start3A_213 : memref<3128x32xbf16, #tpu.memory_space<hbm>>) target(%dma_start3A_211 : memref<3128x32xbf16, #tpu.memory_space<vmem_shared>>) target_semaphore(%run_scoped3A : memref<!tpu.dma_semaphore, #tpu.memory_space<semaphore_mem>>)
      %dma_wait3A = arith.constant 0 : i32
      %dma_wait3A_214 = tpu.memref_slice %arg8[%mul3A_0, %dma_wait3A] : memref<50048x32xbf16, #tpu.memory_space<vmem_shared>> -> memref<3128x32xbf16, #tpu.memory_space<vmem_shared>>
      %dma_wait3A_215 = arith.constant 0 : i32
      %dma_wait3A_216 = tpu.memref_slice %arg4[%mul3A_0, %dma_wait3A_215] : memref<50048x32xbf16, #tpu.memory_space<hbm>> -> memref<3128x32xbf16, #tpu.memory_space<hbm>>
      tpu.wait_dma2 semaphore(%run_scoped3A : memref<!tpu.dma_semaphore, #tpu.memory_space<semaphore_mem>>) src(%dma_wait3A_216 : memref<3128x32xbf16, #tpu.memory_space<hbm>>) dst(%dma_wait3A_214 : memref<3128x32xbf16, #tpu.memory_space<vmem_shared>>)
      tpu.yield
    }) : () -> ()
    "tpu.region"() ({
      %run_scoped3A = tpu.sem_alloc : memref<!tpu.dma_semaphore, #tpu.memory_space<semaphore_mem>>
      %dma_start3A = tpu.memref_slice %arg5[%mul3A_0] : memref<50048xf32, #tpu.memory_space<hbm>> -> memref<3128xf32, #tpu.memory_space<hbm>>
      %dma_start3A_211 = tpu.memref_slice %arg5[%mul3A_0] : memref<50048xf32, #tpu.memory_space<hbm>> -> memref<3128xf32, #tpu.memory_space<hbm>>
      tpu.enqueue_dma source(%dma_start3A_211 : memref<3128xf32, #tpu.memory_space<hbm>>) target(%arg15 : memref<3128xf32, #tpu.memory_space<vmem>>) target_semaphore(%run_scoped3A : memref<!tpu.dma_semaphore, #tpu.memory_space<semaphore_mem>>)
      %dma_wait3A = tpu.memref_slice %arg5[%mul3A_0] : memref<50048xf32, #tpu.memory_space<hbm>> -> memref<3128xf32, #tpu.memory_space<hbm>>
      %dma_wait3A_212 = tpu.memref_slice %arg5[%mul3A_0] : memref<50048xf32, #tpu.memory_space<hbm>> -> memref<3128xf32, #tpu.memory_space<hbm>>
      tpu.wait_dma2 semaphore(%run_scoped3A : memref<!tpu.dma_semaphore, #tpu.memory_space<semaphore_mem>>) src(%dma_wait3A_212 : memref<3128xf32, #tpu.memory_space<hbm>>) dst(%arg15 : memref<3128xf32, #tpu.memory_space<vmem>>)
      tpu.yield
    }) : () -> ()
    "tpu.region"() ({
      %run_scoped3A = tpu.sem_alloc : memref<!tpu.dma_semaphore, #tpu.memory_space<semaphore_mem>>
      %dma_start3A = tpu.memref_slice %arg9[%mul3A_0] : memref<50048xf32, #tpu.memory_space<vmem_shared>> -> memref<3128xf32, #tpu.memory_space<vmem_shared>>
      %dma_start3A_211 = tpu.memref_slice %arg9[%mul3A_0] : memref<50048xf32, #tpu.memory_space<vmem_shared>> -> memref<3128xf32, #tpu.memory_space<vmem_shared>>
      tpu.enqueue_dma source(%arg15 : memref<3128xf32, #tpu.memory_space<vmem>>) target(%dma_start3A_211 : memref<3128xf32, #tpu.memory_space<vmem_shared>>) target_semaphore(%run_scoped3A : memref<!tpu.dma_semaphore, #tpu.memory_space<semaphore_mem>>)
      %dma_wait3A = tpu.memref_slice %arg9[%mul3A_0] : memref<50048xf32, #tpu.memory_space<vmem_shared>> -> memref<3128xf32, #tpu.memory_space<vmem_shared>>
      %dma_wait3A_212 = tpu.memref_slice %arg9[%mul3A_0] : memref<50048xf32, #tpu.memory_space<vmem_shared>> -> memref<3128xf32, #tpu.memory_space<vmem_shared>>
      tpu.wait_dma2 semaphore(%run_scoped3A : memref<!tpu.dma_semaphore, #tpu.memory_space<semaphore_mem>>) src(%arg15 : memref<3128xf32, #tpu.memory_space<vmem>>) dst(%dma_wait3A_212 : memref<3128xf32, #tpu.memory_space<vmem_shared>>)
      tpu.yield
    }) : () -> ()
    %broadcast_in_dim3A = arith.constant 1.000000e+00 : f32
    %broadcast_in_dim3A_1 = vector.broadcast %broadcast_in_dim3A : f32 to vector<16xf32>
    %swap3A = arith.constant 0 : index
    %swap3A_2 = tpu.vector_load %arg14[%swap3A] {strides = array<i32>} : memref<512xf32, #tpu.memory_space<vmem>>, vector<16xf32>,
    %swap3A_3 = vector.shape_cast %swap3A_2 : vector<16xf32> to vector<16xf32>
    %swap3A_4 = vector.shape_cast %broadcast_in_dim3A_1 : vector<16xf32> to vector<16xf32>
    tpu.vector_store %arg14[%swap3A], %swap3A_4 {strides = array<i32>} : memref<512xf32, #tpu.memory_space<vmem>>, vector<16xf32>,
    %broadcast_in_dim3A_5 = arith.constant 1.000000e+00 : f32
    %broadcast_in_dim3A_6 = vector.broadcast %broadcast_in_dim3A_5 : f32 to vector<16xf32>
    %swap3A_7 = arith.constant 16 : index
    %swap3A_8 = tpu.vector_load %arg14[%swap3A_7] {strides = array<i32>} : memref<512xf32, #tpu.memory_space<vmem>>, vector<16xf32>,
    %swap3A_9 = vector.shape_cast %swap3A_8 : vector<16xf32> to vector<16xf32>
    %swap3A_10 = vector.shape_cast %broadcast_in_dim3A_6 : vector<16xf32> to vector<16xf32>
    tpu.vector_store %arg14[%swap3A_7], %swap3A_10 {strides = array<i32>} : memref<512xf32, #tpu.memory_space<vmem>>, vector<16xf32>,
    %broadcast_in_dim3A_11 = arith.constant 1.000000e+00 : f32
    %broadcast_in_dim3A_12 = vector.broadcast %broadcast_in_dim3A_11 : f32 to vector<16xf32>
    %swap3A_13 = arith.constant 32 : index
    %swap3A_14 = tpu.vector_load %arg14[%swap3A_13] {strides = array<i32>} : memref<512xf32, #tpu.memory_space<vmem>>, vector<16xf32>,
    %swap3A_15 = vector.shape_cast %swap3A_14 : vector<16xf32> to vector<16xf32>
    %swap3A_16 = vector.shape_cast %broadcast_in_dim3A_12 : vector<16xf32> to vector<16xf32>
    tpu.vector_store %arg14[%swap3A_13], %swap3A_16 {strides = array<i32>} : memref<512xf32, #tpu.memory_space<vmem>>, vector<16xf32>,
    %broadcast_in_dim3A_17 = arith.constant 1.000000e+00 : f32
    %broadcast_in_dim3A_18 = vector.broadcast %broadcast_in_dim3A_17 : f32 to vector<16xf32>
    %swap3A_19 = arith.constant 48 : index
    %swap3A_20 = tpu.vector_load %arg14[%swap3A_19] {strides = array<i32>} : memref<512xf32, #tpu.memory_space<vmem>>, vector<16xf32>,
    %swap3A_21 = vector.shape_cast %swap3A_20 : vector<16xf32> to vector<16xf32>
    %swap3A_22 = vector.shape_cast %broadcast_in_dim3A_18 : vector<16xf32> to vector<16xf32>
    tpu.vector_store %arg14[%swap3A_19], %swap3A_22 {strides = array<i32>} : memref<512xf32, #tpu.memory_space<vmem>>, vector<16xf32>,
    %broadcast_in_dim3A_23 = arith.constant 1.000000e+00 : f32
    %broadcast_in_dim3A_24 = vector.broadcast %broadcast_in_dim3A_23 : f32 to vector<16xf32>
    %swap3A_25 = arith.constant 64 : index
    %swap3A_26 = tpu.vector_load %arg14[%swap3A_25] {strides = array<i32>} : memref<512xf32, #tpu.memory_space<vmem>>, vector<16xf32>,
    %swap3A_27 = vector.shape_cast %swap3A_26 : vector<16xf32> to vector<16xf32>
    %swap3A_28 = vector.shape_cast %broadcast_in_dim3A_24 : vector<16xf32> to vector<16xf32>
    tpu.vector_store %arg14[%swap3A_25], %swap3A_28 {strides = array<i32>} : memref<512xf32, #tpu.memory_space<vmem>>, vector<16xf32>,
    %broadcast_in_dim3A_29 = arith.constant 1.000000e+00 : f32
    %broadcast_in_dim3A_30 = vector.broadcast %broadcast_in_dim3A_29 : f32 to vector<16xf32>
    %swap3A_31 = arith.constant 80 : index
    %swap3A_32 = tpu.vector_load %arg14[%swap3A_31] {strides = array<i32>} : memref<512xf32, #tpu.memory_space<vmem>>, vector<16xf32>,
    %swap3A_33 = vector.shape_cast %swap3A_32 : vector<16xf32> to vector<16xf32>
    %swap3A_34 = vector.shape_cast %broadcast_in_dim3A_30 : vector<16xf32> to vector<16xf32>
    tpu.vector_store %arg14[%swap3A_31], %swap3A_34 {strides = array<i32>} : memref<512xf32, #tpu.memory_space<vmem>>, vector<16xf32>,
    %broadcast_in_dim3A_35 = arith.constant 1.000000e+00 : f32
    %broadcast_in_dim3A_36 = vector.broadcast %broadcast_in_dim3A_35 : f32 to vector<16xf32>
    %swap3A_37 = arith.constant 96 : index
    %swap3A_38 = tpu.vector_load %arg14[%swap3A_37] {strides = array<i32>} : memref<512xf32, #tpu.memory_space<vmem>>, vector<16xf32>,
    %swap3A_39 = vector.shape_cast %swap3A_38 : vector<16xf32> to vector<16xf32>
    %swap3A_40 = vector.shape_cast %broadcast_in_dim3A_36 : vector<16xf32> to vector<16xf32>
    tpu.vector_store %arg14[%swap3A_37], %swap3A_40 {strides = array<i32>} : memref<512xf32, #tpu.memory_space<vmem>>, vector<16xf32>,
    %broadcast_in_dim3A_41 = arith.constant 1.000000e+00 : f32
    %broadcast_in_dim3A_42 = vector.broadcast %broadcast_in_dim3A_41 : f32 to vector<16xf32>
    %swap3A_43 = arith.constant 112 : index
    %swap3A_44 = tpu.vector_load %arg14[%swap3A_43] {strides = array<i32>} : memref<512xf32, #tpu.memory_space<vmem>>, vector<16xf32>,
    %swap3A_45 = vector.shape_cast %swap3A_44 : vector<16xf32> to vector<16xf32>
    %swap3A_46 = vector.shape_cast %broadcast_in_dim3A_42 : vector<16xf32> to vector<16xf32>
    tpu.vector_store %arg14[%swap3A_43], %swap3A_46 {strides = array<i32>} : memref<512xf32, #tpu.memory_space<vmem>>, vector<16xf32>,
    %broadcast_in_dim3A_47 = arith.constant 1.000000e+00 : f32
    %broadcast_in_dim3A_48 = vector.broadcast %broadcast_in_dim3A_47 : f32 to vector<16xf32>
    %swap3A_49 = arith.constant 128 : index
    %swap3A_50 = tpu.vector_load %arg14[%swap3A_49] {strides = array<i32>} : memref<512xf32, #tpu.memory_space<vmem>>, vector<16xf32>,
    %swap3A_51 = vector.shape_cast %swap3A_50 : vector<16xf32> to vector<16xf32>
    %swap3A_52 = vector.shape_cast %broadcast_in_dim3A_48 : vector<16xf32> to vector<16xf32>
    tpu.vector_store %arg14[%swap3A_49], %swap3A_52 {strides = array<i32>} : memref<512xf32, #tpu.memory_space<vmem>>, vector<16xf32>,
    %broadcast_in_dim3A_53 = arith.constant 1.000000e+00 : f32
    %broadcast_in_dim3A_54 = vector.broadcast %broadcast_in_dim3A_53 : f32 to vector<16xf32>
    %swap3A_55 = arith.constant 144 : index
    %swap3A_56 = tpu.vector_load %arg14[%swap3A_55] {strides = array<i32>} : memref<512xf32, #tpu.memory_space<vmem>>, vector<16xf32>,
    %swap3A_57 = vector.shape_cast %swap3A_56 : vector<16xf32> to vector<16xf32>
    %swap3A_58 = vector.shape_cast %broadcast_in_dim3A_54 : vector<16xf32> to vector<16xf32>
    tpu.vector_store %arg14[%swap3A_55], %swap3A_58 {strides = array<i32>} : memref<512xf32, #tpu.memory_space<vmem>>, vector<16xf32>,
    %broadcast_in_dim3A_59 = arith.constant 1.000000e+00 : f32
    %broadcast_in_dim3A_60 = vector.broadcast %broadcast_in_dim3A_59 : f32 to vector<16xf32>
    %swap3A_61 = arith.constant 160 : index
    %swap3A_62 = tpu.vector_load %arg14[%swap3A_61] {strides = array<i32>} : memref<512xf32, #tpu.memory_space<vmem>>, vector<16xf32>,
    %swap3A_63 = vector.shape_cast %swap3A_62 : vector<16xf32> to vector<16xf32>
    %swap3A_64 = vector.shape_cast %broadcast_in_dim3A_60 : vector<16xf32> to vector<16xf32>
    tpu.vector_store %arg14[%swap3A_61], %swap3A_64 {strides = array<i32>} : memref<512xf32, #tpu.memory_space<vmem>>, vector<16xf32>,
    %broadcast_in_dim3A_65 = arith.constant 1.000000e+00 : f32
    %broadcast_in_dim3A_66 = vector.broadcast %broadcast_in_dim3A_65 : f32 to vector<16xf32>
    %swap3A_67 = arith.constant 176 : index
    %swap3A_68 = tpu.vector_load %arg14[%swap3A_67] {strides = array<i32>} : memref<512xf32, #tpu.memory_space<vmem>>, vector<16xf32>,
    %swap3A_69 = vector.shape_cast %swap3A_68 : vector<16xf32> to vector<16xf32>
    %swap3A_70 = vector.shape_cast %broadcast_in_dim3A_66 : vector<16xf32> to vector<16xf32>
    tpu.vector_store %arg14[%swap3A_67], %swap3A_70 {strides = array<i32>} : memref<512xf32, #tpu.memory_space<vmem>>, vector<16xf32>,
    %broadcast_in_dim3A_71 = arith.constant 1.000000e+00 : f32
    %broadcast_in_dim3A_72 = vector.broadcast %broadcast_in_dim3A_71 : f32 to vector<16xf32>
    %swap3A_73 = arith.constant 192 : index
    %swap3A_74 = tpu.vector_load %arg14[%swap3A_73] {strides = array<i32>} : memref<512xf32, #tpu.memory_space<vmem>>, vector<16xf32>,
    %swap3A_75 = vector.shape_cast %swap3A_74 : vector<16xf32> to vector<16xf32>
    %swap3A_76 = vector.shape_cast %broadcast_in_dim3A_72 : vector<16xf32> to vector<16xf32>
    tpu.vector_store %arg14[%swap3A_73], %swap3A_76 {strides = array<i32>} : memref<512xf32, #tpu.memory_space<vmem>>, vector<16xf32>,
    %broadcast_in_dim3A_77 = arith.constant 1.000000e+00 : f32
    %broadcast_in_dim3A_78 = vector.broadcast %broadcast_in_dim3A_77 : f32 to vector<16xf32>
    %swap3A_79 = arith.constant 208 : index
    %swap3A_80 = tpu.vector_load %arg14[%swap3A_79] {strides = array<i32>} : memref<512xf32, #tpu.memory_space<vmem>>, vector<16xf32>,
    %swap3A_81 = vector.shape_cast %swap3A_80 : vector<16xf32> to vector<16xf32>
    %swap3A_82 = vector.shape_cast %broadcast_in_dim3A_78 : vector<16xf32> to vector<16xf32>
    tpu.vector_store %arg14[%swap3A_79], %swap3A_82 {strides = array<i32>} : memref<512xf32, #tpu.memory_space<vmem>>, vector<16xf32>,
    %broadcast_in_dim3A_83 = arith.constant 1.000000e+00 : f32
    %broadcast_in_dim3A_84 = vector.broadcast %broadcast_in_dim3A_83 : f32 to vector<16xf32>
    %swap3A_85 = arith.constant 224 : index
    %swap3A_86 = tpu.vector_load %arg14[%swap3A_85] {strides = array<i32>} : memref<512xf32, #tpu.memory_space<vmem>>, vector<16xf32>,
    %swap3A_87 = vector.shape_cast %swap3A_86 : vector<16xf32> to vector<16xf32>
    %swap3A_88 = vector.shape_cast %broadcast_in_dim3A_84 : vector<16xf32> to vector<16xf32>
    tpu.vector_store %arg14[%swap3A_85], %swap3A_88 {strides = array<i32>} : memref<512xf32, #tpu.memory_space<vmem>>, vector<16xf32>,
    %broadcast_in_dim3A_89 = arith.constant 1.000000e+00 : f32
    %broadcast_in_dim3A_90 = vector.broadcast %broadcast_in_dim3A_89 : f32 to vector<16xf32>
    %swap3A_91 = arith.constant 240 : index
    %swap3A_92 = tpu.vector_load %arg14[%swap3A_91] {strides = array<i32>} : memref<512xf32, #tpu.memory_space<vmem>>, vector<16xf32>,
    %swap3A_93 = vector.shape_cast %swap3A_92 : vector<16xf32> to vector<16xf32>
    %swap3A_94 = vector.shape_cast %broadcast_in_dim3A_90 : vector<16xf32> to vector<16xf32>
    tpu.vector_store %arg14[%swap3A_91], %swap3A_94 {strides = array<i32>} : memref<512xf32, #tpu.memory_space<vmem>>, vector<16xf32>,
    %broadcast_in_dim3A_95 = arith.constant 1.000000e+00 : f32
    %broadcast_in_dim3A_96 = vector.broadcast %broadcast_in_dim3A_95 : f32 to vector<16xf32>
    %swap3A_97 = arith.constant 256 : index
    %swap3A_98 = tpu.vector_load %arg14[%swap3A_97] {strides = array<i32>} : memref<512xf32, #tpu.memory_space<vmem>>, vector<16xf32>,
    %swap3A_99 = vector.shape_cast %swap3A_98 : vector<16xf32> to vector<16xf32>
    %swap3A_100 = vector.shape_cast %broadcast_in_dim3A_96 : vector<16xf32> to vector<16xf32>
    tpu.vector_store %arg14[%swap3A_97], %swap3A_100 {strides = array<i32>} : memref<512xf32, #tpu.memory_space<vmem>>, vector<16xf32>,
    %broadcast_in_dim3A_101 = arith.constant 1.000000e+00 : f32
    %broadcast_in_dim3A_102 = vector.broadcast %broadcast_in_dim3A_101 : f32 to vector<16xf32>
    %swap3A_103 = arith.constant 272 : index
    %swap3A_104 = tpu.vector_load %arg14[%swap3A_103] {strides = array<i32>} : memref<512xf32, #tpu.memory_space<vmem>>, vector<16xf32>,
    %swap3A_105 = vector.shape_cast %swap3A_104 : vector<16xf32> to vector<16xf32>
    %swap3A_106 = vector.shape_cast %broadcast_in_dim3A_102 : vector<16xf32> to vector<16xf32>
    tpu.vector_store %arg14[%swap3A_103], %swap3A_106 {strides = array<i32>} : memref<512xf32, #tpu.memory_space<vmem>>, vector<16xf32>,
    %broadcast_in_dim3A_107 = arith.constant 1.000000e+00 : f32
    %broadcast_in_dim3A_108 = vector.broadcast %broadcast_in_dim3A_107 : f32 to vector<16xf32>
    %swap3A_109 = arith.constant 288 : index
    %swap3A_110 = tpu.vector_load %arg14[%swap3A_109] {strides = array<i32>} : memref<512xf32, #tpu.memory_space<vmem>>, vector<16xf32>,
    %swap3A_111 = vector.shape_cast %swap3A_110 : vector<16xf32> to vector<16xf32>
    %swap3A_112 = vector.shape_cast %broadcast_in_dim3A_108 : vector<16xf32> to vector<16xf32>
    tpu.vector_store %arg14[%swap3A_109], %swap3A_112 {strides = array<i32>} : memref<512xf32, #tpu.memory_space<vmem>>, vector<16xf32>,
    %broadcast_in_dim3A_113 = arith.constant 1.000000e+00 : f32
    %broadcast_in_dim3A_114 = vector.broadcast %broadcast_in_dim3A_113 : f32 to vector<16xf32>
    %swap3A_115 = arith.constant 304 : index
    %swap3A_116 = tpu.vector_load %arg14[%swap3A_115] {strides = array<i32>} : memref<512xf32, #tpu.memory_space<vmem>>, vector<16xf32>,
    %swap3A_117 = vector.shape_cast %swap3A_116 : vector<16xf32> to vector<16xf32>
    %swap3A_118 = vector.shape_cast %broadcast_in_dim3A_114 : vector<16xf32> to vector<16xf32>
    tpu.vector_store %arg14[%swap3A_115], %swap3A_118 {strides = array<i32>} : memref<512xf32, #tpu.memory_space<vmem>>, vector<16xf32>,
    %broadcast_in_dim3A_119 = arith.constant 1.000000e+00 : f32
    %broadcast_in_dim3A_120 = vector.broadcast %broadcast_in_dim3A_119 : f32 to vector<16xf32>
    %swap3A_121 = arith.constant 320 : index
    %swap3A_122 = tpu.vector_load %arg14[%swap3A_121] {strides = array<i32>} : memref<512xf32, #tpu.memory_space<vmem>>, vector<16xf32>,
    %swap3A_123 = vector.shape_cast %swap3A_122 : vector<16xf32> to vector<16xf32>
    %swap3A_124 = vector.shape_cast %broadcast_in_dim3A_120 : vector<16xf32> to vector<16xf32>
    tpu.vector_store %arg14[%swap3A_121], %swap3A_124 {strides = array<i32>} : memref<512xf32, #tpu.memory_space<vmem>>, vector<16xf32>,
    %broadcast_in_dim3A_125 = arith.constant 1.000000e+00 : f32
    %broadcast_in_dim3A_126 = vector.broadcast %broadcast_in_dim3A_125 : f32 to vector<16xf32>
    %swap3A_127 = arith.constant 336 : index
    %swap3A_128 = tpu.vector_load %arg14[%swap3A_127] {strides = array<i32>} : memref<512xf32, #tpu.memory_space<vmem>>, vector<16xf32>,
    %swap3A_129 = vector.shape_cast %swap3A_128 : vector<16xf32> to vector<16xf32>
    %swap3A_130 = vector.shape_cast %broadcast_in_dim3A_126 : vector<16xf32> to vector<16xf32>
    tpu.vector_store %arg14[%swap3A_127], %swap3A_130 {strides = array<i32>} : memref<512xf32, #tpu.memory_space<vmem>>, vector<16xf32>,
    %broadcast_in_dim3A_131 = arith.constant 1.000000e+00 : f32
    %broadcast_in_dim3A_132 = vector.broadcast %broadcast_in_dim3A_131 : f32 to vector<16xf32>
    %swap3A_133 = arith.constant 352 : index
    %swap3A_134 = tpu.vector_load %arg14[%swap3A_133] {strides = array<i32>} : memref<512xf32, #tpu.memory_space<vmem>>, vector<16xf32>,
    %swap3A_135 = vector.shape_cast %swap3A_134 : vector<16xf32> to vector<16xf32>
    %swap3A_136 = vector.shape_cast %broadcast_in_dim3A_132 : vector<16xf32> to vector<16xf32>
    tpu.vector_store %arg14[%swap3A_133], %swap3A_136 {strides = array<i32>} : memref<512xf32, #tpu.memory_space<vmem>>, vector<16xf32>,
    %broadcast_in_dim3A_137 = arith.constant 1.000000e+00 : f32
    %broadcast_in_dim3A_138 = vector.broadcast %broadcast_in_dim3A_137 : f32 to vector<16xf32>
    %swap3A_139 = arith.constant 368 : index
    %swap3A_140 = tpu.vector_load %arg14[%swap3A_139] {strides = array<i32>} : memref<512xf32, #tpu.memory_space<vmem>>, vector<16xf32>,
    %swap3A_141 = vector.shape_cast %swap3A_140 : vector<16xf32> to vector<16xf32>
    %swap3A_142 = vector.shape_cast %broadcast_in_dim3A_138 : vector<16xf32> to vector<16xf32>
    tpu.vector_store %arg14[%swap3A_139], %swap3A_142 {strides = array<i32>} : memref<512xf32, #tpu.memory_space<vmem>>, vector<16xf32>,
    %broadcast_in_dim3A_143 = arith.constant 1.000000e+00 : f32
    %broadcast_in_dim3A_144 = vector.broadcast %broadcast_in_dim3A_143 : f32 to vector<16xf32>
    %swap3A_145 = arith.constant 384 : index
    %swap3A_146 = tpu.vector_load %arg14[%swap3A_145] {strides = array<i32>} : memref<512xf32, #tpu.memory_space<vmem>>, vector<16xf32>,
    %swap3A_147 = vector.shape_cast %swap3A_146 : vector<16xf32> to vector<16xf32>
    %swap3A_148 = vector.shape_cast %broadcast_in_dim3A_144 : vector<16xf32> to vector<16xf32>
    tpu.vector_store %arg14[%swap3A_145], %swap3A_148 {strides = array<i32>} : memref<512xf32, #tpu.memory_space<vmem>>, vector<16xf32>,
    %broadcast_in_dim3A_149 = arith.constant 1.000000e+00 : f32
    %broadcast_in_dim3A_150 = vector.broadcast %broadcast_in_dim3A_149 : f32 to vector<16xf32>
    %swap3A_151 = arith.constant 400 : index
    %swap3A_152 = tpu.vector_load %arg14[%swap3A_151] {strides = array<i32>} : memref<512xf32, #tpu.memory_space<vmem>>, vector<16xf32>,
    %swap3A_153 = vector.shape_cast %swap3A_152 : vector<16xf32> to vector<16xf32>
    %swap3A_154 = vector.shape_cast %broadcast_in_dim3A_150 : vector<16xf32> to vector<16xf32>
    tpu.vector_store %arg14[%swap3A_151], %swap3A_154 {strides = array<i32>} : memref<512xf32, #tpu.memory_space<vmem>>, vector<16xf32>,
    %broadcast_in_dim3A_155 = arith.constant 1.000000e+00 : f32
    %broadcast_in_dim3A_156 = vector.broadcast %broadcast_in_dim3A_155 : f32 to vector<16xf32>
    %swap3A_157 = arith.constant 416 : index
    %swap3A_158 = tpu.vector_load %arg14[%swap3A_157] {strides = array<i32>} : memref<512xf32, #tpu.memory_space<vmem>>, vector<16xf32>,
    %swap3A_159 = vector.shape_cast %swap3A_158 : vector<16xf32> to vector<16xf32>
    %swap3A_160 = vector.shape_cast %broadcast_in_dim3A_156 : vector<16xf32> to vector<16xf32>
    tpu.vector_store %arg14[%swap3A_157], %swap3A_160 {strides = array<i32>} : memref<512xf32, #tpu.memory_space<vmem>>, vector<16xf32>,
    %broadcast_in_dim3A_161 = arith.constant 1.000000e+00 : f32
    %broadcast_in_dim3A_162 = vector.broadcast %broadcast_in_dim3A_161 : f32 to vector<16xf32>
    %swap3A_163 = arith.constant 432 : index
    %swap3A_164 = tpu.vector_load %arg14[%swap3A_163] {strides = array<i32>} : memref<512xf32, #tpu.memory_space<vmem>>, vector<16xf32>,
    %swap3A_165 = vector.shape_cast %swap3A_164 : vector<16xf32> to vector<16xf32>
    %swap3A_166 = vector.shape_cast %broadcast_in_dim3A_162 : vector<16xf32> to vector<16xf32>
    tpu.vector_store %arg14[%swap3A_163], %swap3A_166 {strides = array<i32>} : memref<512xf32, #tpu.memory_space<vmem>>, vector<16xf32>,
    %broadcast_in_dim3A_167 = arith.constant 1.000000e+00 : f32
    %broadcast_in_dim3A_168 = vector.broadcast %broadcast_in_dim3A_167 : f32 to vector<16xf32>
    %swap3A_169 = arith.constant 448 : index
    %swap3A_170 = tpu.vector_load %arg14[%swap3A_169] {strides = array<i32>} : memref<512xf32, #tpu.memory_space<vmem>>, vector<16xf32>,
    %swap3A_171 = vector.shape_cast %swap3A_170 : vector<16xf32> to vector<16xf32>
    %swap3A_172 = vector.shape_cast %broadcast_in_dim3A_168 : vector<16xf32> to vector<16xf32>
    tpu.vector_store %arg14[%swap3A_169], %swap3A_172 {strides = array<i32>} : memref<512xf32, #tpu.memory_space<vmem>>, vector<16xf32>,
    %broadcast_in_dim3A_173 = arith.constant 1.000000e+00 : f32
    %broadcast_in_dim3A_174 = vector.broadcast %broadcast_in_dim3A_173 : f32 to vector<16xf32>
    %swap3A_175 = arith.constant 464 : index
    %swap3A_176 = tpu.vector_load %arg14[%swap3A_175] {strides = array<i32>} : memref<512xf32, #tpu.memory_space<vmem>>, vector<16xf32>,
    %swap3A_177 = vector.shape_cast %swap3A_176 : vector<16xf32> to vector<16xf32>
    %swap3A_178 = vector.shape_cast %broadcast_in_dim3A_174 : vector<16xf32> to vector<16xf32>
    tpu.vector_store %arg14[%swap3A_175], %swap3A_178 {strides = array<i32>} : memref<512xf32, #tpu.memory_space<vmem>>, vector<16xf32>,
    %broadcast_in_dim3A_179 = arith.constant 1.000000e+00 : f32
    %broadcast_in_dim3A_180 = vector.broadcast %broadcast_in_dim3A_179 : f32 to vector<16xf32>
    %swap3A_181 = arith.constant 480 : index
    %swap3A_182 = tpu.vector_load %arg14[%swap3A_181] {strides = array<i32>} : memref<512xf32, #tpu.memory_space<vmem>>, vector<16xf32>,
    %swap3A_183 = vector.shape_cast %swap3A_182 : vector<16xf32> to vector<16xf32>
    %swap3A_184 = vector.shape_cast %broadcast_in_dim3A_180 : vector<16xf32> to vector<16xf32>
    tpu.vector_store %arg14[%swap3A_181], %swap3A_184 {strides = array<i32>} : memref<512xf32, #tpu.memory_space<vmem>>, vector<16xf32>,
    %broadcast_in_dim3A_185 = arith.constant 1.000000e+00 : f32
    %broadcast_in_dim3A_186 = vector.broadcast %broadcast_in_dim3A_185 : f32 to vector<16xf32>
    %swap3A_187 = arith.constant 496 : index
    %swap3A_188 = tpu.vector_load %arg14[%swap3A_187] {strides = array<i32>} : memref<512xf32, #tpu.memory_space<vmem>>, vector<16xf32>,
    %swap3A_189 = vector.shape_cast %swap3A_188 : vector<16xf32> to vector<16xf32>
    %swap3A_190 = vector.shape_cast %broadcast_in_dim3A_186 : vector<16xf32> to vector<16xf32>
    tpu.vector_store %arg14[%swap3A_187], %swap3A_190 {strides = array<i32>} : memref<512xf32, #tpu.memory_space<vmem>>, vector<16xf32>,
    %barrier3A = arith.constant 0 : index
    tpu.barrier barrier_id(%barrier3A)
    %mul3A_191 = arith.constant 16 : i32
    %mul3A_192 = arith.muli %arg0, %mul3A_191 : i32
    %add3A = arith.addi %mul3A_192, %arg1 : i32
    %mul3A_193 = arith.constant 20 : i32
    %mul3A_194 = arith.muli %add3A, %mul3A_193 : i32
    %mul3A_195 = arith.constant 2 : i32
    %mul3A_196 = arith.muli %mul3A_194, %mul3A_195 : i32
    %mul3A_197 = arith.constant 5 : i32
    %mul3A_198 = arith.muli %mul3A_196, %mul3A_197 : i32
    "tpu.region"() ({
      %run_scoped3A = tpu.sem_alloc : memref<!tpu.dma_semaphore, #tpu.memory_space<semaphore_mem>>
      %dma_start3A = arith.constant 0 : i32
      %dma_start3A_211 = tpu.memref_slice %arg3[%mul3A_198, %dma_start3A] : memref<6410x512xi32, #tpu.memory_space<hbm>> -> memref<10x512xi32, #tpu.memory_space<hbm>>
      %dma_start3A_212 = arith.constant 0 : i32
      %dma_start3A_213 = tpu.memref_slice %arg3[%mul3A_198, %dma_start3A_212] : memref<6410x512xi32, #tpu.memory_space<hbm>> -> memref<10x512xi32, #tpu.memory_space<hbm>>
      tpu.enqueue_dma source(%dma_start3A_213 : memref<10x512xi32, #tpu.memory_space<hbm>>) target(%arg10 : memref<10x512xi32, #tpu.memory_space<vmem>>) target_semaphore(%run_scoped3A : memref<!tpu.dma_semaphore, #tpu.memory_space<semaphore_mem>>)
      %dma_wait3A = arith.constant 0 : i32
      %dma_wait3A_214 = tpu.memref_slice %arg3[%mul3A_198, %dma_wait3A] : memref<6410x512xi32, #tpu.memory_space<hbm>> -> memref<10x512xi32, #tpu.memory_space<hbm>>
      %dma_wait3A_215 = arith.constant 0 : i32
      %dma_wait3A_216 = tpu.memref_slice %arg3[%mul3A_198, %dma_wait3A_215] : memref<6410x512xi32, #tpu.memory_space<hbm>> -> memref<10x512xi32, #tpu.memory_space<hbm>>
      tpu.wait_dma2 semaphore(%run_scoped3A : memref<!tpu.dma_semaphore, #tpu.memory_space<semaphore_mem>>) src(%dma_wait3A_216 : memref<10x512xi32, #tpu.memory_space<hbm>>) dst(%arg10 : memref<10x512xi32, #tpu.memory_space<vmem>>)
      tpu.yield
    }) : () -> ()
    %scan3A = arith.constant 0 : i32
    %scan3A_199 = arith.constant 0 : i32
    %scan3A_200 = arith.constant 10 : i32
    %scan3A_201 = arith.addi %scan3A_199, %scan3A_200 : i32
    %scan3A_202 = arith.constant 1 : i32
    scf.for %scan3A_211 = %scan3A_199 to %scan3A_201 step %scan3A_202  : i32 {
      %mul3A_212 = arith.constant 2 : i32
      %mul3A_213 = arith.muli %mul3A_212, %scan3A_211 : i32
      %add3A_214 = arith.constant 1 : i32
      %add3A_215 = arith.addi %mul3A_213, %add3A_214 : i32
      %mul3A_216 = arith.constant 2 : i32
      %mul3A_217 = arith.muli %add3A_215, %mul3A_216 : i32
      %mul3A_218 = arith.constant 5 : i32
      %mul3A_219 = arith.muli %mul3A_217, %mul3A_218 : i32
      %add3A_220 = arith.addi %mul3A_198, %mul3A_219 : i32
      %dma_start3A = arith.constant 0 : i32
      %dma_start3A_221 = tpu.memref_slice %arg3[%add3A_220, %dma_start3A] : memref<6410x512xi32, #tpu.memory_space<hbm>> -> memref<10x512xi32, #tpu.memory_space<hbm>>
      %dma_start3A_222 = arith.constant 0 : i32
      %dma_start3A_223 = tpu.memref_slice %arg3[%add3A_220, %dma_start3A_222] : memref<6410x512xi32, #tpu.memory_space<hbm>> -> memref<10x512xi32, #tpu.memory_space<hbm>>
      tpu.enqueue_dma source(%dma_start3A_223 : memref<10x512xi32, #tpu.memory_space<hbm>>) target(%arg11 : memref<10x512xi32, #tpu.memory_space<vmem>>) target_semaphore(%arg20 : memref<!tpu.dma_semaphore, #tpu.memory_space<semaphore_mem>>)
      %dma_start3A_224 = arith.constant 0 : i32
      %dma_start3A_225 = arith.constant 0 : i32
      %dma_start3A_226 = tpu.memref_slice %arg10[%dma_start3A_224, %dma_start3A_225] : memref<10x512xi32, #tpu.memory_space<vmem>> -> memref<1x512xi32, #tpu.memory_space<vmem>>
      %dma_start3A_227 = tpu.memref_squeeze %dma_start3A_226 : memref<1x512xi32, #tpu.memory_space<vmem>> -> memref<512xi32, #tpu.memory_space<vmem>>
      %dma_start3A_228 = arith.constant 0 : i32
      %dma_start3A_229 = arith.constant 0 : i32
      %dma_start3A_230 = tpu.memref_slice %arg2[%dma_start3A_228, %dma_start3A_229] : memref<100096x32xbf16, #tpu.memory_space<hbm>> -> memref<100096x32xbf16, #tpu.memory_space<hbm>>
      tpu.enqueue_indirect_dma source(%dma_start3A_230 : memref<100096x32xbf16, #tpu.memory_space<hbm>>) target(%arg12 : memref<512x32xbf16, #tpu.memory_space<vmem>>) offsets(%dma_start3A_227 : memref<512xi32, #tpu.memory_space<vmem>>) semaphore(%arg16 : memref<!tpu.dma_semaphore, #tpu.memory_space<semaphore_mem>>)
      %dma_wait3A = arith.constant 0 : i32
      %dma_wait3A_231 = arith.constant 0 : i32
      %dma_wait3A_232 = tpu.memref_slice %arg10[%dma_wait3A, %dma_wait3A_231] : memref<10x512xi32, #tpu.memory_space<vmem>> -> memref<1x512xi32, #tpu.memory_space<vmem>>
      %dma_wait3A_233 = tpu.memref_squeeze %dma_wait3A_232 : memref<1x512xi32, #tpu.memory_space<vmem>> -> memref<512xi32, #tpu.memory_space<vmem>>
      %dma_wait3A_234 = arith.constant 0 : i32
      %dma_wait3A_235 = arith.constant 0 : i32
      %dma_wait3A_236 = tpu.memref_slice %arg2[%dma_wait3A_234, %dma_wait3A_235] : memref<100096x32xbf16, #tpu.memory_space<hbm>> -> memref<100096x32xbf16, #tpu.memory_space<hbm>>
      tpu.wait_indirect_dma semaphore(%arg16 : memref<!tpu.dma_semaphore, #tpu.memory_space<semaphore_mem>>) src(%dma_wait3A_236 : memref<100096x32xbf16, #tpu.memory_space<hbm>>) dst(%arg12 : memref<512x32xbf16, #tpu.memory_space<vmem>>)
      %dma_start3A_237 = arith.constant 1 : i32
      %dma_start3A_238 = arith.constant 0 : i32
      %dma_start3A_239 = tpu.memref_slice %arg10[%dma_start3A_237, %dma_start3A_238] : memref<10x512xi32, #tpu.memory_space<vmem>> -> memref<1x512xi32, #tpu.memory_space<vmem>>
      %dma_start3A_240 = tpu.memref_squeeze %dma_start3A_239 : memref<1x512xi32, #tpu.memory_space<vmem>> -> memref<512xi32, #tpu.memory_space<vmem>>
      %dma_start3A_241 = arith.constant 0 : i32
      %dma_start3A_242 = arith.constant 0 : i32
      %dma_start3A_243 = tpu.memref_slice %arg8[%dma_start3A_241, %dma_start3A_242] : memref<50048x32xbf16, #tpu.memory_space<vmem_shared>> -> memref<50048x32xbf16, #tpu.memory_space<vmem_shared>>
      tpu.enqueue_indirect_dma source(%arg12 : memref<512x32xbf16, #tpu.memory_space<vmem>>) target(%dma_start3A_243 : memref<50048x32xbf16, #tpu.memory_space<vmem_shared>>) offsets(%dma_start3A_240 : memref<512xi32, #tpu.memory_space<vmem>>) semaphore(%arg18 : memref<!tpu.dma_semaphore, #tpu.memory_space<semaphore_mem>>) {add = true}
      %eq3A = arith.constant 0 : i32
      %eq3A_244 = arith.cmpi eq, %arg0, %eq3A : i32
      %convert_element_type3A = arith.extui %eq3A_244 : i1 to i32
      %cond3A = arith.constant 0 : i32
      %cond3A_245 = arith.cmpi ne, %convert_element_type3A, %cond3A : i32
      scf.if %cond3A_245 {
        %dma_start3A_623 = arith.constant 1 : i32
        %dma_start3A_624 = arith.constant 0 : i32
        %dma_start3A_625 = tpu.memref_slice %arg10[%dma_start3A_623, %dma_start3A_624] : memref<10x512xi32, #tpu.memory_space<vmem>> -> memref<1x512xi32, #tpu.memory_space<vmem>>
        %dma_start3A_626 = tpu.memref_squeeze %dma_start3A_625 : memref<1x512xi32, #tpu.memory_space<vmem>> -> memref<512xi32, #tpu.memory_space<vmem>>
        %dma_start3A_627 = arith.constant 0 : i32
        %dma_start3A_628 = tpu.memref_slice %arg9[%dma_start3A_627] : memref<50048xf32, #tpu.memory_space<vmem_shared>> -> memref<50048xf32, #tpu.memory_space<vmem_shared>>
        tpu.enqueue_indirect_dma source(%arg14 : memref<512xf32, #tpu.memory_space<vmem>>) target(%dma_start3A_628 : memref<50048xf32, #tpu.memory_space<vmem_shared>>) offsets(%dma_start3A_626 : memref<512xi32, #tpu.memory_space<vmem>>) semaphore(%arg21 : memref<!tpu.dma_semaphore, #tpu.memory_space<semaphore_mem>>) {add = true}
      } else {
      }
      %dma_start3A_246 = arith.constant 2 : i32
      %dma_start3A_247 = arith.constant 0 : i32
      %dma_start3A_248 = tpu.memref_slice %arg10[%dma_start3A_246, %dma_start3A_247] : memref<10x512xi32, #tpu.memory_space<vmem>> -> memref<1x512xi32, #tpu.memory_space<vmem>>
      %dma_start3A_249 = tpu.memref_squeeze %dma_start3A_248 : memref<1x512xi32, #tpu.memory_space<vmem>> -> memref<512xi32, #tpu.memory_space<vmem>>
      %dma_start3A_250 = arith.constant 0 : i32
      %dma_start3A_251 = arith.constant 0 : i32
      %dma_start3A_252 = tpu.memref_slice %arg2[%dma_start3A_250, %dma_start3A_251] : memref<100096x32xbf16, #tpu.memory_space<hbm>> -> memref<100096x32xbf16, #tpu.memory_space<hbm>>
      tpu.enqueue_indirect_dma source(%dma_start3A_252 : memref<100096x32xbf16, #tpu.memory_space<hbm>>) target(%arg13 : memref<512x32xbf16, #tpu.memory_space<vmem>>) offsets(%dma_start3A_249 : memref<512xi32, #tpu.memory_space<vmem>>) semaphore(%arg17 : memref<!tpu.dma_semaphore, #tpu.memory_space<semaphore_mem>>)
      %dma_wait3A_253 = arith.constant 2 : i32
      %dma_wait3A_254 = arith.constant 0 : i32
      %dma_wait3A_255 = tpu.memref_slice %arg10[%dma_wait3A_253, %dma_wait3A_254] : memref<10x512xi32, #tpu.memory_space<vmem>> -> memref<1x512xi32, #tpu.memory_space<vmem>>
      %dma_wait3A_256 = tpu.memref_squeeze %dma_wait3A_255 : memref<1x512xi32, #tpu.memory_space<vmem>> -> memref<512xi32, #tpu.memory_space<vmem>>
      %dma_wait3A_257 = arith.constant 0 : i32
      %dma_wait3A_258 = arith.constant 0 : i32
      %dma_wait3A_259 = tpu.memref_slice %arg2[%dma_wait3A_257, %dma_wait3A_258] : memref<100096x32xbf16, #tpu.memory_space<hbm>> -> memref<100096x32xbf16, #tpu.memory_space<hbm>>
      tpu.wait_indirect_dma semaphore(%arg17 : memref<!tpu.dma_semaphore, #tpu.memory_space<semaphore_mem>>) src(%dma_wait3A_259 : memref<100096x32xbf16, #tpu.memory_space<hbm>>) dst(%arg13 : memref<512x32xbf16, #tpu.memory_space<vmem>>)
      %dma_start3A_260 = arith.constant 3 : i32
      %dma_start3A_261 = arith.constant 0 : i32
      %dma_start3A_262 = tpu.memref_slice %arg10[%dma_start3A_260, %dma_start3A_261] : memref<10x512xi32, #tpu.memory_space<vmem>> -> memref<1x512xi32, #tpu.memory_space<vmem>>
      %dma_start3A_263 = tpu.memref_squeeze %dma_start3A_262 : memref<1x512xi32, #tpu.memory_space<vmem>> -> memref<512xi32, #tpu.memory_space<vmem>>
      %dma_start3A_264 = arith.constant 0 : i32
      %dma_start3A_265 = arith.constant 0 : i32
      %dma_start3A_266 = tpu.memref_slice %arg8[%dma_start3A_264, %dma_start3A_265] : memref<50048x32xbf16, #tpu.memory_space<vmem_shared>> -> memref<50048x32xbf16, #tpu.memory_space<vmem_shared>>
      tpu.enqueue_indirect_dma source(%arg13 : memref<512x32xbf16, #tpu.memory_space<vmem>>) target(%dma_start3A_266 : memref<50048x32xbf16, #tpu.memory_space<vmem_shared>>) offsets(%dma_start3A_263 : memref<512xi32, #tpu.memory_space<vmem>>) semaphore(%arg19 : memref<!tpu.dma_semaphore, #tpu.memory_space<semaphore_mem>>) {add = true}
      %eq3A_267 = arith.constant 1 : i32
      %eq3A_268 = arith.cmpi eq, %arg0, %eq3A_267 : i32
      %convert_element_type3A_269 = arith.extui %eq3A_268 : i1 to i32
      %cond3A_270 = arith.constant 0 : i32
      %cond3A_271 = arith.cmpi ne, %convert_element_type3A_269, %cond3A_270 : i32
      scf.if %cond3A_271 {
        %dma_start3A_623 = arith.constant 3 : i32
        %dma_start3A_624 = arith.constant 0 : i32
        %dma_start3A_625 = tpu.memref_slice %arg10[%dma_start3A_623, %dma_start3A_624] : memref<10x512xi32, #tpu.memory_space<vmem>> -> memref<1x512xi32, #tpu.memory_space<vmem>>
        %dma_start3A_626 = tpu.memref_squeeze %dma_start3A_625 : memref<1x512xi32, #tpu.memory_space<vmem>> -> memref<512xi32, #tpu.memory_space<vmem>>
        %dma_start3A_627 = arith.constant 0 : i32
        %dma_start3A_628 = tpu.memref_slice %arg9[%dma_start3A_627] : memref<50048xf32, #tpu.memory_space<vmem_shared>> -> memref<50048xf32, #tpu.memory_space<vmem_shared>>
        tpu.enqueue_indirect_dma source(%arg14 : memref<512xf32, #tpu.memory_space<vmem>>) target(%dma_start3A_628 : memref<50048xf32, #tpu.memory_space<vmem_shared>>) offsets(%dma_start3A_626 : memref<512xi32, #tpu.memory_space<vmem>>) semaphore(%arg21 : memref<!tpu.dma_semaphore, #tpu.memory_space<semaphore_mem>>) {add = true}
      } else {
      }
      %dma_wait3A_272 = arith.constant 1 : i32
      %dma_wait3A_273 = arith.constant 0 : i32
      %dma_wait3A_274 = tpu.memref_slice %arg10[%dma_wait3A_272, %dma_wait3A_273] : memref<10x512xi32, #tpu.memory_space<vmem>> -> memref<1x512xi32, #tpu.memory_space<vmem>>
      %dma_wait3A_275 = tpu.memref_squeeze %dma_wait3A_274 : memref<1x512xi32, #tpu.memory_space<vmem>> -> memref<512xi32, #tpu.memory_space<vmem>>
      %dma_wait3A_276 = arith.constant 0 : i32
      %dma_wait3A_277 = arith.constant 0 : i32
      %dma_wait3A_278 = tpu.memref_slice %arg8[%dma_wait3A_276, %dma_wait3A_277] : memref<50048x32xbf16, #tpu.memory_space<vmem_shared>> -> memref<50048x32xbf16, #tpu.memory_space<vmem_shared>>
      tpu.wait_indirect_dma semaphore(%arg18 : memref<!tpu.dma_semaphore, #tpu.memory_space<semaphore_mem>>) src(%arg12 : memref<512x32xbf16, #tpu.memory_space<vmem>>) dst(%dma_wait3A_278 : memref<50048x32xbf16, #tpu.memory_space<vmem_shared>>)
      %dma_start3A_279 = arith.constant 4 : i32
      %dma_start3A_280 = arith.constant 0 : i32
      %dma_start3A_281 = tpu.memref_slice %arg10[%dma_start3A_279, %dma_start3A_280] : memref<10x512xi32, #tpu.memory_space<vmem>> -> memref<1x512xi32, #tpu.memory_space<vmem>>
      %dma_start3A_282 = tpu.memref_squeeze %dma_start3A_281 : memref<1x512xi32, #tpu.memory_space<vmem>> -> memref<512xi32, #tpu.memory_space<vmem>>
      %dma_start3A_283 = arith.constant 0 : i32
      %dma_start3A_284 = arith.constant 0 : i32
      %dma_start3A_285 = tpu.memref_slice %arg2[%dma_start3A_283, %dma_start3A_284] : memref<100096x32xbf16, #tpu.memory_space<hbm>> -> memref<100096x32xbf16, #tpu.memory_space<hbm>>
      tpu.enqueue_indirect_dma source(%dma_start3A_285 : memref<100096x32xbf16, #tpu.memory_space<hbm>>) target(%arg12 : memref<512x32xbf16, #tpu.memory_space<vmem>>) offsets(%dma_start3A_282 : memref<512xi32, #tpu.memory_space<vmem>>) semaphore(%arg16 : memref<!tpu.dma_semaphore, #tpu.memory_space<semaphore_mem>>)
      %dma_wait3A_286 = arith.constant 4 : i32
      %dma_wait3A_287 = arith.constant 0 : i32
      %dma_wait3A_288 = tpu.memref_slice %arg10[%dma_wait3A_286, %dma_wait3A_287] : memref<10x512xi32, #tpu.memory_space<vmem>> -> memref<1x512xi32, #tpu.memory_space<vmem>>
      %dma_wait3A_289 = tpu.memref_squeeze %dma_wait3A_288 : memref<1x512xi32, #tpu.memory_space<vmem>> -> memref<512xi32, #tpu.memory_space<vmem>>
      %dma_wait3A_290 = arith.constant 0 : i32
      %dma_wait3A_291 = arith.constant 0 : i32
      %dma_wait3A_292 = tpu.memref_slice %arg2[%dma_wait3A_290, %dma_wait3A_291] : memref<100096x32xbf16, #tpu.memory_space<hbm>> -> memref<100096x32xbf16, #tpu.memory_space<hbm>>
      tpu.wait_indirect_dma semaphore(%arg16 : memref<!tpu.dma_semaphore, #tpu.memory_space<semaphore_mem>>) src(%dma_wait3A_292 : memref<100096x32xbf16, #tpu.memory_space<hbm>>) dst(%arg12 : memref<512x32xbf16, #tpu.memory_space<vmem>>)
      %dma_start3A_293 = arith.constant 5 : i32
      %dma_start3A_294 = arith.constant 0 : i32
      %dma_start3A_295 = tpu.memref_slice %arg10[%dma_start3A_293, %dma_start3A_294] : memref<10x512xi32, #tpu.memory_space<vmem>> -> memref<1x512xi32, #tpu.memory_space<vmem>>
      %dma_start3A_296 = tpu.memref_squeeze %dma_start3A_295 : memref<1x512xi32, #tpu.memory_space<vmem>> -> memref<512xi32, #tpu.memory_space<vmem>>
      %dma_start3A_297 = arith.constant 0 : i32
      %dma_start3A_298 = arith.constant 0 : i32
      %dma_start3A_299 = tpu.memref_slice %arg8[%dma_start3A_297, %dma_start3A_298] : memref<50048x32xbf16, #tpu.memory_space<vmem_shared>> -> memref<50048x32xbf16, #tpu.memory_space<vmem_shared>>
      tpu.enqueue_indirect_dma source(%arg12 : memref<512x32xbf16, #tpu.memory_space<vmem>>) target(%dma_start3A_299 : memref<50048x32xbf16, #tpu.memory_space<vmem_shared>>) offsets(%dma_start3A_296 : memref<512xi32, #tpu.memory_space<vmem>>) semaphore(%arg18 : memref<!tpu.dma_semaphore, #tpu.memory_space<semaphore_mem>>) {add = true}
      %eq3A_300 = arith.constant 0 : i32
      %eq3A_301 = arith.cmpi eq, %arg0, %eq3A_300 : i32
      %convert_element_type3A_302 = arith.extui %eq3A_301 : i1 to i32
      %cond3A_303 = arith.constant 0 : i32
      %cond3A_304 = arith.cmpi ne, %convert_element_type3A_302, %cond3A_303 : i32
      scf.if %cond3A_304 {
        %dma_start3A_623 = arith.constant 5 : i32
        %dma_start3A_624 = arith.constant 0 : i32
        %dma_start3A_625 = tpu.memref_slice %arg10[%dma_start3A_623, %dma_start3A_624] : memref<10x512xi32, #tpu.memory_space<vmem>> -> memref<1x512xi32, #tpu.memory_space<vmem>>
        %dma_start3A_626 = tpu.memref_squeeze %dma_start3A_625 : memref<1x512xi32, #tpu.memory_space<vmem>> -> memref<512xi32, #tpu.memory_space<vmem>>
        %dma_start3A_627 = arith.constant 0 : i32
        %dma_start3A_628 = tpu.memref_slice %arg9[%dma_start3A_627] : memref<50048xf32, #tpu.memory_space<vmem_shared>> -> memref<50048xf32, #tpu.memory_space<vmem_shared>>
        tpu.enqueue_indirect_dma source(%arg14 : memref<512xf32, #tpu.memory_space<vmem>>) target(%dma_start3A_628 : memref<50048xf32, #tpu.memory_space<vmem_shared>>) offsets(%dma_start3A_626 : memref<512xi32, #tpu.memory_space<vmem>>) semaphore(%arg21 : memref<!tpu.dma_semaphore, #tpu.memory_space<semaphore_mem>>) {add = true}
      } else {
      }
      %dma_wait3A_305 = arith.constant 3 : i32
      %dma_wait3A_306 = arith.constant 0 : i32
      %dma_wait3A_307 = tpu.memref_slice %arg10[%dma_wait3A_305, %dma_wait3A_306] : memref<10x512xi32, #tpu.memory_space<vmem>> -> memref<1x512xi32, #tpu.memory_space<vmem>>
      %dma_wait3A_308 = tpu.memref_squeeze %dma_wait3A_307 : memref<1x512xi32, #tpu.memory_space<vmem>> -> memref<512xi32, #tpu.memory_space<vmem>>
      %dma_wait3A_309 = arith.constant 0 : i32
      %dma_wait3A_310 = arith.constant 0 : i32
      %dma_wait3A_311 = tpu.memref_slice %arg8[%dma_wait3A_309, %dma_wait3A_310] : memref<50048x32xbf16, #tpu.memory_space<vmem_shared>> -> memref<50048x32xbf16, #tpu.memory_space<vmem_shared>>
      tpu.wait_indirect_dma semaphore(%arg19 : memref<!tpu.dma_semaphore, #tpu.memory_space<semaphore_mem>>) src(%arg13 : memref<512x32xbf16, #tpu.memory_space<vmem>>) dst(%dma_wait3A_311 : memref<50048x32xbf16, #tpu.memory_space<vmem_shared>>)
      %dma_start3A_312 = arith.constant 6 : i32
      %dma_start3A_313 = arith.constant 0 : i32
      %dma_start3A_314 = tpu.memref_slice %arg10[%dma_start3A_312, %dma_start3A_313] : memref<10x512xi32, #tpu.memory_space<vmem>> -> memref<1x512xi32, #tpu.memory_space<vmem>>
      %dma_start3A_315 = tpu.memref_squeeze %dma_start3A_314 : memref<1x512xi32, #tpu.memory_space<vmem>> -> memref<512xi32, #tpu.memory_space<vmem>>
      %dma_start3A_316 = arith.constant 0 : i32
      %dma_start3A_317 = arith.constant 0 : i32
      %dma_start3A_318 = tpu.memref_slice %arg2[%dma_start3A_316, %dma_start3A_317] : memref<100096x32xbf16, #tpu.memory_space<hbm>> -> memref<100096x32xbf16, #tpu.memory_space<hbm>>
      tpu.enqueue_indirect_dma source(%dma_start3A_318 : memref<100096x32xbf16, #tpu.memory_space<hbm>>) target(%arg13 : memref<512x32xbf16, #tpu.memory_space<vmem>>) offsets(%dma_start3A_315 : memref<512xi32, #tpu.memory_space<vmem>>) semaphore(%arg17 : memref<!tpu.dma_semaphore, #tpu.memory_space<semaphore_mem>>)
      %dma_wait3A_319 = arith.constant 6 : i32
      %dma_wait3A_320 = arith.constant 0 : i32
      %dma_wait3A_321 = tpu.memref_slice %arg10[%dma_wait3A_319, %dma_wait3A_320] : memref<10x512xi32, #tpu.memory_space<vmem>> -> memref<1x512xi32, #tpu.memory_space<vmem>>
      %dma_wait3A_322 = tpu.memref_squeeze %dma_wait3A_321 : memref<1x512xi32, #tpu.memory_space<vmem>> -> memref<512xi32, #tpu.memory_space<vmem>>
      %dma_wait3A_323 = arith.constant 0 : i32
      %dma_wait3A_324 = arith.constant 0 : i32
      %dma_wait3A_325 = tpu.memref_slice %arg2[%dma_wait3A_323, %dma_wait3A_324] : memref<100096x32xbf16, #tpu.memory_space<hbm>> -> memref<100096x32xbf16, #tpu.memory_space<hbm>>
      tpu.wait_indirect_dma semaphore(%arg17 : memref<!tpu.dma_semaphore, #tpu.memory_space<semaphore_mem>>) src(%dma_wait3A_325 : memref<100096x32xbf16, #tpu.memory_space<hbm>>) dst(%arg13 : memref<512x32xbf16, #tpu.memory_space<vmem>>)
      %dma_start3A_326 = arith.constant 7 : i32
      %dma_start3A_327 = arith.constant 0 : i32
      %dma_start3A_328 = tpu.memref_slice %arg10[%dma_start3A_326, %dma_start3A_327] : memref<10x512xi32, #tpu.memory_space<vmem>> -> memref<1x512xi32, #tpu.memory_space<vmem>>
      %dma_start3A_329 = tpu.memref_squeeze %dma_start3A_328 : memref<1x512xi32, #tpu.memory_space<vmem>> -> memref<512xi32, #tpu.memory_space<vmem>>
      %dma_start3A_330 = arith.constant 0 : i32
      %dma_start3A_331 = arith.constant 0 : i32
      %dma_start3A_332 = tpu.memref_slice %arg8[%dma_start3A_330, %dma_start3A_331] : memref<50048x32xbf16, #tpu.memory_space<vmem_shared>> -> memref<50048x32xbf16, #tpu.memory_space<vmem_shared>>
      tpu.enqueue_indirect_dma source(%arg13 : memref<512x32xbf16, #tpu.memory_space<vmem>>) target(%dma_start3A_332 : memref<50048x32xbf16, #tpu.memory_space<vmem_shared>>) offsets(%dma_start3A_329 : memref<512xi32, #tpu.memory_space<vmem>>) semaphore(%arg19 : memref<!tpu.dma_semaphore, #tpu.memory_space<semaphore_mem>>) {add = true}
      %eq3A_333 = arith.constant 1 : i32
      %eq3A_334 = arith.cmpi eq, %arg0, %eq3A_333 : i32
      %convert_element_type3A_335 = arith.extui %eq3A_334 : i1 to i32
      %cond3A_336 = arith.constant 0 : i32
      %cond3A_337 = arith.cmpi ne, %convert_element_type3A_335, %cond3A_336 : i32
      scf.if %cond3A_337 {
        %dma_start3A_623 = arith.constant 7 : i32
        %dma_start3A_624 = arith.constant 0 : i32
        %dma_start3A_625 = tpu.memref_slice %arg10[%dma_start3A_623, %dma_start3A_624] : memref<10x512xi32, #tpu.memory_space<vmem>> -> memref<1x512xi32, #tpu.memory_space<vmem>>
        %dma_start3A_626 = tpu.memref_squeeze %dma_start3A_625 : memref<1x512xi32, #tpu.memory_space<vmem>> -> memref<512xi32, #tpu.memory_space<vmem>>
        %dma_start3A_627 = arith.constant 0 : i32
        %dma_start3A_628 = tpu.memref_slice %arg9[%dma_start3A_627] : memref<50048xf32, #tpu.memory_space<vmem_shared>> -> memref<50048xf32, #tpu.memory_space<vmem_shared>>
        tpu.enqueue_indirect_dma source(%arg14 : memref<512xf32, #tpu.memory_space<vmem>>) target(%dma_start3A_628 : memref<50048xf32, #tpu.memory_space<vmem_shared>>) offsets(%dma_start3A_626 : memref<512xi32, #tpu.memory_space<vmem>>) semaphore(%arg21 : memref<!tpu.dma_semaphore, #tpu.memory_space<semaphore_mem>>) {add = true}
      } else {
      }
      %dma_wait3A_338 = arith.constant 5 : i32
      %dma_wait3A_339 = arith.constant 0 : i32
      %dma_wait3A_340 = tpu.memref_slice %arg10[%dma_wait3A_338, %dma_wait3A_339] : memref<10x512xi32, #tpu.memory_space<vmem>> -> memref<1x512xi32, #tpu.memory_space<vmem>>
      %dma_wait3A_341 = tpu.memref_squeeze %dma_wait3A_340 : memref<1x512xi32, #tpu.memory_space<vmem>> -> memref<512xi32, #tpu.memory_space<vmem>>
      %dma_wait3A_342 = arith.constant 0 : i32
      %dma_wait3A_343 = arith.constant 0 : i32
      %dma_wait3A_344 = tpu.memref_slice %arg8[%dma_wait3A_342, %dma_wait3A_343] : memref<50048x32xbf16, #tpu.memory_space<vmem_shared>> -> memref<50048x32xbf16, #tpu.memory_space<vmem_shared>>
      tpu.wait_indirect_dma semaphore(%arg18 : memref<!tpu.dma_semaphore, #tpu.memory_space<semaphore_mem>>) src(%arg12 : memref<512x32xbf16, #tpu.memory_space<vmem>>) dst(%dma_wait3A_344 : memref<50048x32xbf16, #tpu.memory_space<vmem_shared>>)
      %dma_start3A_345 = arith.constant 8 : i32
      %dma_start3A_346 = arith.constant 0 : i32
      %dma_start3A_347 = tpu.memref_slice %arg10[%dma_start3A_345, %dma_start3A_346] : memref<10x512xi32, #tpu.memory_space<vmem>> -> memref<1x512xi32, #tpu.memory_space<vmem>>
      %dma_start3A_348 = tpu.memref_squeeze %dma_start3A_347 : memref<1x512xi32, #tpu.memory_space<vmem>> -> memref<512xi32, #tpu.memory_space<vmem>>
      %dma_start3A_349 = arith.constant 0 : i32
      %dma_start3A_350 = arith.constant 0 : i32
      %dma_start3A_351 = tpu.memref_slice %arg2[%dma_start3A_349, %dma_start3A_350] : memref<100096x32xbf16, #tpu.memory_space<hbm>> -> memref<100096x32xbf16, #tpu.memory_space<hbm>>
      tpu.enqueue_indirect_dma source(%dma_start3A_351 : memref<100096x32xbf16, #tpu.memory_space<hbm>>) target(%arg12 : memref<512x32xbf16, #tpu.memory_space<vmem>>) offsets(%dma_start3A_348 : memref<512xi32, #tpu.memory_space<vmem>>) semaphore(%arg16 : memref<!tpu.dma_semaphore, #tpu.memory_space<semaphore_mem>>)
      %dma_wait3A_352 = arith.constant 8 : i32
      %dma_wait3A_353 = arith.constant 0 : i32
      %dma_wait3A_354 = tpu.memref_slice %arg10[%dma_wait3A_352, %dma_wait3A_353] : memref<10x512xi32, #tpu.memory_space<vmem>> -> memref<1x512xi32, #tpu.memory_space<vmem>>
      %dma_wait3A_355 = tpu.memref_squeeze %dma_wait3A_354 : memref<1x512xi32, #tpu.memory_space<vmem>> -> memref<512xi32, #tpu.memory_space<vmem>>
      %dma_wait3A_356 = arith.constant 0 : i32
      %dma_wait3A_357 = arith.constant 0 : i32
      %dma_wait3A_358 = tpu.memref_slice %arg2[%dma_wait3A_356, %dma_wait3A_357] : memref<100096x32xbf16, #tpu.memory_space<hbm>> -> memref<100096x32xbf16, #tpu.memory_space<hbm>>
      tpu.wait_indirect_dma semaphore(%arg16 : memref<!tpu.dma_semaphore, #tpu.memory_space<semaphore_mem>>) src(%dma_wait3A_358 : memref<100096x32xbf16, #tpu.memory_space<hbm>>) dst(%arg12 : memref<512x32xbf16, #tpu.memory_space<vmem>>)
      %dma_start3A_359 = arith.constant 9 : i32
      %dma_start3A_360 = arith.constant 0 : i32
      %dma_start3A_361 = tpu.memref_slice %arg10[%dma_start3A_359, %dma_start3A_360] : memref<10x512xi32, #tpu.memory_space<vmem>> -> memref<1x512xi32, #tpu.memory_space<vmem>>
      %dma_start3A_362 = tpu.memref_squeeze %dma_start3A_361 : memref<1x512xi32, #tpu.memory_space<vmem>> -> memref<512xi32, #tpu.memory_space<vmem>>
      %dma_start3A_363 = arith.constant 0 : i32
      %dma_start3A_364 = arith.constant 0 : i32
      %dma_start3A_365 = tpu.memref_slice %arg8[%dma_start3A_363, %dma_start3A_364] : memref<50048x32xbf16, #tpu.memory_space<vmem_shared>> -> memref<50048x32xbf16, #tpu.memory_space<vmem_shared>>
      tpu.enqueue_indirect_dma source(%arg12 : memref<512x32xbf16, #tpu.memory_space<vmem>>) target(%dma_start3A_365 : memref<50048x32xbf16, #tpu.memory_space<vmem_shared>>) offsets(%dma_start3A_362 : memref<512xi32, #tpu.memory_space<vmem>>) semaphore(%arg18 : memref<!tpu.dma_semaphore, #tpu.memory_space<semaphore_mem>>) {add = true}
      %eq3A_366 = arith.constant 0 : i32
      %eq3A_367 = arith.cmpi eq, %arg0, %eq3A_366 : i32
      %convert_element_type3A_368 = arith.extui %eq3A_367 : i1 to i32
      %cond3A_369 = arith.constant 0 : i32
      %cond3A_370 = arith.cmpi ne, %convert_element_type3A_368, %cond3A_369 : i32
      scf.if %cond3A_370 {
        %dma_start3A_623 = arith.constant 9 : i32
        %dma_start3A_624 = arith.constant 0 : i32
        %dma_start3A_625 = tpu.memref_slice %arg10[%dma_start3A_623, %dma_start3A_624] : memref<10x512xi32, #tpu.memory_space<vmem>> -> memref<1x512xi32, #tpu.memory_space<vmem>>
        %dma_start3A_626 = tpu.memref_squeeze %dma_start3A_625 : memref<1x512xi32, #tpu.memory_space<vmem>> -> memref<512xi32, #tpu.memory_space<vmem>>
        %dma_start3A_627 = arith.constant 0 : i32
        %dma_start3A_628 = tpu.memref_slice %arg9[%dma_start3A_627] : memref<50048xf32, #tpu.memory_space<vmem_shared>> -> memref<50048xf32, #tpu.memory_space<vmem_shared>>
        tpu.enqueue_indirect_dma source(%arg14 : memref<512xf32, #tpu.memory_space<vmem>>) target(%dma_start3A_628 : memref<50048xf32, #tpu.memory_space<vmem_shared>>) offsets(%dma_start3A_626 : memref<512xi32, #tpu.memory_space<vmem>>) semaphore(%arg21 : memref<!tpu.dma_semaphore, #tpu.memory_space<semaphore_mem>>) {add = true}
      } else {
      }
      %eq3A_371 = arith.constant 0 : i32
      %eq3A_372 = arith.cmpi eq, %arg0, %eq3A_371 : i32
      %convert_element_type3A_373 = arith.extui %eq3A_372 : i1 to i32
      %cond3A_374 = arith.constant 0 : i32
      %cond3A_375 = arith.cmpi ne, %convert_element_type3A_373, %cond3A_374 : i32
      scf.if %cond3A_375 {
        %dma_wait3A_623 = arith.constant 1 : i32
        %dma_wait3A_624 = arith.constant 0 : i32
        %dma_wait3A_625 = tpu.memref_slice %arg10[%dma_wait3A_623, %dma_wait3A_624] : memref<10x512xi32, #tpu.memory_space<vmem>> -> memref<1x512xi32, #tpu.memory_space<vmem>>
        %dma_wait3A_626 = tpu.memref_squeeze %dma_wait3A_625 : memref<1x512xi32, #tpu.memory_space<vmem>> -> memref<512xi32, #tpu.memory_space<vmem>>
        %dma_wait3A_627 = arith.constant 0 : i32
        %dma_wait3A_628 = tpu.memref_slice %arg9[%dma_wait3A_627] : memref<50048xf32, #tpu.memory_space<vmem_shared>> -> memref<50048xf32, #tpu.memory_space<vmem_shared>>
        tpu.wait_indirect_dma semaphore(%arg21 : memref<!tpu.dma_semaphore, #tpu.memory_space<semaphore_mem>>) src(%arg14 : memref<512xf32, #tpu.memory_space<vmem>>) dst(%dma_wait3A_628 : memref<50048xf32, #tpu.memory_space<vmem_shared>>)
      } else {
      }
      %eq3A_376 = arith.constant 1 : i32
      %eq3A_377 = arith.cmpi eq, %arg0, %eq3A_376 : i32
      %convert_element_type3A_378 = arith.extui %eq3A_377 : i1 to i32
      %cond3A_379 = arith.constant 0 : i32
      %cond3A_380 = arith.cmpi ne, %convert_element_type3A_378, %cond3A_379 : i32
      scf.if %cond3A_380 {
        %dma_wait3A_623 = arith.constant 3 : i32
        %dma_wait3A_624 = arith.constant 0 : i32
        %dma_wait3A_625 = tpu.memref_slice %arg10[%dma_wait3A_623, %dma_wait3A_624] : memref<10x512xi32, #tpu.memory_space<vmem>> -> memref<1x512xi32, #tpu.memory_space<vmem>>
        %dma_wait3A_626 = tpu.memref_squeeze %dma_wait3A_625 : memref<1x512xi32, #tpu.memory_space<vmem>> -> memref<512xi32, #tpu.memory_space<vmem>>
        %dma_wait3A_627 = arith.constant 0 : i32
        %dma_wait3A_628 = tpu.memref_slice %arg9[%dma_wait3A_627] : memref<50048xf32, #tpu.memory_space<vmem_shared>> -> memref<50048xf32, #tpu.memory_space<vmem_shared>>
        tpu.wait_indirect_dma semaphore(%arg21 : memref<!tpu.dma_semaphore, #tpu.memory_space<semaphore_mem>>) src(%arg14 : memref<512xf32, #tpu.memory_space<vmem>>) dst(%dma_wait3A_628 : memref<50048xf32, #tpu.memory_space<vmem_shared>>)
      } else {
      }
      %eq3A_381 = arith.constant 0 : i32
      %eq3A_382 = arith.cmpi eq, %arg0, %eq3A_381 : i32
      %convert_element_type3A_383 = arith.extui %eq3A_382 : i1 to i32
      %cond3A_384 = arith.constant 0 : i32
      %cond3A_385 = arith.cmpi ne, %convert_element_type3A_383, %cond3A_384 : i32
      scf.if %cond3A_385 {
        %dma_wait3A_623 = arith.constant 5 : i32
        %dma_wait3A_624 = arith.constant 0 : i32
        %dma_wait3A_625 = tpu.memref_slice %arg10[%dma_wait3A_623, %dma_wait3A_624] : memref<10x512xi32, #tpu.memory_space<vmem>> -> memref<1x512xi32, #tpu.memory_space<vmem>>
        %dma_wait3A_626 = tpu.memref_squeeze %dma_wait3A_625 : memref<1x512xi32, #tpu.memory_space<vmem>> -> memref<512xi32, #tpu.memory_space<vmem>>
        %dma_wait3A_627 = arith.constant 0 : i32
        %dma_wait3A_628 = tpu.memref_slice %arg9[%dma_wait3A_627] : memref<50048xf32, #tpu.memory_space<vmem_shared>> -> memref<50048xf32, #tpu.memory_space<vmem_shared>>
        tpu.wait_indirect_dma semaphore(%arg21 : memref<!tpu.dma_semaphore, #tpu.memory_space<semaphore_mem>>) src(%arg14 : memref<512xf32, #tpu.memory_space<vmem>>) dst(%dma_wait3A_628 : memref<50048xf32, #tpu.memory_space<vmem_shared>>)
      } else {
      }
      %eq3A_386 = arith.constant 1 : i32
      %eq3A_387 = arith.cmpi eq, %arg0, %eq3A_386 : i32
      %convert_element_type3A_388 = arith.extui %eq3A_387 : i1 to i32
      %cond3A_389 = arith.constant 0 : i32
      %cond3A_390 = arith.cmpi ne, %convert_element_type3A_388, %cond3A_389 : i32
      scf.if %cond3A_390 {
        %dma_wait3A_623 = arith.constant 7 : i32
        %dma_wait3A_624 = arith.constant 0 : i32
        %dma_wait3A_625 = tpu.memref_slice %arg10[%dma_wait3A_623, %dma_wait3A_624] : memref<10x512xi32, #tpu.memory_space<vmem>> -> memref<1x512xi32, #tpu.memory_space<vmem>>
        %dma_wait3A_626 = tpu.memref_squeeze %dma_wait3A_625 : memref<1x512xi32, #tpu.memory_space<vmem>> -> memref<512xi32, #tpu.memory_space<vmem>>
        %dma_wait3A_627 = arith.constant 0 : i32
        %dma_wait3A_628 = tpu.memref_slice %arg9[%dma_wait3A_627] : memref<50048xf32, #tpu.memory_space<vmem_shared>> -> memref<50048xf32, #tpu.memory_space<vmem_shared>>
        tpu.wait_indirect_dma semaphore(%arg21 : memref<!tpu.dma_semaphore, #tpu.memory_space<semaphore_mem>>) src(%arg14 : memref<512xf32, #tpu.memory_space<vmem>>) dst(%dma_wait3A_628 : memref<50048xf32, #tpu.memory_space<vmem_shared>>)
      } else {
      }
      %eq3A_391 = arith.constant 0 : i32
      %eq3A_392 = arith.cmpi eq, %arg0, %eq3A_391 : i32
      %convert_element_type3A_393 = arith.extui %eq3A_392 : i1 to i32
      %cond3A_394 = arith.constant 0 : i32
      %cond3A_395 = arith.cmpi ne, %convert_element_type3A_393, %cond3A_394 : i32
      scf.if %cond3A_395 {
        %dma_wait3A_623 = arith.constant 9 : i32
        %dma_wait3A_624 = arith.constant 0 : i32
        %dma_wait3A_625 = tpu.memref_slice %arg10[%dma_wait3A_623, %dma_wait3A_624] : memref<10x512xi32, #tpu.memory_space<vmem>> -> memref<1x512xi32, #tpu.memory_space<vmem>>
        %dma_wait3A_626 = tpu.memref_squeeze %dma_wait3A_625 : memref<1x512xi32, #tpu.memory_space<vmem>> -> memref<512xi32, #tpu.memory_space<vmem>>
        %dma_wait3A_627 = arith.constant 0 : i32
        %dma_wait3A_628 = tpu.memref_slice %arg9[%dma_wait3A_627] : memref<50048xf32, #tpu.memory_space<vmem_shared>> -> memref<50048xf32, #tpu.memory_space<vmem_shared>>
        tpu.wait_indirect_dma semaphore(%arg21 : memref<!tpu.dma_semaphore, #tpu.memory_space<semaphore_mem>>) src(%arg14 : memref<512xf32, #tpu.memory_space<vmem>>) dst(%dma_wait3A_628 : memref<50048xf32, #tpu.memory_space<vmem_shared>>)
      } else {
      }
      %dma_wait3A_396 = arith.constant 7 : i32
      %dma_wait3A_397 = arith.constant 0 : i32
      %dma_wait3A_398 = tpu.memref_slice %arg10[%dma_wait3A_396, %dma_wait3A_397] : memref<10x512xi32, #tpu.memory_space<vmem>> -> memref<1x512xi32, #tpu.memory_space<vmem>>
      %dma_wait3A_399 = tpu.memref_squeeze %dma_wait3A_398 : memref<1x512xi32, #tpu.memory_space<vmem>> -> memref<512xi32, #tpu.memory_space<vmem>>
      %dma_wait3A_400 = arith.constant 0 : i32
      %dma_wait3A_401 = arith.constant 0 : i32
      %dma_wait3A_402 = tpu.memref_slice %arg8[%dma_wait3A_400, %dma_wait3A_401] : memref<50048x32xbf16, #tpu.memory_space<vmem_shared>> -> memref<50048x32xbf16, #tpu.memory_space<vmem_shared>>
      tpu.wait_indirect_dma semaphore(%arg19 : memref<!tpu.dma_semaphore, #tpu.memory_space<semaphore_mem>>) src(%arg13 : memref<512x32xbf16, #tpu.memory_space<vmem>>) dst(%dma_wait3A_402 : memref<50048x32xbf16, #tpu.memory_space<vmem_shared>>)
      %dma_wait3A_403 = arith.constant 9 : i32
      %dma_wait3A_404 = arith.constant 0 : i32
      %dma_wait3A_405 = tpu.memref_slice %arg10[%dma_wait3A_403, %dma_wait3A_404] : memref<10x512xi32, #tpu.memory_space<vmem>> -> memref<1x512xi32, #tpu.memory_space<vmem>>
      %dma_wait3A_406 = tpu.memref_squeeze %dma_wait3A_405 : memref<1x512xi32, #tpu.memory_space<vmem>> -> memref<512xi32, #tpu.memory_space<vmem>>
      %dma_wait3A_407 = arith.constant 0 : i32
      %dma_wait3A_408 = arith.constant 0 : i32
      %dma_wait3A_409 = tpu.memref_slice %arg8[%dma_wait3A_407, %dma_wait3A_408] : memref<50048x32xbf16, #tpu.memory_space<vmem_shared>> -> memref<50048x32xbf16, #tpu.memory_space<vmem_shared>>
      tpu.wait_indirect_dma semaphore(%arg18 : memref<!tpu.dma_semaphore, #tpu.memory_space<semaphore_mem>>) src(%arg12 : memref<512x32xbf16, #tpu.memory_space<vmem>>) dst(%dma_wait3A_409 : memref<50048x32xbf16, #tpu.memory_space<vmem_shared>>)
      %dma_wait3A_410 = arith.constant 0 : i32
      %dma_wait3A_411 = tpu.memref_slice %arg3[%add3A_220, %dma_wait3A_410] : memref<6410x512xi32, #tpu.memory_space<hbm>> -> memref<10x512xi32, #tpu.memory_space<hbm>>
      %dma_wait3A_412 = arith.constant 0 : i32
      %dma_wait3A_413 = tpu.memref_slice %arg3[%add3A_220, %dma_wait3A_412] : memref<6410x512xi32, #tpu.memory_space<hbm>> -> memref<10x512xi32, #tpu.memory_space<hbm>>
      tpu.wait_dma2 semaphore(%arg20 : memref<!tpu.dma_semaphore, #tpu.memory_space<semaphore_mem>>) src(%dma_wait3A_413 : memref<10x512xi32, #tpu.memory_space<hbm>>) dst(%arg11 : memref<10x512xi32, #tpu.memory_space<vmem>>)
      %mul3A_414 = arith.constant 2 : i32
      %mul3A_415 = arith.muli %mul3A_414, %scan3A_211 : i32
      %add3A_416 = arith.constant 1 : i32
      %add3A_417 = arith.addi %mul3A_415, %add3A_416 : i32
      %add3A_418 = arith.constant 1 : i32
      %add3A_419 = arith.addi %add3A_417, %add3A_418 : i32
      %mul3A_420 = arith.constant 2 : i32
      %mul3A_421 = arith.muli %add3A_419, %mul3A_420 : i32
      %mul3A_422 = arith.constant 5 : i32
      %mul3A_423 = arith.muli %mul3A_421, %mul3A_422 : i32
      %add3A_424 = arith.addi %mul3A_198, %mul3A_423 : i32
      %dma_start3A_425 = arith.constant 0 : i32
      %dma_start3A_426 = tpu.memref_slice %arg3[%add3A_424, %dma_start3A_425] : memref<6410x512xi32, #tpu.memory_space<hbm>> -> memref<10x512xi32, #tpu.memory_space<hbm>>
      %dma_start3A_427 = arith.constant 0 : i32
      %dma_start3A_428 = tpu.memref_slice %arg3[%add3A_424, %dma_start3A_427] : memref<6410x512xi32, #tpu.memory_space<hbm>> -> memref<10x512xi32, #tpu.memory_space<hbm>>
      tpu.enqueue_dma source(%dma_start3A_428 : memref<10x512xi32, #tpu.memory_space<hbm>>) target(%arg10 : memref<10x512xi32, #tpu.memory_space<vmem>>) target_semaphore(%arg20 : memref<!tpu.dma_semaphore, #tpu.memory_space<semaphore_mem>>)
      %dma_start3A_429 = arith.constant 0 : i32
      %dma_start3A_430 = arith.constant 0 : i32
      %dma_start3A_431 = tpu.memref_slice %arg11[%dma_start3A_429, %dma_start3A_430] : memref<10x512xi32, #tpu.memory_space<vmem>> -> memref<1x512xi32, #tpu.memory_space<vmem>>
      %dma_start3A_432 = tpu.memref_squeeze %dma_start3A_431 : memref<1x512xi32, #tpu.memory_space<vmem>> -> memref<512xi32, #tpu.memory_space<vmem>>
      %dma_start3A_433 = arith.constant 0 : i32
      %dma_start3A_434 = arith.constant 0 : i32
      %dma_start3A_435 = tpu.memref_slice %arg2[%dma_start3A_433, %dma_start3A_434] : memref<100096x32xbf16, #tpu.memory_space<hbm>> -> memref<100096x32xbf16, #tpu.memory_space<hbm>>
      tpu.enqueue_indirect_dma source(%dma_start3A_435 : memref<100096x32xbf16, #tpu.memory_space<hbm>>) target(%arg12 : memref<512x32xbf16, #tpu.memory_space<vmem>>) offsets(%dma_start3A_432 : memref<512xi32, #tpu.memory_space<vmem>>) semaphore(%arg16 : memref<!tpu.dma_semaphore, #tpu.memory_space<semaphore_mem>>)
      %dma_wait3A_436 = arith.constant 0 : i32
      %dma_wait3A_437 = arith.constant 0 : i32
      %dma_wait3A_438 = tpu.memref_slice %arg11[%dma_wait3A_436, %dma_wait3A_437] : memref<10x512xi32, #tpu.memory_space<vmem>> -> memref<1x512xi32, #tpu.memory_space<vmem>>
      %dma_wait3A_439 = tpu.memref_squeeze %dma_wait3A_438 : memref<1x512xi32, #tpu.memory_space<vmem>> -> memref<512xi32, #tpu.memory_space<vmem>>
      %dma_wait3A_440 = arith.constant 0 : i32
      %dma_wait3A_441 = arith.constant 0 : i32
      %dma_wait3A_442 = tpu.memref_slice %arg2[%dma_wait3A_440, %dma_wait3A_441] : memref<100096x32xbf16, #tpu.memory_space<hbm>> -> memref<100096x32xbf16, #tpu.memory_space<hbm>>
      tpu.wait_indirect_dma semaphore(%arg16 : memref<!tpu.dma_semaphore, #tpu.memory_space<semaphore_mem>>) src(%dma_wait3A_442 : memref<100096x32xbf16, #tpu.memory_space<hbm>>) dst(%arg12 : memref<512x32xbf16, #tpu.memory_space<vmem>>)
      %dma_start3A_443 = arith.constant 1 : i32
      %dma_start3A_444 = arith.constant 0 : i32
      %dma_start3A_445 = tpu.memref_slice %arg11[%dma_start3A_443, %dma_start3A_444] : memref<10x512xi32, #tpu.memory_space<vmem>> -> memref<1x512xi32, #tpu.memory_space<vmem>>
      %dma_start3A_446 = tpu.memref_squeeze %dma_start3A_445 : memref<1x512xi32, #tpu.memory_space<vmem>> -> memref<512xi32, #tpu.memory_space<vmem>>
      %dma_start3A_447 = arith.constant 0 : i32
      %dma_start3A_448 = arith.constant 0 : i32
      %dma_start3A_449 = tpu.memref_slice %arg8[%dma_start3A_447, %dma_start3A_448] : memref<50048x32xbf16, #tpu.memory_space<vmem_shared>> -> memref<50048x32xbf16, #tpu.memory_space<vmem_shared>>
      tpu.enqueue_indirect_dma source(%arg12 : memref<512x32xbf16, #tpu.memory_space<vmem>>) target(%dma_start3A_449 : memref<50048x32xbf16, #tpu.memory_space<vmem_shared>>) offsets(%dma_start3A_446 : memref<512xi32, #tpu.memory_space<vmem>>) semaphore(%arg18 : memref<!tpu.dma_semaphore, #tpu.memory_space<semaphore_mem>>) {add = true}
      %eq3A_450 = arith.constant 0 : i32
      %eq3A_451 = arith.cmpi eq, %arg0, %eq3A_450 : i32
      %convert_element_type3A_452 = arith.extui %eq3A_451 : i1 to i32
      %cond3A_453 = arith.constant 0 : i32
      %cond3A_454 = arith.cmpi ne, %convert_element_type3A_452, %cond3A_453 : i32
      scf.if %cond3A_454 {
        %dma_start3A_623 = arith.constant 1 : i32
        %dma_start3A_624 = arith.constant 0 : i32
        %dma_start3A_625 = tpu.memref_slice %arg11[%dma_start3A_623, %dma_start3A_624] : memref<10x512xi32, #tpu.memory_space<vmem>> -> memref<1x512xi32, #tpu.memory_space<vmem>>
        %dma_start3A_626 = tpu.memref_squeeze %dma_start3A_625 : memref<1x512xi32, #tpu.memory_space<vmem>> -> memref<512xi32, #tpu.memory_space<vmem>>
        %dma_start3A_627 = arith.constant 0 : i32
        %dma_start3A_628 = tpu.memref_slice %arg9[%dma_start3A_627] : memref<50048xf32, #tpu.memory_space<vmem_shared>> -> memref<50048xf32, #tpu.memory_space<vmem_shared>>
        tpu.enqueue_indirect_dma source(%arg14 : memref<512xf32, #tpu.memory_space<vmem>>) target(%dma_start3A_628 : memref<50048xf32, #tpu.memory_space<vmem_shared>>) offsets(%dma_start3A_626 : memref<512xi32, #tpu.memory_space<vmem>>) semaphore(%arg21 : memref<!tpu.dma_semaphore, #tpu.memory_space<semaphore_mem>>) {add = true}
      } else {
      }
      %dma_start3A_455 = arith.constant 2 : i32
      %dma_start3A_456 = arith.constant 0 : i32
      %dma_start3A_457 = tpu.memref_slice %arg11[%dma_start3A_455, %dma_start3A_456] : memref<10x512xi32, #tpu.memory_space<vmem>> -> memref<1x512xi32, #tpu.memory_space<vmem>>
      %dma_start3A_458 = tpu.memref_squeeze %dma_start3A_457 : memref<1x512xi32, #tpu.memory_space<vmem>> -> memref<512xi32, #tpu.memory_space<vmem>>
      %dma_start3A_459 = arith.constant 0 : i32
      %dma_start3A_460 = arith.constant 0 : i32
      %dma_start3A_461 = tpu.memref_slice %arg2[%dma_start3A_459, %dma_start3A_460] : memref<100096x32xbf16, #tpu.memory_space<hbm>> -> memref<100096x32xbf16, #tpu.memory_space<hbm>>
      tpu.enqueue_indirect_dma source(%dma_start3A_461 : memref<100096x32xbf16, #tpu.memory_space<hbm>>) target(%arg13 : memref<512x32xbf16, #tpu.memory_space<vmem>>) offsets(%dma_start3A_458 : memref<512xi32, #tpu.memory_space<vmem>>) semaphore(%arg17 : memref<!tpu.dma_semaphore, #tpu.memory_space<semaphore_mem>>)
      %dma_wait3A_462 = arith.constant 2 : i32
      %dma_wait3A_463 = arith.constant 0 : i32
      %dma_wait3A_464 = tpu.memref_slice %arg11[%dma_wait3A_462, %dma_wait3A_463] : memref<10x512xi32, #tpu.memory_space<vmem>> -> memref<1x512xi32, #tpu.memory_space<vmem>>
      %dma_wait3A_465 = tpu.memref_squeeze %dma_wait3A_464 : memref<1x512xi32, #tpu.memory_space<vmem>> -> memref<512xi32, #tpu.memory_space<vmem>>
      %dma_wait3A_466 = arith.constant 0 : i32
      %dma_wait3A_467 = arith.constant 0 : i32
      %dma_wait3A_468 = tpu.memref_slice %arg2[%dma_wait3A_466, %dma_wait3A_467] : memref<100096x32xbf16, #tpu.memory_space<hbm>> -> memref<100096x32xbf16, #tpu.memory_space<hbm>>
      tpu.wait_indirect_dma semaphore(%arg17 : memref<!tpu.dma_semaphore, #tpu.memory_space<semaphore_mem>>) src(%dma_wait3A_468 : memref<100096x32xbf16, #tpu.memory_space<hbm>>) dst(%arg13 : memref<512x32xbf16, #tpu.memory_space<vmem>>)
      %dma_start3A_469 = arith.constant 3 : i32
      %dma_start3A_470 = arith.constant 0 : i32
      %dma_start3A_471 = tpu.memref_slice %arg11[%dma_start3A_469, %dma_start3A_470] : memref<10x512xi32, #tpu.memory_space<vmem>> -> memref<1x512xi32, #tpu.memory_space<vmem>>
      %dma_start3A_472 = tpu.memref_squeeze %dma_start3A_471 : memref<1x512xi32, #tpu.memory_space<vmem>> -> memref<512xi32, #tpu.memory_space<vmem>>
      %dma_start3A_473 = arith.constant 0 : i32
      %dma_start3A_474 = arith.constant 0 : i32
      %dma_start3A_475 = tpu.memref_slice %arg8[%dma_start3A_473, %dma_start3A_474] : memref<50048x32xbf16, #tpu.memory_space<vmem_shared>> -> memref<50048x32xbf16, #tpu.memory_space<vmem_shared>>
      tpu.enqueue_indirect_dma source(%arg13 : memref<512x32xbf16, #tpu.memory_space<vmem>>) target(%dma_start3A_475 : memref<50048x32xbf16, #tpu.memory_space<vmem_shared>>) offsets(%dma_start3A_472 : memref<512xi32, #tpu.memory_space<vmem>>) semaphore(%arg19 : memref<!tpu.dma_semaphore, #tpu.memory_space<semaphore_mem>>) {add = true}
      %eq3A_476 = arith.constant 1 : i32
      %eq3A_477 = arith.cmpi eq, %arg0, %eq3A_476 : i32
      %convert_element_type3A_478 = arith.extui %eq3A_477 : i1 to i32
      %cond3A_479 = arith.constant 0 : i32
      %cond3A_480 = arith.cmpi ne, %convert_element_type3A_478, %cond3A_479 : i32
      scf.if %cond3A_480 {
        %dma_start3A_623 = arith.constant 3 : i32
        %dma_start3A_624 = arith.constant 0 : i32
        %dma_start3A_625 = tpu.memref_slice %arg11[%dma_start3A_623, %dma_start3A_624] : memref<10x512xi32, #tpu.memory_space<vmem>> -> memref<1x512xi32, #tpu.memory_space<vmem>>
        %dma_start3A_626 = tpu.memref_squeeze %dma_start3A_625 : memref<1x512xi32, #tpu.memory_space<vmem>> -> memref<512xi32, #tpu.memory_space<vmem>>
        %dma_start3A_627 = arith.constant 0 : i32
        %dma_start3A_628 = tpu.memref_slice %arg9[%dma_start3A_627] : memref<50048xf32, #tpu.memory_space<vmem_shared>> -> memref<50048xf32, #tpu.memory_space<vmem_shared>>
        tpu.enqueue_indirect_dma source(%arg14 : memref<512xf32, #tpu.memory_space<vmem>>) target(%dma_start3A_628 : memref<50048xf32, #tpu.memory_space<vmem_shared>>) offsets(%dma_start3A_626 : memref<512xi32, #tpu.memory_space<vmem>>) semaphore(%arg21 : memref<!tpu.dma_semaphore, #tpu.memory_space<semaphore_mem>>) {add = true}
      } else {
      }
      %dma_wait3A_481 = arith.constant 1 : i32
      %dma_wait3A_482 = arith.constant 0 : i32
      %dma_wait3A_483 = tpu.memref_slice %arg11[%dma_wait3A_481, %dma_wait3A_482] : memref<10x512xi32, #tpu.memory_space<vmem>> -> memref<1x512xi32, #tpu.memory_space<vmem>>
      %dma_wait3A_484 = tpu.memref_squeeze %dma_wait3A_483 : memref<1x512xi32, #tpu.memory_space<vmem>> -> memref<512xi32, #tpu.memory_space<vmem>>
      %dma_wait3A_485 = arith.constant 0 : i32
      %dma_wait3A_486 = arith.constant 0 : i32
      %dma_wait3A_487 = tpu.memref_slice %arg8[%dma_wait3A_485, %dma_wait3A_486] : memref<50048x32xbf16, #tpu.memory_space<vmem_shared>> -> memref<50048x32xbf16, #tpu.memory_space<vmem_shared>>
      tpu.wait_indirect_dma semaphore(%arg18 : memref<!tpu.dma_semaphore, #tpu.memory_space<semaphore_mem>>) src(%arg12 : memref<512x32xbf16, #tpu.memory_space<vmem>>) dst(%dma_wait3A_487 : memref<50048x32xbf16, #tpu.memory_space<vmem_shared>>)
      %dma_start3A_488 = arith.constant 4 : i32
      %dma_start3A_489 = arith.constant 0 : i32
      %dma_start3A_490 = tpu.memref_slice %arg11[%dma_start3A_488, %dma_start3A_489] : memref<10x512xi32, #tpu.memory_space<vmem>> -> memref<1x512xi32, #tpu.memory_space<vmem>>
      %dma_start3A_491 = tpu.memref_squeeze %dma_start3A_490 : memref<1x512xi32, #tpu.memory_space<vmem>> -> memref<512xi32, #tpu.memory_space<vmem>>
      %dma_start3A_492 = arith.constant 0 : i32
      %dma_start3A_493 = arith.constant 0 : i32
      %dma_start3A_494 = tpu.memref_slice %arg2[%dma_start3A_492, %dma_start3A_493] : memref<100096x32xbf16, #tpu.memory_space<hbm>> -> memref<100096x32xbf16, #tpu.memory_space<hbm>>
      tpu.enqueue_indirect_dma source(%dma_start3A_494 : memref<100096x32xbf16, #tpu.memory_space<hbm>>) target(%arg12 : memref<512x32xbf16, #tpu.memory_space<vmem>>) offsets(%dma_start3A_491 : memref<512xi32, #tpu.memory_space<vmem>>) semaphore(%arg16 : memref<!tpu.dma_semaphore, #tpu.memory_space<semaphore_mem>>)
      %dma_wait3A_495 = arith.constant 4 : i32
      %dma_wait3A_496 = arith.constant 0 : i32
      %dma_wait3A_497 = tpu.memref_slice %arg11[%dma_wait3A_495, %dma_wait3A_496] : memref<10x512xi32, #tpu.memory_space<vmem>> -> memref<1x512xi32, #tpu.memory_space<vmem>>
      %dma_wait3A_498 = tpu.memref_squeeze %dma_wait3A_497 : memref<1x512xi32, #tpu.memory_space<vmem>> -> memref<512xi32, #tpu.memory_space<vmem>>
      %dma_wait3A_499 = arith.constant 0 : i32
      %dma_wait3A_500 = arith.constant 0 : i32
      %dma_wait3A_501 = tpu.memref_slice %arg2[%dma_wait3A_499, %dma_wait3A_500] : memref<100096x32xbf16, #tpu.memory_space<hbm>> -> memref<100096x32xbf16, #tpu.memory_space<hbm>>
      tpu.wait_indirect_dma semaphore(%arg16 : memref<!tpu.dma_semaphore, #tpu.memory_space<semaphore_mem>>) src(%dma_wait3A_501 : memref<100096x32xbf16, #tpu.memory_space<hbm>>) dst(%arg12 : memref<512x32xbf16, #tpu.memory_space<vmem>>)
      %dma_start3A_502 = arith.constant 5 : i32
      %dma_start3A_503 = arith.constant 0 : i32
      %dma_start3A_504 = tpu.memref_slice %arg11[%dma_start3A_502, %dma_start3A_503] : memref<10x512xi32, #tpu.memory_space<vmem>> -> memref<1x512xi32, #tpu.memory_space<vmem>>
      %dma_start3A_505 = tpu.memref_squeeze %dma_start3A_504 : memref<1x512xi32, #tpu.memory_space<vmem>> -> memref<512xi32, #tpu.memory_space<vmem>>
      %dma_start3A_506 = arith.constant 0 : i32
      %dma_start3A_507 = arith.constant 0 : i32
      %dma_start3A_508 = tpu.memref_slice %arg8[%dma_start3A_506, %dma_start3A_507] : memref<50048x32xbf16, #tpu.memory_space<vmem_shared>> -> memref<50048x32xbf16, #tpu.memory_space<vmem_shared>>
      tpu.enqueue_indirect_dma source(%arg12 : memref<512x32xbf16, #tpu.memory_space<vmem>>) target(%dma_start3A_508 : memref<50048x32xbf16, #tpu.memory_space<vmem_shared>>) offsets(%dma_start3A_505 : memref<512xi32, #tpu.memory_space<vmem>>) semaphore(%arg18 : memref<!tpu.dma_semaphore, #tpu.memory_space<semaphore_mem>>) {add = true}
      %eq3A_509 = arith.constant 0 : i32
      %eq3A_510 = arith.cmpi eq, %arg0, %eq3A_509 : i32
      %convert_element_type3A_511 = arith.extui %eq3A_510 : i1 to i32
      %cond3A_512 = arith.constant 0 : i32
      %cond3A_513 = arith.cmpi ne, %convert_element_type3A_511, %cond3A_512 : i32
      scf.if %cond3A_513 {
        %dma_start3A_623 = arith.constant 5 : i32
        %dma_start3A_624 = arith.constant 0 : i32
        %dma_start3A_625 = tpu.memref_slice %arg11[%dma_start3A_623, %dma_start3A_624] : memref<10x512xi32, #tpu.memory_space<vmem>> -> memref<1x512xi32, #tpu.memory_space<vmem>>
        %dma_start3A_626 = tpu.memref_squeeze %dma_start3A_625 : memref<1x512xi32, #tpu.memory_space<vmem>> -> memref<512xi32, #tpu.memory_space<vmem>>
        %dma_start3A_627 = arith.constant 0 : i32
        %dma_start3A_628 = tpu.memref_slice %arg9[%dma_start3A_627] : memref<50048xf32, #tpu.memory_space<vmem_shared>> -> memref<50048xf32, #tpu.memory_space<vmem_shared>>
        tpu.enqueue_indirect_dma source(%arg14 : memref<512xf32, #tpu.memory_space<vmem>>) target(%dma_start3A_628 : memref<50048xf32, #tpu.memory_space<vmem_shared>>) offsets(%dma_start3A_626 : memref<512xi32, #tpu.memory_space<vmem>>) semaphore(%arg21 : memref<!tpu.dma_semaphore, #tpu.memory_space<semaphore_mem>>) {add = true}
      } else {
      }
      %dma_wait3A_514 = arith.constant 3 : i32
      %dma_wait3A_515 = arith.constant 0 : i32
      %dma_wait3A_516 = tpu.memref_slice %arg11[%dma_wait3A_514, %dma_wait3A_515] : memref<10x512xi32, #tpu.memory_space<vmem>> -> memref<1x512xi32, #tpu.memory_space<vmem>>
      %dma_wait3A_517 = tpu.memref_squeeze %dma_wait3A_516 : memref<1x512xi32, #tpu.memory_space<vmem>> -> memref<512xi32, #tpu.memory_space<vmem>>
      %dma_wait3A_518 = arith.constant 0 : i32
      %dma_wait3A_519 = arith.constant 0 : i32
      %dma_wait3A_520 = tpu.memref_slice %arg8[%dma_wait3A_518, %dma_wait3A_519] : memref<50048x32xbf16, #tpu.memory_space<vmem_shared>> -> memref<50048x32xbf16, #tpu.memory_space<vmem_shared>>
      tpu.wait_indirect_dma semaphore(%arg19 : memref<!tpu.dma_semaphore, #tpu.memory_space<semaphore_mem>>) src(%arg13 : memref<512x32xbf16, #tpu.memory_space<vmem>>) dst(%dma_wait3A_520 : memref<50048x32xbf16, #tpu.memory_space<vmem_shared>>)
      %dma_start3A_521 = arith.constant 6 : i32
      %dma_start3A_522 = arith.constant 0 : i32
      %dma_start3A_523 = tpu.memref_slice %arg11[%dma_start3A_521, %dma_start3A_522] : memref<10x512xi32, #tpu.memory_space<vmem>> -> memref<1x512xi32, #tpu.memory_space<vmem>>
      %dma_start3A_524 = tpu.memref_squeeze %dma_start3A_523 : memref<1x512xi32, #tpu.memory_space<vmem>> -> memref<512xi32, #tpu.memory_space<vmem>>
      %dma_start3A_525 = arith.constant 0 : i32
      %dma_start3A_526 = arith.constant 0 : i32
      %dma_start3A_527 = tpu.memref_slice %arg2[%dma_start3A_525, %dma_start3A_526] : memref<100096x32xbf16, #tpu.memory_space<hbm>> -> memref<100096x32xbf16, #tpu.memory_space<hbm>>
      tpu.enqueue_indirect_dma source(%dma_start3A_527 : memref<100096x32xbf16, #tpu.memory_space<hbm>>) target(%arg13 : memref<512x32xbf16, #tpu.memory_space<vmem>>) offsets(%dma_start3A_524 : memref<512xi32, #tpu.memory_space<vmem>>) semaphore(%arg17 : memref<!tpu.dma_semaphore, #tpu.memory_space<semaphore_mem>>)
      %dma_wait3A_528 = arith.constant 6 : i32
      %dma_wait3A_529 = arith.constant 0 : i32
      %dma_wait3A_530 = tpu.memref_slice %arg11[%dma_wait3A_528, %dma_wait3A_529] : memref<10x512xi32, #tpu.memory_space<vmem>> -> memref<1x512xi32, #tpu.memory_space<vmem>>
      %dma_wait3A_531 = tpu.memref_squeeze %dma_wait3A_530 : memref<1x512xi32, #tpu.memory_space<vmem>> -> memref<512xi32, #tpu.memory_space<vmem>>
      %dma_wait3A_532 = arith.constant 0 : i32
      %dma_wait3A_533 = arith.constant 0 : i32
      %dma_wait3A_534 = tpu.memref_slice %arg2[%dma_wait3A_532, %dma_wait3A_533] : memref<100096x32xbf16, #tpu.memory_space<hbm>> -> memref<100096x32xbf16, #tpu.memory_space<hbm>>
      tpu.wait_indirect_dma semaphore(%arg17 : memref<!tpu.dma_semaphore, #tpu.memory_space<semaphore_mem>>) src(%dma_wait3A_534 : memref<100096x32xbf16, #tpu.memory_space<hbm>>) dst(%arg13 : memref<512x32xbf16, #tpu.memory_space<vmem>>)
      %dma_start3A_535 = arith.constant 7 : i32
      %dma_start3A_536 = arith.constant 0 : i32
      %dma_start3A_537 = tpu.memref_slice %arg11[%dma_start3A_535, %dma_start3A_536] : memref<10x512xi32, #tpu.memory_space<vmem>> -> memref<1x512xi32, #tpu.memory_space<vmem>>
      %dma_start3A_538 = tpu.memref_squeeze %dma_start3A_537 : memref<1x512xi32, #tpu.memory_space<vmem>> -> memref<512xi32, #tpu.memory_space<vmem>>
      %dma_start3A_539 = arith.constant 0 : i32
      %dma_start3A_540 = arith.constant 0 : i32
      %dma_start3A_541 = tpu.memref_slice %arg8[%dma_start3A_539, %dma_start3A_540] : memref<50048x32xbf16, #tpu.memory_space<vmem_shared>> -> memref<50048x32xbf16, #tpu.memory_space<vmem_shared>>
      tpu.enqueue_indirect_dma source(%arg13 : memref<512x32xbf16, #tpu.memory_space<vmem>>) target(%dma_start3A_541 : memref<50048x32xbf16, #tpu.memory_space<vmem_shared>>) offsets(%dma_start3A_538 : memref<512xi32, #tpu.memory_space<vmem>>) semaphore(%arg19 : memref<!tpu.dma_semaphore, #tpu.memory_space<semaphore_mem>>) {add = true}
      %eq3A_542 = arith.constant 1 : i32
      %eq3A_543 = arith.cmpi eq, %arg0, %eq3A_542 : i32
      %convert_element_type3A_544 = arith.extui %eq3A_543 : i1 to i32
      %cond3A_545 = arith.constant 0 : i32
      %cond3A_546 = arith.cmpi ne, %convert_element_type3A_544, %cond3A_545 : i32
      scf.if %cond3A_546 {
        %dma_start3A_623 = arith.constant 7 : i32
        %dma_start3A_624 = arith.constant 0 : i32
        %dma_start3A_625 = tpu.memref_slice %arg11[%dma_start3A_623, %dma_start3A_624] : memref<10x512xi32, #tpu.memory_space<vmem>> -> memref<1x512xi32, #tpu.memory_space<vmem>>
        %dma_start3A_626 = tpu.memref_squeeze %dma_start3A_625 : memref<1x512xi32, #tpu.memory_space<vmem>> -> memref<512xi32, #tpu.memory_space<vmem>>
        %dma_start3A_627 = arith.constant 0 : i32
        %dma_start3A_628 = tpu.memref_slice %arg9[%dma_start3A_627] : memref<50048xf32, #tpu.memory_space<vmem_shared>> -> memref<50048xf32, #tpu.memory_space<vmem_shared>>
        tpu.enqueue_indirect_dma source(%arg14 : memref<512xf32, #tpu.memory_space<vmem>>) target(%dma_start3A_628 : memref<50048xf32, #tpu.memory_space<vmem_shared>>) offsets(%dma_start3A_626 : memref<512xi32, #tpu.memory_space<vmem>>) semaphore(%arg21 : memref<!tpu.dma_semaphore, #tpu.memory_space<semaphore_mem>>) {add = true}
      } else {
      }
      %dma_wait3A_547 = arith.constant 5 : i32
      %dma_wait3A_548 = arith.constant 0 : i32
      %dma_wait3A_549 = tpu.memref_slice %arg11[%dma_wait3A_547, %dma_wait3A_548] : memref<10x512xi32, #tpu.memory_space<vmem>> -> memref<1x512xi32, #tpu.memory_space<vmem>>
      %dma_wait3A_550 = tpu.memref_squeeze %dma_wait3A_549 : memref<1x512xi32, #tpu.memory_space<vmem>> -> memref<512xi32, #tpu.memory_space<vmem>>
      %dma_wait3A_551 = arith.constant 0 : i32
      %dma_wait3A_552 = arith.constant 0 : i32
      %dma_wait3A_553 = tpu.memref_slice %arg8[%dma_wait3A_551, %dma_wait3A_552] : memref<50048x32xbf16, #tpu.memory_space<vmem_shared>> -> memref<50048x32xbf16, #tpu.memory_space<vmem_shared>>
      tpu.wait_indirect_dma semaphore(%arg18 : memref<!tpu.dma_semaphore, #tpu.memory_space<semaphore_mem>>) src(%arg12 : memref<512x32xbf16, #tpu.memory_space<vmem>>) dst(%dma_wait3A_553 : memref<50048x32xbf16, #tpu.memory_space<vmem_shared>>)
      %dma_start3A_554 = arith.constant 8 : i32
      %dma_start3A_555 = arith.constant 0 : i32
      %dma_start3A_556 = tpu.memref_slice %arg11[%dma_start3A_554, %dma_start3A_555] : memref<10x512xi32, #tpu.memory_space<vmem>> -> memref<1x512xi32, #tpu.memory_space<vmem>>
      %dma_start3A_557 = tpu.memref_squeeze %dma_start3A_556 : memref<1x512xi32, #tpu.memory_space<vmem>> -> memref<512xi32, #tpu.memory_space<vmem>>
      %dma_start3A_558 = arith.constant 0 : i32
      %dma_start3A_559 = arith.constant 0 : i32
      %dma_start3A_560 = tpu.memref_slice %arg2[%dma_start3A_558, %dma_start3A_559] : memref<100096x32xbf16, #tpu.memory_space<hbm>> -> memref<100096x32xbf16, #tpu.memory_space<hbm>>
      tpu.enqueue_indirect_dma source(%dma_start3A_560 : memref<100096x32xbf16, #tpu.memory_space<hbm>>) target(%arg12 : memref<512x32xbf16, #tpu.memory_space<vmem>>) offsets(%dma_start3A_557 : memref<512xi32, #tpu.memory_space<vmem>>) semaphore(%arg16 : memref<!tpu.dma_semaphore, #tpu.memory_space<semaphore_mem>>)
      %dma_wait3A_561 = arith.constant 8 : i32
      %dma_wait3A_562 = arith.constant 0 : i32
      %dma_wait3A_563 = tpu.memref_slice %arg11[%dma_wait3A_561, %dma_wait3A_562] : memref<10x512xi32, #tpu.memory_space<vmem>> -> memref<1x512xi32, #tpu.memory_space<vmem>>
      %dma_wait3A_564 = tpu.memref_squeeze %dma_wait3A_563 : memref<1x512xi32, #tpu.memory_space<vmem>> -> memref<512xi32, #tpu.memory_space<vmem>>
      %dma_wait3A_565 = arith.constant 0 : i32
      %dma_wait3A_566 = arith.constant 0 : i32
      %dma_wait3A_567 = tpu.memref_slice %arg2[%dma_wait3A_565, %dma_wait3A_566] : memref<100096x32xbf16, #tpu.memory_space<hbm>> -> memref<100096x32xbf16, #tpu.memory_space<hbm>>
      tpu.wait_indirect_dma semaphore(%arg16 : memref<!tpu.dma_semaphore, #tpu.memory_space<semaphore_mem>>) src(%dma_wait3A_567 : memref<100096x32xbf16, #tpu.memory_space<hbm>>) dst(%arg12 : memref<512x32xbf16, #tpu.memory_space<vmem>>)
      %dma_start3A_568 = arith.constant 9 : i32
      %dma_start3A_569 = arith.constant 0 : i32
      %dma_start3A_570 = tpu.memref_slice %arg11[%dma_start3A_568, %dma_start3A_569] : memref<10x512xi32, #tpu.memory_space<vmem>> -> memref<1x512xi32, #tpu.memory_space<vmem>>
      %dma_start3A_571 = tpu.memref_squeeze %dma_start3A_570 : memref<1x512xi32, #tpu.memory_space<vmem>> -> memref<512xi32, #tpu.memory_space<vmem>>
      %dma_start3A_572 = arith.constant 0 : i32
      %dma_start3A_573 = arith.constant 0 : i32
      %dma_start3A_574 = tpu.memref_slice %arg8[%dma_start3A_572, %dma_start3A_573] : memref<50048x32xbf16, #tpu.memory_space<vmem_shared>> -> memref<50048x32xbf16, #tpu.memory_space<vmem_shared>>
      tpu.enqueue_indirect_dma source(%arg12 : memref<512x32xbf16, #tpu.memory_space<vmem>>) target(%dma_start3A_574 : memref<50048x32xbf16, #tpu.memory_space<vmem_shared>>) offsets(%dma_start3A_571 : memref<512xi32, #tpu.memory_space<vmem>>) semaphore(%arg18 : memref<!tpu.dma_semaphore, #tpu.memory_space<semaphore_mem>>) {add = true}
      %eq3A_575 = arith.constant 0 : i32
      %eq3A_576 = arith.cmpi eq, %arg0, %eq3A_575 : i32
      %convert_element_type3A_577 = arith.extui %eq3A_576 : i1 to i32
      %cond3A_578 = arith.constant 0 : i32
      %cond3A_579 = arith.cmpi ne, %convert_element_type3A_577, %cond3A_578 : i32
      scf.if %cond3A_579 {
        %dma_start3A_623 = arith.constant 9 : i32
        %dma_start3A_624 = arith.constant 0 : i32
        %dma_start3A_625 = tpu.memref_slice %arg11[%dma_start3A_623, %dma_start3A_624] : memref<10x512xi32, #tpu.memory_space<vmem>> -> memref<1x512xi32, #tpu.memory_space<vmem>>
        %dma_start3A_626 = tpu.memref_squeeze %dma_start3A_625 : memref<1x512xi32, #tpu.memory_space<vmem>> -> memref<512xi32, #tpu.memory_space<vmem>>
        %dma_start3A_627 = arith.constant 0 : i32
        %dma_start3A_628 = tpu.memref_slice %arg9[%dma_start3A_627] : memref<50048xf32, #tpu.memory_space<vmem_shared>> -> memref<50048xf32, #tpu.memory_space<vmem_shared>>
        tpu.enqueue_indirect_dma source(%arg14 : memref<512xf32, #tpu.memory_space<vmem>>) target(%dma_start3A_628 : memref<50048xf32, #tpu.memory_space<vmem_shared>>) offsets(%dma_start3A_626 : memref<512xi32, #tpu.memory_space<vmem>>) semaphore(%arg21 : memref<!tpu.dma_semaphore, #tpu.memory_space<semaphore_mem>>) {add = true}
      } else {
      }
      %eq3A_580 = arith.constant 0 : i32
      %eq3A_581 = arith.cmpi eq, %arg0, %eq3A_580 : i32
      %convert_element_type3A_582 = arith.extui %eq3A_581 : i1 to i32
      %cond3A_583 = arith.constant 0 : i32
      %cond3A_584 = arith.cmpi ne, %convert_element_type3A_582, %cond3A_583 : i32
      scf.if %cond3A_584 {
        %dma_wait3A_623 = arith.constant 1 : i32
        %dma_wait3A_624 = arith.constant 0 : i32
        %dma_wait3A_625 = tpu.memref_slice %arg11[%dma_wait3A_623, %dma_wait3A_624] : memref<10x512xi32, #tpu.memory_space<vmem>> -> memref<1x512xi32, #tpu.memory_space<vmem>>
        %dma_wait3A_626 = tpu.memref_squeeze %dma_wait3A_625 : memref<1x512xi32, #tpu.memory_space<vmem>> -> memref<512xi32, #tpu.memory_space<vmem>>
        %dma_wait3A_627 = arith.constant 0 : i32
        %dma_wait3A_628 = tpu.memref_slice %arg9[%dma_wait3A_627] : memref<50048xf32, #tpu.memory_space<vmem_shared>> -> memref<50048xf32, #tpu.memory_space<vmem_shared>>
        tpu.wait_indirect_dma semaphore(%arg21 : memref<!tpu.dma_semaphore, #tpu.memory_space<semaphore_mem>>) src(%arg14 : memref<512xf32, #tpu.memory_space<vmem>>) dst(%dma_wait3A_628 : memref<50048xf32, #tpu.memory_space<vmem_shared>>)
      } else {
      }
      %eq3A_585 = arith.constant 1 : i32
      %eq3A_586 = arith.cmpi eq, %arg0, %eq3A_585 : i32
      %convert_element_type3A_587 = arith.extui %eq3A_586 : i1 to i32
      %cond3A_588 = arith.constant 0 : i32
      %cond3A_589 = arith.cmpi ne, %convert_element_type3A_587, %cond3A_588 : i32
      scf.if %cond3A_589 {
        %dma_wait3A_623 = arith.constant 3 : i32
        %dma_wait3A_624 = arith.constant 0 : i32
        %dma_wait3A_625 = tpu.memref_slice %arg11[%dma_wait3A_623, %dma_wait3A_624] : memref<10x512xi32, #tpu.memory_space<vmem>> -> memref<1x512xi32, #tpu.memory_space<vmem>>
        %dma_wait3A_626 = tpu.memref_squeeze %dma_wait3A_625 : memref<1x512xi32, #tpu.memory_space<vmem>> -> memref<512xi32, #tpu.memory_space<vmem>>
        %dma_wait3A_627 = arith.constant 0 : i32
        %dma_wait3A_628 = tpu.memref_slice %arg9[%dma_wait3A_627] : memref<50048xf32, #tpu.memory_space<vmem_shared>> -> memref<50048xf32, #tpu.memory_space<vmem_shared>>
        tpu.wait_indirect_dma semaphore(%arg21 : memref<!tpu.dma_semaphore, #tpu.memory_space<semaphore_mem>>) src(%arg14 : memref<512xf32, #tpu.memory_space<vmem>>) dst(%dma_wait3A_628 : memref<50048xf32, #tpu.memory_space<vmem_shared>>)
      } else {
      }
      %eq3A_590 = arith.constant 0 : i32
      %eq3A_591 = arith.cmpi eq, %arg0, %eq3A_590 : i32
      %convert_element_type3A_592 = arith.extui %eq3A_591 : i1 to i32
      %cond3A_593 = arith.constant 0 : i32
      %cond3A_594 = arith.cmpi ne, %convert_element_type3A_592, %cond3A_593 : i32
      scf.if %cond3A_594 {
        %dma_wait3A_623 = arith.constant 5 : i32
        %dma_wait3A_624 = arith.constant 0 : i32
        %dma_wait3A_625 = tpu.memref_slice %arg11[%dma_wait3A_623, %dma_wait3A_624] : memref<10x512xi32, #tpu.memory_space<vmem>> -> memref<1x512xi32, #tpu.memory_space<vmem>>
        %dma_wait3A_626 = tpu.memref_squeeze %dma_wait3A_625 : memref<1x512xi32, #tpu.memory_space<vmem>> -> memref<512xi32, #tpu.memory_space<vmem>>
        %dma_wait3A_627 = arith.constant 0 : i32
        %dma_wait3A_628 = tpu.memref_slice %arg9[%dma_wait3A_627] : memref<50048xf32, #tpu.memory_space<vmem_shared>> -> memref<50048xf32, #tpu.memory_space<vmem_shared>>
        tpu.wait_indirect_dma semaphore(%arg21 : memref<!tpu.dma_semaphore, #tpu.memory_space<semaphore_mem>>) src(%arg14 : memref<512xf32, #tpu.memory_space<vmem>>) dst(%dma_wait3A_628 : memref<50048xf32, #tpu.memory_space<vmem_shared>>)
      } else {
      }
      %eq3A_595 = arith.constant 1 : i32
      %eq3A_596 = arith.cmpi eq, %arg0, %eq3A_595 : i32
      %convert_element_type3A_597 = arith.extui %eq3A_596 : i1 to i32
      %cond3A_598 = arith.constant 0 : i32
      %cond3A_599 = arith.cmpi ne, %convert_element_type3A_597, %cond3A_598 : i32
      scf.if %cond3A_599 {
        %dma_wait3A_623 = arith.constant 7 : i32
        %dma_wait3A_624 = arith.constant 0 : i32
        %dma_wait3A_625 = tpu.memref_slice %arg11[%dma_wait3A_623, %dma_wait3A_624] : memref<10x512xi32, #tpu.memory_space<vmem>> -> memref<1x512xi32, #tpu.memory_space<vmem>>
        %dma_wait3A_626 = tpu.memref_squeeze %dma_wait3A_625 : memref<1x512xi32, #tpu.memory_space<vmem>> -> memref<512xi32, #tpu.memory_space<vmem>>
        %dma_wait3A_627 = arith.constant 0 : i32
        %dma_wait3A_628 = tpu.memref_slice %arg9[%dma_wait3A_627] : memref<50048xf32, #tpu.memory_space<vmem_shared>> -> memref<50048xf32, #tpu.memory_space<vmem_shared>>
        tpu.wait_indirect_dma semaphore(%arg21 : memref<!tpu.dma_semaphore, #tpu.memory_space<semaphore_mem>>) src(%arg14 : memref<512xf32, #tpu.memory_space<vmem>>) dst(%dma_wait3A_628 : memref<50048xf32, #tpu.memory_space<vmem_shared>>)
      } else {
      }
      %eq3A_600 = arith.constant 0 : i32
      %eq3A_601 = arith.cmpi eq, %arg0, %eq3A_600 : i32
      %convert_element_type3A_602 = arith.extui %eq3A_601 : i1 to i32
      %cond3A_603 = arith.constant 0 : i32
      %cond3A_604 = arith.cmpi ne, %convert_element_type3A_602, %cond3A_603 : i32
      scf.if %cond3A_604 {
        %dma_wait3A_623 = arith.constant 9 : i32
        %dma_wait3A_624 = arith.constant 0 : i32
        %dma_wait3A_625 = tpu.memref_slice %arg11[%dma_wait3A_623, %dma_wait3A_624] : memref<10x512xi32, #tpu.memory_space<vmem>> -> memref<1x512xi32, #tpu.memory_space<vmem>>
        %dma_wait3A_626 = tpu.memref_squeeze %dma_wait3A_625 : memref<1x512xi32, #tpu.memory_space<vmem>> -> memref<512xi32, #tpu.memory_space<vmem>>
        %dma_wait3A_627 = arith.constant 0 : i32
        %dma_wait3A_628 = tpu.memref_slice %arg9[%dma_wait3A_627] : memref<50048xf32, #tpu.memory_space<vmem_shared>> -> memref<50048xf32, #tpu.memory_space<vmem_shared>>
        tpu.wait_indirect_dma semaphore(%arg21 : memref<!tpu.dma_semaphore, #tpu.memory_space<semaphore_mem>>) src(%arg14 : memref<512xf32, #tpu.memory_space<vmem>>) dst(%dma_wait3A_628 : memref<50048xf32, #tpu.memory_space<vmem_shared>>)
      } else {
      }
      %dma_wait3A_605 = arith.constant 7 : i32
      %dma_wait3A_606 = arith.constant 0 : i32
      %dma_wait3A_607 = tpu.memref_slice %arg11[%dma_wait3A_605, %dma_wait3A_606] : memref<10x512xi32, #tpu.memory_space<vmem>> -> memref<1x512xi32, #tpu.memory_space<vmem>>
      %dma_wait3A_608 = tpu.memref_squeeze %dma_wait3A_607 : memref<1x512xi32, #tpu.memory_space<vmem>> -> memref<512xi32, #tpu.memory_space<vmem>>
      %dma_wait3A_609 = arith.constant 0 : i32
      %dma_wait3A_610 = arith.constant 0 : i32
      %dma_wait3A_611 = tpu.memref_slice %arg8[%dma_wait3A_609, %dma_wait3A_610] : memref<50048x32xbf16, #tpu.memory_space<vmem_shared>> -> memref<50048x32xbf16, #tpu.memory_space<vmem_shared>>
      tpu.wait_indirect_dma semaphore(%arg19 : memref<!tpu.dma_semaphore, #tpu.memory_space<semaphore_mem>>) src(%arg13 : memref<512x32xbf16, #tpu.memory_space<vmem>>) dst(%dma_wait3A_611 : memref<50048x32xbf16, #tpu.memory_space<vmem_shared>>)
      %dma_wait3A_612 = arith.constant 9 : i32
      %dma_wait3A_613 = arith.constant 0 : i32
      %dma_wait3A_614 = tpu.memref_slice %arg11[%dma_wait3A_612, %dma_wait3A_613] : memref<10x512xi32, #tpu.memory_space<vmem>> -> memref<1x512xi32, #tpu.memory_space<vmem>>
      %dma_wait3A_615 = tpu.memref_squeeze %dma_wait3A_614 : memref<1x512xi32, #tpu.memory_space<vmem>> -> memref<512xi32, #tpu.memory_space<vmem>>
      %dma_wait3A_616 = arith.constant 0 : i32
      %dma_wait3A_617 = arith.constant 0 : i32
      %dma_wait3A_618 = tpu.memref_slice %arg8[%dma_wait3A_616, %dma_wait3A_617] : memref<50048x32xbf16, #tpu.memory_space<vmem_shared>> -> memref<50048x32xbf16, #tpu.memory_space<vmem_shared>>
      tpu.wait_indirect_dma semaphore(%arg18 : memref<!tpu.dma_semaphore, #tpu.memory_space<semaphore_mem>>) src(%arg12 : memref<512x32xbf16, #tpu.memory_space<vmem>>) dst(%dma_wait3A_618 : memref<50048x32xbf16, #tpu.memory_space<vmem_shared>>)
      %dma_wait3A_619 = arith.constant 0 : i32
      %dma_wait3A_620 = tpu.memref_slice %arg3[%add3A_424, %dma_wait3A_619] : memref<6410x512xi32, #tpu.memory_space<hbm>> -> memref<10x512xi32, #tpu.memory_space<hbm>>
      %dma_wait3A_621 = arith.constant 0 : i32
      %dma_wait3A_622 = tpu.memref_slice %arg3[%add3A_424, %dma_wait3A_621] : memref<6410x512xi32, #tpu.memory_space<hbm>> -> memref<10x512xi32, #tpu.memory_space<hbm>>
      tpu.wait_dma2 semaphore(%arg20 : memref<!tpu.dma_semaphore, #tpu.memory_space<semaphore_mem>>) src(%dma_wait3A_622 : memref<10x512xi32, #tpu.memory_space<hbm>>) dst(%arg10 : memref<10x512xi32, #tpu.memory_space<vmem>>)
    }
    %scan3A_203 = arith.constant 10 : i32
    %barrier3A_204 = arith.constant 0 : index
    tpu.barrier barrier_id(%barrier3A_204)
    %mul3A_205 = arith.constant 50048 : i32
    %mul3A_206 = arith.muli %arg0, %mul3A_205 : i32
    %add3A_207 = arith.addi %mul3A_206, %mul3A_0 : i32
    "tpu.region"() ({
      %run_scoped3A = tpu.sem_alloc : memref<!tpu.dma_semaphore, #tpu.memory_space<semaphore_mem>>
      %dma_start3A = arith.constant 0 : i32
      %dma_start3A_211 = tpu.memref_slice %arg6[%add3A_207, %dma_start3A] : memref<100096x32xbf16, #tpu.memory_space<hbm>> -> memref<3128x32xbf16, #tpu.memory_space<hbm>>
      %dma_start3A_212 = arith.constant 0 : i32
      %dma_start3A_213 = tpu.memref_slice %arg8[%mul3A_0, %dma_start3A_212] : memref<50048x32xbf16, #tpu.memory_space<vmem_shared>> -> memref<3128x32xbf16, #tpu.memory_space<vmem_shared>>
      tpu.enqueue_dma source(%dma_start3A_213 : memref<3128x32xbf16, #tpu.memory_space<vmem_shared>>) target(%dma_start3A_211 : memref<3128x32xbf16, #tpu.memory_space<hbm>>) target_semaphore(%run_scoped3A : memref<!tpu.dma_semaphore, #tpu.memory_space<semaphore_mem>>)
      %dma_wait3A = arith.constant 0 : i32
      %dma_wait3A_214 = tpu.memref_slice %arg6[%add3A_207, %dma_wait3A] : memref<100096x32xbf16, #tpu.memory_space<hbm>> -> memref<3128x32xbf16, #tpu.memory_space<hbm>>
      %dma_wait3A_215 = arith.constant 0 : i32
      %dma_wait3A_216 = tpu.memref_slice %arg8[%mul3A_0, %dma_wait3A_215] : memref<50048x32xbf16, #tpu.memory_space<vmem_shared>> -> memref<3128x32xbf16, #tpu.memory_space<vmem_shared>>
      tpu.wait_dma2 semaphore(%run_scoped3A : memref<!tpu.dma_semaphore, #tpu.memory_space<semaphore_mem>>) src(%dma_wait3A_216 : memref<3128x32xbf16, #tpu.memory_space<vmem_shared>>) dst(%dma_wait3A_214 : memref<3128x32xbf16, #tpu.memory_space<hbm>>)
      tpu.yield
    }) : () -> ()
    "tpu.region"() ({
      %run_scoped3A = tpu.sem_alloc : memref<!tpu.dma_semaphore, #tpu.memory_space<semaphore_mem>>
      %dma_start3A = tpu.memref_slice %arg9[%mul3A_0] : memref<50048xf32, #tpu.memory_space<vmem_shared>> -> memref<3128xf32, #tpu.memory_space<vmem_shared>>
      %dma_start3A_211 = tpu.memref_slice %arg9[%mul3A_0] : memref<50048xf32, #tpu.memory_space<vmem_shared>> -> memref<3128xf32, #tpu.memory_space<vmem_shared>>
      tpu.enqueue_dma source(%dma_start3A_211 : memref<3128xf32, #tpu.memory_space<vmem_shared>>) target(%arg15 : memref<3128xf32, #tpu.memory_space<vmem>>) target_semaphore(%run_scoped3A : memref<!tpu.dma_semaphore, #tpu.memory_space<semaphore_mem>>)
      %dma_wait3A = tpu.memref_slice %arg9[%mul3A_0] : memref<50048xf32, #tpu.memory_space<vmem_shared>> -> memref<3128xf32, #tpu.memory_space<vmem_shared>>
      %dma_wait3A_212 = tpu.memref_slice %arg9[%mul3A_0] : memref<50048xf32, #tpu.memory_space<vmem_shared>> -> memref<3128xf32, #tpu.memory_space<vmem_shared>>
      tpu.wait_dma2 semaphore(%run_scoped3A : memref<!tpu.dma_semaphore, #tpu.memory_space<semaphore_mem>>) src(%dma_wait3A_212 : memref<3128xf32, #tpu.memory_space<vmem_shared>>) dst(%arg15 : memref<3128xf32, #tpu.memory_space<vmem>>)
      tpu.yield
    }) : () -> ()
    %mul3A_208 = arith.constant 50048 : i32
    %mul3A_209 = arith.muli %arg0, %mul3A_208 : i32
    %add3A_210 = arith.addi %mul3A_209, %mul3A_0 : i32
    "tpu.region"() ({
      %run_scoped3A = tpu.sem_alloc : memref<!tpu.dma_semaphore, #tpu.memory_space<semaphore_mem>>
      %dma_start3A = tpu.memref_slice %arg7[%add3A_210] : memref<100096xf32, #tpu.memory_space<hbm>> -> memref<3128xf32, #tpu.memory_space<hbm>>
      %dma_start3A_211 = tpu.memref_slice %arg7[%add3A_210] : memref<100096xf32, #tpu.memory_space<hbm>> -> memref<3128xf32, #tpu.memory_space<hbm>>
      tpu.enqueue_dma source(%arg15 : memref<3128xf32, #tpu.memory_space<vmem>>) target(%dma_start3A_211 : memref<3128xf32, #tpu.memory_space<hbm>>) target_semaphore(%run_scoped3A : memref<!tpu.dma_semaphore, #tpu.memory_space<semaphore_mem>>)
      %dma_wait3A = tpu.memref_slice %arg7[%add3A_210] : memref<100096xf32, #tpu.memory_space<hbm>> -> memref<3128xf32, #tpu.memory_space<hbm>>
      %dma_wait3A_212 = tpu.memref_slice %arg7[%add3A_210] : memref<100096xf32, #tpu.memory_space<hbm>> -> memref<3128xf32, #tpu.memory_space<hbm>>
      tpu.wait_dma2 semaphore(%run_scoped3A : memref<!tpu.dma_semaphore, #tpu.memory_space<semaphore_mem>>) src(%arg15 : memref<3128xf32, #tpu.memory_space<vmem>>) dst(%dma_wait3A_212 : memref<3128xf32, #tpu.memory_space<hbm>>)
      tpu.yield
    }) : () -> ()
    return
  }
}

#map = affine_map<(d0, d1) -> (0, 0)>
module attributes {stable_mosaic.version = 14 : i64} {
  func.func @_sc_body(%arg0: i32, %arg1: i32, %arg2: memref<100096x32xbf16, #tpu.memory_space<hbm>>, %arg3: memref<6410x512xi32, #tpu.memory_space<hbm>>, %arg4: memref<50048x32xbf16, #tpu.memory_space<hbm>>, %arg5: memref<100096x32xbf16, #tpu.memory_space<hbm>>, %arg6: memref<50048x32xbf16, #tpu.memory_space<vmem_shared>>, %arg7: memref<10x512xi32, #tpu.memory_space<vmem>>, %arg8: memref<10x512xi32, #tpu.memory_space<vmem>>, %arg9: memref<512x32xbf16, #tpu.memory_space<vmem>>, %arg10: memref<512x32xbf16, #tpu.memory_space<vmem>>, %arg11: memref<!tpu.dma_semaphore, #tpu.memory_space<semaphore_mem>>, %arg12: memref<!tpu.dma_semaphore, #tpu.memory_space<semaphore_mem>>, %arg13: memref<!tpu.dma_semaphore, #tpu.memory_space<semaphore_mem>>, %arg14: memref<!tpu.dma_semaphore, #tpu.memory_space<semaphore_mem>>, %arg15: memref<!tpu.dma_semaphore, #tpu.memory_space<semaphore_mem>>) attributes {dimension_semantics = [#tpu.dimension_semantics<core_parallel>, #tpu.dimension_semantics<subcore_parallel>], iteration_bounds = array<i64: 2, 16>, scalar_prefetch = 0 : i64, scratch_operands = 10 : i64, tpu.core_type = #tpu.core_type<sc_vector_subcore>, window_params = [{transform_indices = #map}, {transform_indices = #map}, {transform_indices = #map}, {transform_indices = #map}]} {
    %mul3A = arith.constant 3128 : i32
    %mul3A_0 = arith.muli %arg1, %mul3A : i32
    "tpu.region"() ({
      %run_scoped3A = tpu.sem_alloc : memref<!tpu.dma_semaphore, #tpu.memory_space<semaphore_mem>>
      %dma_start3A = arith.constant 0 : i32
      %dma_start3A_18 = tpu.memref_slice %arg6[%mul3A_0, %dma_start3A] : memref<50048x32xbf16, #tpu.memory_space<vmem_shared>> -> memref<3128x32xbf16, #tpu.memory_space<vmem_shared>>
      %dma_start3A_19 = arith.constant 0 : i32
      %dma_start3A_20 = tpu.memref_slice %arg4[%mul3A_0, %dma_start3A_19] : memref<50048x32xbf16, #tpu.memory_space<hbm>> -> memref<3128x32xbf16, #tpu.memory_space<hbm>>
      tpu.enqueue_dma source(%dma_start3A_20 : memref<3128x32xbf16, #tpu.memory_space<hbm>>) target(%dma_start3A_18 : memref<3128x32xbf16, #tpu.memory_space<vmem_shared>>) target_semaphore(%run_scoped3A : memref<!tpu.dma_semaphore, #tpu.memory_space<semaphore_mem>>)
      %dma_wait3A = arith.constant 0 : i32
      %dma_wait3A_21 = tpu.memref_slice %arg6[%mul3A_0, %dma_wait3A] : memref<50048x32xbf16, #tpu.memory_space<vmem_shared>> -> memref<3128x32xbf16, #tpu.memory_space<vmem_shared>>
      %dma_wait3A_22 = arith.constant 0 : i32
      %dma_wait3A_23 = tpu.memref_slice %arg4[%mul3A_0, %dma_wait3A_22] : memref<50048x32xbf16, #tpu.memory_space<hbm>> -> memref<3128x32xbf16, #tpu.memory_space<hbm>>
      tpu.wait_dma2 semaphore(%run_scoped3A : memref<!tpu.dma_semaphore, #tpu.memory_space<semaphore_mem>>) src(%dma_wait3A_23 : memref<3128x32xbf16, #tpu.memory_space<hbm>>) dst(%dma_wait3A_21 : memref<3128x32xbf16, #tpu.memory_space<vmem_shared>>)
      tpu.yield
    }) : () -> ()
    %barrier3A = arith.constant 0 : index
    tpu.barrier barrier_id(%barrier3A)
    %mul3A_1 = arith.constant 16 : i32
    %mul3A_2 = arith.muli %arg0, %mul3A_1 : i32
    %add3A = arith.addi %mul3A_2, %arg1 : i32
    %mul3A_3 = arith.constant 20 : i32
    %mul3A_4 = arith.muli %add3A, %mul3A_3 : i32
    %mul3A_5 = arith.constant 2 : i32
    %mul3A_6 = arith.muli %mul3A_4, %mul3A_5 : i32
    %mul3A_7 = arith.constant 5 : i32
    %mul3A_8 = arith.muli %mul3A_6, %mul3A_7 : i32
    "tpu.region"() ({
      %run_scoped3A = tpu.sem_alloc : memref<!tpu.dma_semaphore, #tpu.memory_space<semaphore_mem>>
      %dma_start3A = arith.constant 0 : i32
      %dma_start3A_18 = tpu.memref_slice %arg3[%mul3A_8, %dma_start3A] : memref<6410x512xi32, #tpu.memory_space<hbm>> -> memref<10x512xi32, #tpu.memory_space<hbm>>
      %dma_start3A_19 = arith.constant 0 : i32
      %dma_start3A_20 = tpu.memref_slice %arg3[%mul3A_8, %dma_start3A_19] : memref<6410x512xi32, #tpu.memory_space<hbm>> -> memref<10x512xi32, #tpu.memory_space<hbm>>
      tpu.enqueue_dma source(%dma_start3A_20 : memref<10x512xi32, #tpu.memory_space<hbm>>) target(%arg7 : memref<10x512xi32, #tpu.memory_space<vmem>>) target_semaphore(%run_scoped3A : memref<!tpu.dma_semaphore, #tpu.memory_space<semaphore_mem>>)
      %dma_wait3A = arith.constant 0 : i32
      %dma_wait3A_21 = tpu.memref_slice %arg3[%mul3A_8, %dma_wait3A] : memref<6410x512xi32, #tpu.memory_space<hbm>> -> memref<10x512xi32, #tpu.memory_space<hbm>>
      %dma_wait3A_22 = arith.constant 0 : i32
      %dma_wait3A_23 = tpu.memref_slice %arg3[%mul3A_8, %dma_wait3A_22] : memref<6410x512xi32, #tpu.memory_space<hbm>> -> memref<10x512xi32, #tpu.memory_space<hbm>>
      tpu.wait_dma2 semaphore(%run_scoped3A : memref<!tpu.dma_semaphore, #tpu.memory_space<semaphore_mem>>) src(%dma_wait3A_23 : memref<10x512xi32, #tpu.memory_space<hbm>>) dst(%arg7 : memref<10x512xi32, #tpu.memory_space<vmem>>)
      tpu.yield
    }) : () -> ()
    %scan3A = arith.constant 0 : i32
    %scan3A_9 = arith.constant 0 : i32
    %scan3A_10 = arith.constant 10 : i32
    %scan3A_11 = arith.addi %scan3A_9, %scan3A_10 : i32
    %scan3A_12 = arith.constant 1 : i32
    scf.for %scan3A_18 = %scan3A_9 to %scan3A_11 step %scan3A_12  : i32 {
      %mul3A_19 = arith.constant 2 : i32
      %mul3A_20 = arith.muli %mul3A_19, %scan3A_18 : i32
      %add3A_21 = arith.constant 1 : i32
      %add3A_22 = arith.addi %mul3A_20, %add3A_21 : i32
      %mul3A_23 = arith.constant 2 : i32
      %mul3A_24 = arith.muli %add3A_22, %mul3A_23 : i32
      %mul3A_25 = arith.constant 5 : i32
      %mul3A_26 = arith.muli %mul3A_24, %mul3A_25 : i32
      %add3A_27 = arith.addi %mul3A_8, %mul3A_26 : i32
      %dma_start3A = arith.constant 0 : i32
      %dma_start3A_28 = tpu.memref_slice %arg3[%add3A_27, %dma_start3A] : memref<6410x512xi32, #tpu.memory_space<hbm>> -> memref<10x512xi32, #tpu.memory_space<hbm>>
      %dma_start3A_29 = arith.constant 0 : i32
      %dma_start3A_30 = tpu.memref_slice %arg3[%add3A_27, %dma_start3A_29] : memref<6410x512xi32, #tpu.memory_space<hbm>> -> memref<10x512xi32, #tpu.memory_space<hbm>>
      tpu.enqueue_dma source(%dma_start3A_30 : memref<10x512xi32, #tpu.memory_space<hbm>>) target(%arg8 : memref<10x512xi32, #tpu.memory_space<vmem>>) target_semaphore(%arg15 : memref<!tpu.dma_semaphore, #tpu.memory_space<semaphore_mem>>)
      %dma_start3A_31 = arith.constant 0 : i32
      %dma_start3A_32 = arith.constant 0 : i32
      %dma_start3A_33 = tpu.memref_slice %arg7[%dma_start3A_31, %dma_start3A_32] : memref<10x512xi32, #tpu.memory_space<vmem>> -> memref<1x512xi32, #tpu.memory_space<vmem>>
      %dma_start3A_34 = tpu.memref_squeeze %dma_start3A_33 : memref<1x512xi32, #tpu.memory_space<vmem>> -> memref<512xi32, #tpu.memory_space<vmem>>
      %dma_start3A_35 = arith.constant 0 : i32
      %dma_start3A_36 = arith.constant 0 : i32
      %dma_start3A_37 = tpu.memref_slice %arg2[%dma_start3A_35, %dma_start3A_36] : memref<100096x32xbf16, #tpu.memory_space<hbm>> -> memref<100096x32xbf16, #tpu.memory_space<hbm>>
      tpu.enqueue_indirect_dma source(%dma_start3A_37 : memref<100096x32xbf16, #tpu.memory_space<hbm>>) target(%arg9 : memref<512x32xbf16, #tpu.memory_space<vmem>>) offsets(%dma_start3A_34 : memref<512xi32, #tpu.memory_space<vmem>>) semaphore(%arg11 : memref<!tpu.dma_semaphore, #tpu.memory_space<semaphore_mem>>)
      %dma_wait3A = arith.constant 0 : i32
      %dma_wait3A_38 = arith.constant 0 : i32
      %dma_wait3A_39 = tpu.memref_slice %arg7[%dma_wait3A, %dma_wait3A_38] : memref<10x512xi32, #tpu.memory_space<vmem>> -> memref<1x512xi32, #tpu.memory_space<vmem>>
      %dma_wait3A_40 = tpu.memref_squeeze %dma_wait3A_39 : memref<1x512xi32, #tpu.memory_space<vmem>> -> memref<512xi32, #tpu.memory_space<vmem>>
      %dma_wait3A_41 = arith.constant 0 : i32
      %dma_wait3A_42 = arith.constant 0 : i32
      %dma_wait3A_43 = tpu.memref_slice %arg2[%dma_wait3A_41, %dma_wait3A_42] : memref<100096x32xbf16, #tpu.memory_space<hbm>> -> memref<100096x32xbf16, #tpu.memory_space<hbm>>
      tpu.wait_indirect_dma semaphore(%arg11 : memref<!tpu.dma_semaphore, #tpu.memory_space<semaphore_mem>>) src(%dma_wait3A_43 : memref<100096x32xbf16, #tpu.memory_space<hbm>>) dst(%arg9 : memref<512x32xbf16, #tpu.memory_space<vmem>>)
      %dma_start3A_44 = arith.constant 1 : i32
      %dma_start3A_45 = arith.constant 0 : i32
      %dma_start3A_46 = tpu.memref_slice %arg7[%dma_start3A_44, %dma_start3A_45] : memref<10x512xi32, #tpu.memory_space<vmem>> -> memref<1x512xi32, #tpu.memory_space<vmem>>
      %dma_start3A_47 = tpu.memref_squeeze %dma_start3A_46 : memref<1x512xi32, #tpu.memory_space<vmem>> -> memref<512xi32, #tpu.memory_space<vmem>>
      %dma_start3A_48 = arith.constant 0 : i32
      %dma_start3A_49 = arith.constant 0 : i32
      %dma_start3A_50 = tpu.memref_slice %arg6[%dma_start3A_48, %dma_start3A_49] : memref<50048x32xbf16, #tpu.memory_space<vmem_shared>> -> memref<50048x32xbf16, #tpu.memory_space<vmem_shared>>
      tpu.enqueue_indirect_dma source(%arg9 : memref<512x32xbf16, #tpu.memory_space<vmem>>) target(%dma_start3A_50 : memref<50048x32xbf16, #tpu.memory_space<vmem_shared>>) offsets(%dma_start3A_47 : memref<512xi32, #tpu.memory_space<vmem>>) semaphore(%arg13 : memref<!tpu.dma_semaphore, #tpu.memory_space<semaphore_mem>>) {add = true}
      %dma_start3A_51 = arith.constant 2 : i32
      %dma_start3A_52 = arith.constant 0 : i32
      %dma_start3A_53 = tpu.memref_slice %arg7[%dma_start3A_51, %dma_start3A_52] : memref<10x512xi32, #tpu.memory_space<vmem>> -> memref<1x512xi32, #tpu.memory_space<vmem>>
      %dma_start3A_54 = tpu.memref_squeeze %dma_start3A_53 : memref<1x512xi32, #tpu.memory_space<vmem>> -> memref<512xi32, #tpu.memory_space<vmem>>
      %dma_start3A_55 = arith.constant 0 : i32
      %dma_start3A_56 = arith.constant 0 : i32
      %dma_start3A_57 = tpu.memref_slice %arg2[%dma_start3A_55, %dma_start3A_56] : memref<100096x32xbf16, #tpu.memory_space<hbm>> -> memref<100096x32xbf16, #tpu.memory_space<hbm>>
      tpu.enqueue_indirect_dma source(%dma_start3A_57 : memref<100096x32xbf16, #tpu.memory_space<hbm>>) target(%arg10 : memref<512x32xbf16, #tpu.memory_space<vmem>>) offsets(%dma_start3A_54 : memref<512xi32, #tpu.memory_space<vmem>>) semaphore(%arg12 : memref<!tpu.dma_semaphore, #tpu.memory_space<semaphore_mem>>)
      %dma_wait3A_58 = arith.constant 2 : i32
      %dma_wait3A_59 = arith.constant 0 : i32
      %dma_wait3A_60 = tpu.memref_slice %arg7[%dma_wait3A_58, %dma_wait3A_59] : memref<10x512xi32, #tpu.memory_space<vmem>> -> memref<1x512xi32, #tpu.memory_space<vmem>>
      %dma_wait3A_61 = tpu.memref_squeeze %dma_wait3A_60 : memref<1x512xi32, #tpu.memory_space<vmem>> -> memref<512xi32, #tpu.memory_space<vmem>>
      %dma_wait3A_62 = arith.constant 0 : i32
      %dma_wait3A_63 = arith.constant 0 : i32
      %dma_wait3A_64 = tpu.memref_slice %arg2[%dma_wait3A_62, %dma_wait3A_63] : memref<100096x32xbf16, #tpu.memory_space<hbm>> -> memref<100096x32xbf16, #tpu.memory_space<hbm>>
      tpu.wait_indirect_dma semaphore(%arg12 : memref<!tpu.dma_semaphore, #tpu.memory_space<semaphore_mem>>) src(%dma_wait3A_64 : memref<100096x32xbf16, #tpu.memory_space<hbm>>) dst(%arg10 : memref<512x32xbf16, #tpu.memory_space<vmem>>)
      %dma_start3A_65 = arith.constant 3 : i32
      %dma_start3A_66 = arith.constant 0 : i32
      %dma_start3A_67 = tpu.memref_slice %arg7[%dma_start3A_65, %dma_start3A_66] : memref<10x512xi32, #tpu.memory_space<vmem>> -> memref<1x512xi32, #tpu.memory_space<vmem>>
      %dma_start3A_68 = tpu.memref_squeeze %dma_start3A_67 : memref<1x512xi32, #tpu.memory_space<vmem>> -> memref<512xi32, #tpu.memory_space<vmem>>
      %dma_start3A_69 = arith.constant 0 : i32
      %dma_start3A_70 = arith.constant 0 : i32
      %dma_start3A_71 = tpu.memref_slice %arg6[%dma_start3A_69, %dma_start3A_70] : memref<50048x32xbf16, #tpu.memory_space<vmem_shared>> -> memref<50048x32xbf16, #tpu.memory_space<vmem_shared>>
      tpu.enqueue_indirect_dma source(%arg10 : memref<512x32xbf16, #tpu.memory_space<vmem>>) target(%dma_start3A_71 : memref<50048x32xbf16, #tpu.memory_space<vmem_shared>>) offsets(%dma_start3A_68 : memref<512xi32, #tpu.memory_space<vmem>>) semaphore(%arg14 : memref<!tpu.dma_semaphore, #tpu.memory_space<semaphore_mem>>) {add = true}
      %dma_wait3A_72 = arith.constant 1 : i32
      %dma_wait3A_73 = arith.constant 0 : i32
      %dma_wait3A_74 = tpu.memref_slice %arg7[%dma_wait3A_72, %dma_wait3A_73] : memref<10x512xi32, #tpu.memory_space<vmem>> -> memref<1x512xi32, #tpu.memory_space<vmem>>
      %dma_wait3A_75 = tpu.memref_squeeze %dma_wait3A_74 : memref<1x512xi32, #tpu.memory_space<vmem>> -> memref<512xi32, #tpu.memory_space<vmem>>
      %dma_wait3A_76 = arith.constant 0 : i32
      %dma_wait3A_77 = arith.constant 0 : i32
      %dma_wait3A_78 = tpu.memref_slice %arg6[%dma_wait3A_76, %dma_wait3A_77] : memref<50048x32xbf16, #tpu.memory_space<vmem_shared>> -> memref<50048x32xbf16, #tpu.memory_space<vmem_shared>>
      tpu.wait_indirect_dma semaphore(%arg13 : memref<!tpu.dma_semaphore, #tpu.memory_space<semaphore_mem>>) src(%arg9 : memref<512x32xbf16, #tpu.memory_space<vmem>>) dst(%dma_wait3A_78 : memref<50048x32xbf16, #tpu.memory_space<vmem_shared>>)
      %dma_start3A_79 = arith.constant 4 : i32
      %dma_start3A_80 = arith.constant 0 : i32
      %dma_start3A_81 = tpu.memref_slice %arg7[%dma_start3A_79, %dma_start3A_80] : memref<10x512xi32, #tpu.memory_space<vmem>> -> memref<1x512xi32, #tpu.memory_space<vmem>>
      %dma_start3A_82 = tpu.memref_squeeze %dma_start3A_81 : memref<1x512xi32, #tpu.memory_space<vmem>> -> memref<512xi32, #tpu.memory_space<vmem>>
      %dma_start3A_83 = arith.constant 0 : i32
      %dma_start3A_84 = arith.constant 0 : i32
      %dma_start3A_85 = tpu.memref_slice %arg2[%dma_start3A_83, %dma_start3A_84] : memref<100096x32xbf16, #tpu.memory_space<hbm>> -> memref<100096x32xbf16, #tpu.memory_space<hbm>>
      tpu.enqueue_indirect_dma source(%dma_start3A_85 : memref<100096x32xbf16, #tpu.memory_space<hbm>>) target(%arg9 : memref<512x32xbf16, #tpu.memory_space<vmem>>) offsets(%dma_start3A_82 : memref<512xi32, #tpu.memory_space<vmem>>) semaphore(%arg11 : memref<!tpu.dma_semaphore, #tpu.memory_space<semaphore_mem>>)
      %dma_wait3A_86 = arith.constant 4 : i32
      %dma_wait3A_87 = arith.constant 0 : i32
      %dma_wait3A_88 = tpu.memref_slice %arg7[%dma_wait3A_86, %dma_wait3A_87] : memref<10x512xi32, #tpu.memory_space<vmem>> -> memref<1x512xi32, #tpu.memory_space<vmem>>
      %dma_wait3A_89 = tpu.memref_squeeze %dma_wait3A_88 : memref<1x512xi32, #tpu.memory_space<vmem>> -> memref<512xi32, #tpu.memory_space<vmem>>
      %dma_wait3A_90 = arith.constant 0 : i32
      %dma_wait3A_91 = arith.constant 0 : i32
      %dma_wait3A_92 = tpu.memref_slice %arg2[%dma_wait3A_90, %dma_wait3A_91] : memref<100096x32xbf16, #tpu.memory_space<hbm>> -> memref<100096x32xbf16, #tpu.memory_space<hbm>>
      tpu.wait_indirect_dma semaphore(%arg11 : memref<!tpu.dma_semaphore, #tpu.memory_space<semaphore_mem>>) src(%dma_wait3A_92 : memref<100096x32xbf16, #tpu.memory_space<hbm>>) dst(%arg9 : memref<512x32xbf16, #tpu.memory_space<vmem>>)
      %dma_start3A_93 = arith.constant 5 : i32
      %dma_start3A_94 = arith.constant 0 : i32
      %dma_start3A_95 = tpu.memref_slice %arg7[%dma_start3A_93, %dma_start3A_94] : memref<10x512xi32, #tpu.memory_space<vmem>> -> memref<1x512xi32, #tpu.memory_space<vmem>>
      %dma_start3A_96 = tpu.memref_squeeze %dma_start3A_95 : memref<1x512xi32, #tpu.memory_space<vmem>> -> memref<512xi32, #tpu.memory_space<vmem>>
      %dma_start3A_97 = arith.constant 0 : i32
      %dma_start3A_98 = arith.constant 0 : i32
      %dma_start3A_99 = tpu.memref_slice %arg6[%dma_start3A_97, %dma_start3A_98] : memref<50048x32xbf16, #tpu.memory_space<vmem_shared>> -> memref<50048x32xbf16, #tpu.memory_space<vmem_shared>>
      tpu.enqueue_indirect_dma source(%arg9 : memref<512x32xbf16, #tpu.memory_space<vmem>>) target(%dma_start3A_99 : memref<50048x32xbf16, #tpu.memory_space<vmem_shared>>) offsets(%dma_start3A_96 : memref<512xi32, #tpu.memory_space<vmem>>) semaphore(%arg13 : memref<!tpu.dma_semaphore, #tpu.memory_space<semaphore_mem>>) {add = true}
      %dma_wait3A_100 = arith.constant 3 : i32
      %dma_wait3A_101 = arith.constant 0 : i32
      %dma_wait3A_102 = tpu.memref_slice %arg7[%dma_wait3A_100, %dma_wait3A_101] : memref<10x512xi32, #tpu.memory_space<vmem>> -> memref<1x512xi32, #tpu.memory_space<vmem>>
      %dma_wait3A_103 = tpu.memref_squeeze %dma_wait3A_102 : memref<1x512xi32, #tpu.memory_space<vmem>> -> memref<512xi32, #tpu.memory_space<vmem>>
      %dma_wait3A_104 = arith.constant 0 : i32
      %dma_wait3A_105 = arith.constant 0 : i32
      %dma_wait3A_106 = tpu.memref_slice %arg6[%dma_wait3A_104, %dma_wait3A_105] : memref<50048x32xbf16, #tpu.memory_space<vmem_shared>> -> memref<50048x32xbf16, #tpu.memory_space<vmem_shared>>
      tpu.wait_indirect_dma semaphore(%arg14 : memref<!tpu.dma_semaphore, #tpu.memory_space<semaphore_mem>>) src(%arg10 : memref<512x32xbf16, #tpu.memory_space<vmem>>) dst(%dma_wait3A_106 : memref<50048x32xbf16, #tpu.memory_space<vmem_shared>>)
      %dma_start3A_107 = arith.constant 6 : i32
      %dma_start3A_108 = arith.constant 0 : i32
      %dma_start3A_109 = tpu.memref_slice %arg7[%dma_start3A_107, %dma_start3A_108] : memref<10x512xi32, #tpu.memory_space<vmem>> -> memref<1x512xi32, #tpu.memory_space<vmem>>
      %dma_start3A_110 = tpu.memref_squeeze %dma_start3A_109 : memref<1x512xi32, #tpu.memory_space<vmem>> -> memref<512xi32, #tpu.memory_space<vmem>>
      %dma_start3A_111 = arith.constant 0 : i32
      %dma_start3A_112 = arith.constant 0 : i32
      %dma_start3A_113 = tpu.memref_slice %arg2[%dma_start3A_111, %dma_start3A_112] : memref<100096x32xbf16, #tpu.memory_space<hbm>> -> memref<100096x32xbf16, #tpu.memory_space<hbm>>
      tpu.enqueue_indirect_dma source(%dma_start3A_113 : memref<100096x32xbf16, #tpu.memory_space<hbm>>) target(%arg10 : memref<512x32xbf16, #tpu.memory_space<vmem>>) offsets(%dma_start3A_110 : memref<512xi32, #tpu.memory_space<vmem>>) semaphore(%arg12 : memref<!tpu.dma_semaphore, #tpu.memory_space<semaphore_mem>>)
      %dma_wait3A_114 = arith.constant 6 : i32
      %dma_wait3A_115 = arith.constant 0 : i32
      %dma_wait3A_116 = tpu.memref_slice %arg7[%dma_wait3A_114, %dma_wait3A_115] : memref<10x512xi32, #tpu.memory_space<vmem>> -> memref<1x512xi32, #tpu.memory_space<vmem>>
      %dma_wait3A_117 = tpu.memref_squeeze %dma_wait3A_116 : memref<1x512xi32, #tpu.memory_space<vmem>> -> memref<512xi32, #tpu.memory_space<vmem>>
      %dma_wait3A_118 = arith.constant 0 : i32
      %dma_wait3A_119 = arith.constant 0 : i32
      %dma_wait3A_120 = tpu.memref_slice %arg2[%dma_wait3A_118, %dma_wait3A_119] : memref<100096x32xbf16, #tpu.memory_space<hbm>> -> memref<100096x32xbf16, #tpu.memory_space<hbm>>
      tpu.wait_indirect_dma semaphore(%arg12 : memref<!tpu.dma_semaphore, #tpu.memory_space<semaphore_mem>>) src(%dma_wait3A_120 : memref<100096x32xbf16, #tpu.memory_space<hbm>>) dst(%arg10 : memref<512x32xbf16, #tpu.memory_space<vmem>>)
      %dma_start3A_121 = arith.constant 7 : i32
      %dma_start3A_122 = arith.constant 0 : i32
      %dma_start3A_123 = tpu.memref_slice %arg7[%dma_start3A_121, %dma_start3A_122] : memref<10x512xi32, #tpu.memory_space<vmem>> -> memref<1x512xi32, #tpu.memory_space<vmem>>
      %dma_start3A_124 = tpu.memref_squeeze %dma_start3A_123 : memref<1x512xi32, #tpu.memory_space<vmem>> -> memref<512xi32, #tpu.memory_space<vmem>>
      %dma_start3A_125 = arith.constant 0 : i32
      %dma_start3A_126 = arith.constant 0 : i32
      %dma_start3A_127 = tpu.memref_slice %arg6[%dma_start3A_125, %dma_start3A_126] : memref<50048x32xbf16, #tpu.memory_space<vmem_shared>> -> memref<50048x32xbf16, #tpu.memory_space<vmem_shared>>
      tpu.enqueue_indirect_dma source(%arg10 : memref<512x32xbf16, #tpu.memory_space<vmem>>) target(%dma_start3A_127 : memref<50048x32xbf16, #tpu.memory_space<vmem_shared>>) offsets(%dma_start3A_124 : memref<512xi32, #tpu.memory_space<vmem>>) semaphore(%arg14 : memref<!tpu.dma_semaphore, #tpu.memory_space<semaphore_mem>>) {add = true}
      %dma_wait3A_128 = arith.constant 5 : i32
      %dma_wait3A_129 = arith.constant 0 : i32
      %dma_wait3A_130 = tpu.memref_slice %arg7[%dma_wait3A_128, %dma_wait3A_129] : memref<10x512xi32, #tpu.memory_space<vmem>> -> memref<1x512xi32, #tpu.memory_space<vmem>>
      %dma_wait3A_131 = tpu.memref_squeeze %dma_wait3A_130 : memref<1x512xi32, #tpu.memory_space<vmem>> -> memref<512xi32, #tpu.memory_space<vmem>>
      %dma_wait3A_132 = arith.constant 0 : i32
      %dma_wait3A_133 = arith.constant 0 : i32
      %dma_wait3A_134 = tpu.memref_slice %arg6[%dma_wait3A_132, %dma_wait3A_133] : memref<50048x32xbf16, #tpu.memory_space<vmem_shared>> -> memref<50048x32xbf16, #tpu.memory_space<vmem_shared>>
      tpu.wait_indirect_dma semaphore(%arg13 : memref<!tpu.dma_semaphore, #tpu.memory_space<semaphore_mem>>) src(%arg9 : memref<512x32xbf16, #tpu.memory_space<vmem>>) dst(%dma_wait3A_134 : memref<50048x32xbf16, #tpu.memory_space<vmem_shared>>)
      %dma_start3A_135 = arith.constant 8 : i32
      %dma_start3A_136 = arith.constant 0 : i32
      %dma_start3A_137 = tpu.memref_slice %arg7[%dma_start3A_135, %dma_start3A_136] : memref<10x512xi32, #tpu.memory_space<vmem>> -> memref<1x512xi32, #tpu.memory_space<vmem>>
      %dma_start3A_138 = tpu.memref_squeeze %dma_start3A_137 : memref<1x512xi32, #tpu.memory_space<vmem>> -> memref<512xi32, #tpu.memory_space<vmem>>
      %dma_start3A_139 = arith.constant 0 : i32
      %dma_start3A_140 = arith.constant 0 : i32
      %dma_start3A_141 = tpu.memref_slice %arg2[%dma_start3A_139, %dma_start3A_140] : memref<100096x32xbf16, #tpu.memory_space<hbm>> -> memref<100096x32xbf16, #tpu.memory_space<hbm>>
      tpu.enqueue_indirect_dma source(%dma_start3A_141 : memref<100096x32xbf16, #tpu.memory_space<hbm>>) target(%arg9 : memref<512x32xbf16, #tpu.memory_space<vmem>>) offsets(%dma_start3A_138 : memref<512xi32, #tpu.memory_space<vmem>>) semaphore(%arg11 : memref<!tpu.dma_semaphore, #tpu.memory_space<semaphore_mem>>)
      %dma_wait3A_142 = arith.constant 8 : i32
      %dma_wait3A_143 = arith.constant 0 : i32
      %dma_wait3A_144 = tpu.memref_slice %arg7[%dma_wait3A_142, %dma_wait3A_143] : memref<10x512xi32, #tpu.memory_space<vmem>> -> memref<1x512xi32, #tpu.memory_space<vmem>>
      %dma_wait3A_145 = tpu.memref_squeeze %dma_wait3A_144 : memref<1x512xi32, #tpu.memory_space<vmem>> -> memref<512xi32, #tpu.memory_space<vmem>>
      %dma_wait3A_146 = arith.constant 0 : i32
      %dma_wait3A_147 = arith.constant 0 : i32
      %dma_wait3A_148 = tpu.memref_slice %arg2[%dma_wait3A_146, %dma_wait3A_147] : memref<100096x32xbf16, #tpu.memory_space<hbm>> -> memref<100096x32xbf16, #tpu.memory_space<hbm>>
      tpu.wait_indirect_dma semaphore(%arg11 : memref<!tpu.dma_semaphore, #tpu.memory_space<semaphore_mem>>) src(%dma_wait3A_148 : memref<100096x32xbf16, #tpu.memory_space<hbm>>) dst(%arg9 : memref<512x32xbf16, #tpu.memory_space<vmem>>)
      %dma_start3A_149 = arith.constant 9 : i32
      %dma_start3A_150 = arith.constant 0 : i32
      %dma_start3A_151 = tpu.memref_slice %arg7[%dma_start3A_149, %dma_start3A_150] : memref<10x512xi32, #tpu.memory_space<vmem>> -> memref<1x512xi32, #tpu.memory_space<vmem>>
      %dma_start3A_152 = tpu.memref_squeeze %dma_start3A_151 : memref<1x512xi32, #tpu.memory_space<vmem>> -> memref<512xi32, #tpu.memory_space<vmem>>
      %dma_start3A_153 = arith.constant 0 : i32
      %dma_start3A_154 = arith.constant 0 : i32
      %dma_start3A_155 = tpu.memref_slice %arg6[%dma_start3A_153, %dma_start3A_154] : memref<50048x32xbf16, #tpu.memory_space<vmem_shared>> -> memref<50048x32xbf16, #tpu.memory_space<vmem_shared>>
      tpu.enqueue_indirect_dma source(%arg9 : memref<512x32xbf16, #tpu.memory_space<vmem>>) target(%dma_start3A_155 : memref<50048x32xbf16, #tpu.memory_space<vmem_shared>>) offsets(%dma_start3A_152 : memref<512xi32, #tpu.memory_space<vmem>>) semaphore(%arg13 : memref<!tpu.dma_semaphore, #tpu.memory_space<semaphore_mem>>) {add = true}
      %dma_wait3A_156 = arith.constant 7 : i32
      %dma_wait3A_157 = arith.constant 0 : i32
      %dma_wait3A_158 = tpu.memref_slice %arg7[%dma_wait3A_156, %dma_wait3A_157] : memref<10x512xi32, #tpu.memory_space<vmem>> -> memref<1x512xi32, #tpu.memory_space<vmem>>
      %dma_wait3A_159 = tpu.memref_squeeze %dma_wait3A_158 : memref<1x512xi32, #tpu.memory_space<vmem>> -> memref<512xi32, #tpu.memory_space<vmem>>
      %dma_wait3A_160 = arith.constant 0 : i32
      %dma_wait3A_161 = arith.constant 0 : i32
      %dma_wait3A_162 = tpu.memref_slice %arg6[%dma_wait3A_160, %dma_wait3A_161] : memref<50048x32xbf16, #tpu.memory_space<vmem_shared>> -> memref<50048x32xbf16, #tpu.memory_space<vmem_shared>>
      tpu.wait_indirect_dma semaphore(%arg14 : memref<!tpu.dma_semaphore, #tpu.memory_space<semaphore_mem>>) src(%arg10 : memref<512x32xbf16, #tpu.memory_space<vmem>>) dst(%dma_wait3A_162 : memref<50048x32xbf16, #tpu.memory_space<vmem_shared>>)
      %dma_wait3A_163 = arith.constant 9 : i32
      %dma_wait3A_164 = arith.constant 0 : i32
      %dma_wait3A_165 = tpu.memref_slice %arg7[%dma_wait3A_163, %dma_wait3A_164] : memref<10x512xi32, #tpu.memory_space<vmem>> -> memref<1x512xi32, #tpu.memory_space<vmem>>
      %dma_wait3A_166 = tpu.memref_squeeze %dma_wait3A_165 : memref<1x512xi32, #tpu.memory_space<vmem>> -> memref<512xi32, #tpu.memory_space<vmem>>
      %dma_wait3A_167 = arith.constant 0 : i32
      %dma_wait3A_168 = arith.constant 0 : i32
      %dma_wait3A_169 = tpu.memref_slice %arg6[%dma_wait3A_167, %dma_wait3A_168] : memref<50048x32xbf16, #tpu.memory_space<vmem_shared>> -> memref<50048x32xbf16, #tpu.memory_space<vmem_shared>>
      tpu.wait_indirect_dma semaphore(%arg13 : memref<!tpu.dma_semaphore, #tpu.memory_space<semaphore_mem>>) src(%arg9 : memref<512x32xbf16, #tpu.memory_space<vmem>>) dst(%dma_wait3A_169 : memref<50048x32xbf16, #tpu.memory_space<vmem_shared>>)
      %dma_wait3A_170 = arith.constant 0 : i32
      %dma_wait3A_171 = tpu.memref_slice %arg3[%add3A_27, %dma_wait3A_170] : memref<6410x512xi32, #tpu.memory_space<hbm>> -> memref<10x512xi32, #tpu.memory_space<hbm>>
      %dma_wait3A_172 = arith.constant 0 : i32
      %dma_wait3A_173 = tpu.memref_slice %arg3[%add3A_27, %dma_wait3A_172] : memref<6410x512xi32, #tpu.memory_space<hbm>> -> memref<10x512xi32, #tpu.memory_space<hbm>>
      tpu.wait_dma2 semaphore(%arg15 : memref<!tpu.dma_semaphore, #tpu.memory_space<semaphore_mem>>) src(%dma_wait3A_173 : memref<10x512xi32, #tpu.memory_space<hbm>>) dst(%arg8 : memref<10x512xi32, #tpu.memory_space<vmem>>)
      %mul3A_174 = arith.constant 2 : i32
      %mul3A_175 = arith.muli %mul3A_174, %scan3A_18 : i32
      %add3A_176 = arith.constant 1 : i32
      %add3A_177 = arith.addi %mul3A_175, %add3A_176 : i32
      %add3A_178 = arith.constant 1 : i32
      %add3A_179 = arith.addi %add3A_177, %add3A_178 : i32
      %mul3A_180 = arith.constant 2 : i32
      %mul3A_181 = arith.muli %add3A_179, %mul3A_180 : i32
      %mul3A_182 = arith.constant 5 : i32
      %mul3A_183 = arith.muli %mul3A_181, %mul3A_182 : i32
      %add3A_184 = arith.addi %mul3A_8, %mul3A_183 : i32
      %dma_start3A_185 = arith.constant 0 : i32
      %dma_start3A_186 = tpu.memref_slice %arg3[%add3A_184, %dma_start3A_185] : memref<6410x512xi32, #tpu.memory_space<hbm>> -> memref<10x512xi32, #tpu.memory_space<hbm>>
      %dma_start3A_187 = arith.constant 0 : i32
      %dma_start3A_188 = tpu.memref_slice %arg3[%add3A_184, %dma_start3A_187] : memref<6410x512xi32, #tpu.memory_space<hbm>> -> memref<10x512xi32, #tpu.memory_space<hbm>>
      tpu.enqueue_dma source(%dma_start3A_188 : memref<10x512xi32, #tpu.memory_space<hbm>>) target(%arg7 : memref<10x512xi32, #tpu.memory_space<vmem>>) target_semaphore(%arg15 : memref<!tpu.dma_semaphore, #tpu.memory_space<semaphore_mem>>)
      %dma_start3A_189 = arith.constant 0 : i32
      %dma_start3A_190 = arith.constant 0 : i32
      %dma_start3A_191 = tpu.memref_slice %arg8[%dma_start3A_189, %dma_start3A_190] : memref<10x512xi32, #tpu.memory_space<vmem>> -> memref<1x512xi32, #tpu.memory_space<vmem>>
      %dma_start3A_192 = tpu.memref_squeeze %dma_start3A_191 : memref<1x512xi32, #tpu.memory_space<vmem>> -> memref<512xi32, #tpu.memory_space<vmem>>
      %dma_start3A_193 = arith.constant 0 : i32
      %dma_start3A_194 = arith.constant 0 : i32
      %dma_start3A_195 = tpu.memref_slice %arg2[%dma_start3A_193, %dma_start3A_194] : memref<100096x32xbf16, #tpu.memory_space<hbm>> -> memref<100096x32xbf16, #tpu.memory_space<hbm>>
      tpu.enqueue_indirect_dma source(%dma_start3A_195 : memref<100096x32xbf16, #tpu.memory_space<hbm>>) target(%arg9 : memref<512x32xbf16, #tpu.memory_space<vmem>>) offsets(%dma_start3A_192 : memref<512xi32, #tpu.memory_space<vmem>>) semaphore(%arg11 : memref<!tpu.dma_semaphore, #tpu.memory_space<semaphore_mem>>)
      %dma_wait3A_196 = arith.constant 0 : i32
      %dma_wait3A_197 = arith.constant 0 : i32
      %dma_wait3A_198 = tpu.memref_slice %arg8[%dma_wait3A_196, %dma_wait3A_197] : memref<10x512xi32, #tpu.memory_space<vmem>> -> memref<1x512xi32, #tpu.memory_space<vmem>>
      %dma_wait3A_199 = tpu.memref_squeeze %dma_wait3A_198 : memref<1x512xi32, #tpu.memory_space<vmem>> -> memref<512xi32, #tpu.memory_space<vmem>>
      %dma_wait3A_200 = arith.constant 0 : i32
      %dma_wait3A_201 = arith.constant 0 : i32
      %dma_wait3A_202 = tpu.memref_slice %arg2[%dma_wait3A_200, %dma_wait3A_201] : memref<100096x32xbf16, #tpu.memory_space<hbm>> -> memref<100096x32xbf16, #tpu.memory_space<hbm>>
      tpu.wait_indirect_dma semaphore(%arg11 : memref<!tpu.dma_semaphore, #tpu.memory_space<semaphore_mem>>) src(%dma_wait3A_202 : memref<100096x32xbf16, #tpu.memory_space<hbm>>) dst(%arg9 : memref<512x32xbf16, #tpu.memory_space<vmem>>)
      %dma_start3A_203 = arith.constant 1 : i32
      %dma_start3A_204 = arith.constant 0 : i32
      %dma_start3A_205 = tpu.memref_slice %arg8[%dma_start3A_203, %dma_start3A_204] : memref<10x512xi32, #tpu.memory_space<vmem>> -> memref<1x512xi32, #tpu.memory_space<vmem>>
      %dma_start3A_206 = tpu.memref_squeeze %dma_start3A_205 : memref<1x512xi32, #tpu.memory_space<vmem>> -> memref<512xi32, #tpu.memory_space<vmem>>
      %dma_start3A_207 = arith.constant 0 : i32
      %dma_start3A_208 = arith.constant 0 : i32
      %dma_start3A_209 = tpu.memref_slice %arg6[%dma_start3A_207, %dma_start3A_208] : memref<50048x32xbf16, #tpu.memory_space<vmem_shared>> -> memref<50048x32xbf16, #tpu.memory_space<vmem_shared>>
      tpu.enqueue_indirect_dma source(%arg9 : memref<512x32xbf16, #tpu.memory_space<vmem>>) target(%dma_start3A_209 : memref<50048x32xbf16, #tpu.memory_space<vmem_shared>>) offsets(%dma_start3A_206 : memref<512xi32, #tpu.memory_space<vmem>>) semaphore(%arg13 : memref<!tpu.dma_semaphore, #tpu.memory_space<semaphore_mem>>) {add = true}
      %dma_start3A_210 = arith.constant 2 : i32
      %dma_start3A_211 = arith.constant 0 : i32
      %dma_start3A_212 = tpu.memref_slice %arg8[%dma_start3A_210, %dma_start3A_211] : memref<10x512xi32, #tpu.memory_space<vmem>> -> memref<1x512xi32, #tpu.memory_space<vmem>>
      %dma_start3A_213 = tpu.memref_squeeze %dma_start3A_212 : memref<1x512xi32, #tpu.memory_space<vmem>> -> memref<512xi32, #tpu.memory_space<vmem>>
      %dma_start3A_214 = arith.constant 0 : i32
      %dma_start3A_215 = arith.constant 0 : i32
      %dma_start3A_216 = tpu.memref_slice %arg2[%dma_start3A_214, %dma_start3A_215] : memref<100096x32xbf16, #tpu.memory_space<hbm>> -> memref<100096x32xbf16, #tpu.memory_space<hbm>>
      tpu.enqueue_indirect_dma source(%dma_start3A_216 : memref<100096x32xbf16, #tpu.memory_space<hbm>>) target(%arg10 : memref<512x32xbf16, #tpu.memory_space<vmem>>) offsets(%dma_start3A_213 : memref<512xi32, #tpu.memory_space<vmem>>) semaphore(%arg12 : memref<!tpu.dma_semaphore, #tpu.memory_space<semaphore_mem>>)
      %dma_wait3A_217 = arith.constant 2 : i32
      %dma_wait3A_218 = arith.constant 0 : i32
      %dma_wait3A_219 = tpu.memref_slice %arg8[%dma_wait3A_217, %dma_wait3A_218] : memref<10x512xi32, #tpu.memory_space<vmem>> -> memref<1x512xi32, #tpu.memory_space<vmem>>
      %dma_wait3A_220 = tpu.memref_squeeze %dma_wait3A_219 : memref<1x512xi32, #tpu.memory_space<vmem>> -> memref<512xi32, #tpu.memory_space<vmem>>
      %dma_wait3A_221 = arith.constant 0 : i32
      %dma_wait3A_222 = arith.constant 0 : i32
      %dma_wait3A_223 = tpu.memref_slice %arg2[%dma_wait3A_221, %dma_wait3A_222] : memref<100096x32xbf16, #tpu.memory_space<hbm>> -> memref<100096x32xbf16, #tpu.memory_space<hbm>>
      tpu.wait_indirect_dma semaphore(%arg12 : memref<!tpu.dma_semaphore, #tpu.memory_space<semaphore_mem>>) src(%dma_wait3A_223 : memref<100096x32xbf16, #tpu.memory_space<hbm>>) dst(%arg10 : memref<512x32xbf16, #tpu.memory_space<vmem>>)
      %dma_start3A_224 = arith.constant 3 : i32
      %dma_start3A_225 = arith.constant 0 : i32
      %dma_start3A_226 = tpu.memref_slice %arg8[%dma_start3A_224, %dma_start3A_225] : memref<10x512xi32, #tpu.memory_space<vmem>> -> memref<1x512xi32, #tpu.memory_space<vmem>>
      %dma_start3A_227 = tpu.memref_squeeze %dma_start3A_226 : memref<1x512xi32, #tpu.memory_space<vmem>> -> memref<512xi32, #tpu.memory_space<vmem>>
      %dma_start3A_228 = arith.constant 0 : i32
      %dma_start3A_229 = arith.constant 0 : i32
      %dma_start3A_230 = tpu.memref_slice %arg6[%dma_start3A_228, %dma_start3A_229] : memref<50048x32xbf16, #tpu.memory_space<vmem_shared>> -> memref<50048x32xbf16, #tpu.memory_space<vmem_shared>>
      tpu.enqueue_indirect_dma source(%arg10 : memref<512x32xbf16, #tpu.memory_space<vmem>>) target(%dma_start3A_230 : memref<50048x32xbf16, #tpu.memory_space<vmem_shared>>) offsets(%dma_start3A_227 : memref<512xi32, #tpu.memory_space<vmem>>) semaphore(%arg14 : memref<!tpu.dma_semaphore, #tpu.memory_space<semaphore_mem>>) {add = true}
      %dma_wait3A_231 = arith.constant 1 : i32
      %dma_wait3A_232 = arith.constant 0 : i32
      %dma_wait3A_233 = tpu.memref_slice %arg8[%dma_wait3A_231, %dma_wait3A_232] : memref<10x512xi32, #tpu.memory_space<vmem>> -> memref<1x512xi32, #tpu.memory_space<vmem>>
      %dma_wait3A_234 = tpu.memref_squeeze %dma_wait3A_233 : memref<1x512xi32, #tpu.memory_space<vmem>> -> memref<512xi32, #tpu.memory_space<vmem>>
      %dma_wait3A_235 = arith.constant 0 : i32
      %dma_wait3A_236 = arith.constant 0 : i32
      %dma_wait3A_237 = tpu.memref_slice %arg6[%dma_wait3A_235, %dma_wait3A_236] : memref<50048x32xbf16, #tpu.memory_space<vmem_shared>> -> memref<50048x32xbf16, #tpu.memory_space<vmem_shared>>
      tpu.wait_indirect_dma semaphore(%arg13 : memref<!tpu.dma_semaphore, #tpu.memory_space<semaphore_mem>>) src(%arg9 : memref<512x32xbf16, #tpu.memory_space<vmem>>) dst(%dma_wait3A_237 : memref<50048x32xbf16, #tpu.memory_space<vmem_shared>>)
      %dma_start3A_238 = arith.constant 4 : i32
      %dma_start3A_239 = arith.constant 0 : i32
      %dma_start3A_240 = tpu.memref_slice %arg8[%dma_start3A_238, %dma_start3A_239] : memref<10x512xi32, #tpu.memory_space<vmem>> -> memref<1x512xi32, #tpu.memory_space<vmem>>
      %dma_start3A_241 = tpu.memref_squeeze %dma_start3A_240 : memref<1x512xi32, #tpu.memory_space<vmem>> -> memref<512xi32, #tpu.memory_space<vmem>>
      %dma_start3A_242 = arith.constant 0 : i32
      %dma_start3A_243 = arith.constant 0 : i32
      %dma_start3A_244 = tpu.memref_slice %arg2[%dma_start3A_242, %dma_start3A_243] : memref<100096x32xbf16, #tpu.memory_space<hbm>> -> memref<100096x32xbf16, #tpu.memory_space<hbm>>
      tpu.enqueue_indirect_dma source(%dma_start3A_244 : memref<100096x32xbf16, #tpu.memory_space<hbm>>) target(%arg9 : memref<512x32xbf16, #tpu.memory_space<vmem>>) offsets(%dma_start3A_241 : memref<512xi32, #tpu.memory_space<vmem>>) semaphore(%arg11 : memref<!tpu.dma_semaphore, #tpu.memory_space<semaphore_mem>>)
      %dma_wait3A_245 = arith.constant 4 : i32
      %dma_wait3A_246 = arith.constant 0 : i32
      %dma_wait3A_247 = tpu.memref_slice %arg8[%dma_wait3A_245, %dma_wait3A_246] : memref<10x512xi32, #tpu.memory_space<vmem>> -> memref<1x512xi32, #tpu.memory_space<vmem>>
      %dma_wait3A_248 = tpu.memref_squeeze %dma_wait3A_247 : memref<1x512xi32, #tpu.memory_space<vmem>> -> memref<512xi32, #tpu.memory_space<vmem>>
      %dma_wait3A_249 = arith.constant 0 : i32
      %dma_wait3A_250 = arith.constant 0 : i32
      %dma_wait3A_251 = tpu.memref_slice %arg2[%dma_wait3A_249, %dma_wait3A_250] : memref<100096x32xbf16, #tpu.memory_space<hbm>> -> memref<100096x32xbf16, #tpu.memory_space<hbm>>
      tpu.wait_indirect_dma semaphore(%arg11 : memref<!tpu.dma_semaphore, #tpu.memory_space<semaphore_mem>>) src(%dma_wait3A_251 : memref<100096x32xbf16, #tpu.memory_space<hbm>>) dst(%arg9 : memref<512x32xbf16, #tpu.memory_space<vmem>>)
      %dma_start3A_252 = arith.constant 5 : i32
      %dma_start3A_253 = arith.constant 0 : i32
      %dma_start3A_254 = tpu.memref_slice %arg8[%dma_start3A_252, %dma_start3A_253] : memref<10x512xi32, #tpu.memory_space<vmem>> -> memref<1x512xi32, #tpu.memory_space<vmem>>
      %dma_start3A_255 = tpu.memref_squeeze %dma_start3A_254 : memref<1x512xi32, #tpu.memory_space<vmem>> -> memref<512xi32, #tpu.memory_space<vmem>>
      %dma_start3A_256 = arith.constant 0 : i32
      %dma_start3A_257 = arith.constant 0 : i32
      %dma_start3A_258 = tpu.memref_slice %arg6[%dma_start3A_256, %dma_start3A_257] : memref<50048x32xbf16, #tpu.memory_space<vmem_shared>> -> memref<50048x32xbf16, #tpu.memory_space<vmem_shared>>
      tpu.enqueue_indirect_dma source(%arg9 : memref<512x32xbf16, #tpu.memory_space<vmem>>) target(%dma_start3A_258 : memref<50048x32xbf16, #tpu.memory_space<vmem_shared>>) offsets(%dma_start3A_255 : memref<512xi32, #tpu.memory_space<vmem>>) semaphore(%arg13 : memref<!tpu.dma_semaphore, #tpu.memory_space<semaphore_mem>>) {add = true}
      %dma_wait3A_259 = arith.constant 3 : i32
      %dma_wait3A_260 = arith.constant 0 : i32
      %dma_wait3A_261 = tpu.memref_slice %arg8[%dma_wait3A_259, %dma_wait3A_260] : memref<10x512xi32, #tpu.memory_space<vmem>> -> memref<1x512xi32, #tpu.memory_space<vmem>>
      %dma_wait3A_262 = tpu.memref_squeeze %dma_wait3A_261 : memref<1x512xi32, #tpu.memory_space<vmem>> -> memref<512xi32, #tpu.memory_space<vmem>>
      %dma_wait3A_263 = arith.constant 0 : i32
      %dma_wait3A_264 = arith.constant 0 : i32
      %dma_wait3A_265 = tpu.memref_slice %arg6[%dma_wait3A_263, %dma_wait3A_264] : memref<50048x32xbf16, #tpu.memory_space<vmem_shared>> -> memref<50048x32xbf16, #tpu.memory_space<vmem_shared>>
      tpu.wait_indirect_dma semaphore(%arg14 : memref<!tpu.dma_semaphore, #tpu.memory_space<semaphore_mem>>) src(%arg10 : memref<512x32xbf16, #tpu.memory_space<vmem>>) dst(%dma_wait3A_265 : memref<50048x32xbf16, #tpu.memory_space<vmem_shared>>)
      %dma_start3A_266 = arith.constant 6 : i32
      %dma_start3A_267 = arith.constant 0 : i32
      %dma_start3A_268 = tpu.memref_slice %arg8[%dma_start3A_266, %dma_start3A_267] : memref<10x512xi32, #tpu.memory_space<vmem>> -> memref<1x512xi32, #tpu.memory_space<vmem>>
      %dma_start3A_269 = tpu.memref_squeeze %dma_start3A_268 : memref<1x512xi32, #tpu.memory_space<vmem>> -> memref<512xi32, #tpu.memory_space<vmem>>
      %dma_start3A_270 = arith.constant 0 : i32
      %dma_start3A_271 = arith.constant 0 : i32
      %dma_start3A_272 = tpu.memref_slice %arg2[%dma_start3A_270, %dma_start3A_271] : memref<100096x32xbf16, #tpu.memory_space<hbm>> -> memref<100096x32xbf16, #tpu.memory_space<hbm>>
      tpu.enqueue_indirect_dma source(%dma_start3A_272 : memref<100096x32xbf16, #tpu.memory_space<hbm>>) target(%arg10 : memref<512x32xbf16, #tpu.memory_space<vmem>>) offsets(%dma_start3A_269 : memref<512xi32, #tpu.memory_space<vmem>>) semaphore(%arg12 : memref<!tpu.dma_semaphore, #tpu.memory_space<semaphore_mem>>)
      %dma_wait3A_273 = arith.constant 6 : i32
      %dma_wait3A_274 = arith.constant 0 : i32
      %dma_wait3A_275 = tpu.memref_slice %arg8[%dma_wait3A_273, %dma_wait3A_274] : memref<10x512xi32, #tpu.memory_space<vmem>> -> memref<1x512xi32, #tpu.memory_space<vmem>>
      %dma_wait3A_276 = tpu.memref_squeeze %dma_wait3A_275 : memref<1x512xi32, #tpu.memory_space<vmem>> -> memref<512xi32, #tpu.memory_space<vmem>>
      %dma_wait3A_277 = arith.constant 0 : i32
      %dma_wait3A_278 = arith.constant 0 : i32
      %dma_wait3A_279 = tpu.memref_slice %arg2[%dma_wait3A_277, %dma_wait3A_278] : memref<100096x32xbf16, #tpu.memory_space<hbm>> -> memref<100096x32xbf16, #tpu.memory_space<hbm>>
      tpu.wait_indirect_dma semaphore(%arg12 : memref<!tpu.dma_semaphore, #tpu.memory_space<semaphore_mem>>) src(%dma_wait3A_279 : memref<100096x32xbf16, #tpu.memory_space<hbm>>) dst(%arg10 : memref<512x32xbf16, #tpu.memory_space<vmem>>)
      %dma_start3A_280 = arith.constant 7 : i32
      %dma_start3A_281 = arith.constant 0 : i32
      %dma_start3A_282 = tpu.memref_slice %arg8[%dma_start3A_280, %dma_start3A_281] : memref<10x512xi32, #tpu.memory_space<vmem>> -> memref<1x512xi32, #tpu.memory_space<vmem>>
      %dma_start3A_283 = tpu.memref_squeeze %dma_start3A_282 : memref<1x512xi32, #tpu.memory_space<vmem>> -> memref<512xi32, #tpu.memory_space<vmem>>
      %dma_start3A_284 = arith.constant 0 : i32
      %dma_start3A_285 = arith.constant 0 : i32
      %dma_start3A_286 = tpu.memref_slice %arg6[%dma_start3A_284, %dma_start3A_285] : memref<50048x32xbf16, #tpu.memory_space<vmem_shared>> -> memref<50048x32xbf16, #tpu.memory_space<vmem_shared>>
      tpu.enqueue_indirect_dma source(%arg10 : memref<512x32xbf16, #tpu.memory_space<vmem>>) target(%dma_start3A_286 : memref<50048x32xbf16, #tpu.memory_space<vmem_shared>>) offsets(%dma_start3A_283 : memref<512xi32, #tpu.memory_space<vmem>>) semaphore(%arg14 : memref<!tpu.dma_semaphore, #tpu.memory_space<semaphore_mem>>) {add = true}
      %dma_wait3A_287 = arith.constant 5 : i32
      %dma_wait3A_288 = arith.constant 0 : i32
      %dma_wait3A_289 = tpu.memref_slice %arg8[%dma_wait3A_287, %dma_wait3A_288] : memref<10x512xi32, #tpu.memory_space<vmem>> -> memref<1x512xi32, #tpu.memory_space<vmem>>
      %dma_wait3A_290 = tpu.memref_squeeze %dma_wait3A_289 : memref<1x512xi32, #tpu.memory_space<vmem>> -> memref<512xi32, #tpu.memory_space<vmem>>
      %dma_wait3A_291 = arith.constant 0 : i32
      %dma_wait3A_292 = arith.constant 0 : i32
      %dma_wait3A_293 = tpu.memref_slice %arg6[%dma_wait3A_291, %dma_wait3A_292] : memref<50048x32xbf16, #tpu.memory_space<vmem_shared>> -> memref<50048x32xbf16, #tpu.memory_space<vmem_shared>>
      tpu.wait_indirect_dma semaphore(%arg13 : memref<!tpu.dma_semaphore, #tpu.memory_space<semaphore_mem>>) src(%arg9 : memref<512x32xbf16, #tpu.memory_space<vmem>>) dst(%dma_wait3A_293 : memref<50048x32xbf16, #tpu.memory_space<vmem_shared>>)
      %dma_start3A_294 = arith.constant 8 : i32
      %dma_start3A_295 = arith.constant 0 : i32
      %dma_start3A_296 = tpu.memref_slice %arg8[%dma_start3A_294, %dma_start3A_295] : memref<10x512xi32, #tpu.memory_space<vmem>> -> memref<1x512xi32, #tpu.memory_space<vmem>>
      %dma_start3A_297 = tpu.memref_squeeze %dma_start3A_296 : memref<1x512xi32, #tpu.memory_space<vmem>> -> memref<512xi32, #tpu.memory_space<vmem>>
      %dma_start3A_298 = arith.constant 0 : i32
      %dma_start3A_299 = arith.constant 0 : i32
      %dma_start3A_300 = tpu.memref_slice %arg2[%dma_start3A_298, %dma_start3A_299] : memref<100096x32xbf16, #tpu.memory_space<hbm>> -> memref<100096x32xbf16, #tpu.memory_space<hbm>>
      tpu.enqueue_indirect_dma source(%dma_start3A_300 : memref<100096x32xbf16, #tpu.memory_space<hbm>>) target(%arg9 : memref<512x32xbf16, #tpu.memory_space<vmem>>) offsets(%dma_start3A_297 : memref<512xi32, #tpu.memory_space<vmem>>) semaphore(%arg11 : memref<!tpu.dma_semaphore, #tpu.memory_space<semaphore_mem>>)
      %dma_wait3A_301 = arith.constant 8 : i32
      %dma_wait3A_302 = arith.constant 0 : i32
      %dma_wait3A_303 = tpu.memref_slice %arg8[%dma_wait3A_301, %dma_wait3A_302] : memref<10x512xi32, #tpu.memory_space<vmem>> -> memref<1x512xi32, #tpu.memory_space<vmem>>
      %dma_wait3A_304 = tpu.memref_squeeze %dma_wait3A_303 : memref<1x512xi32, #tpu.memory_space<vmem>> -> memref<512xi32, #tpu.memory_space<vmem>>
      %dma_wait3A_305 = arith.constant 0 : i32
      %dma_wait3A_306 = arith.constant 0 : i32
      %dma_wait3A_307 = tpu.memref_slice %arg2[%dma_wait3A_305, %dma_wait3A_306] : memref<100096x32xbf16, #tpu.memory_space<hbm>> -> memref<100096x32xbf16, #tpu.memory_space<hbm>>
      tpu.wait_indirect_dma semaphore(%arg11 : memref<!tpu.dma_semaphore, #tpu.memory_space<semaphore_mem>>) src(%dma_wait3A_307 : memref<100096x32xbf16, #tpu.memory_space<hbm>>) dst(%arg9 : memref<512x32xbf16, #tpu.memory_space<vmem>>)
      %dma_start3A_308 = arith.constant 9 : i32
      %dma_start3A_309 = arith.constant 0 : i32
      %dma_start3A_310 = tpu.memref_slice %arg8[%dma_start3A_308, %dma_start3A_309] : memref<10x512xi32, #tpu.memory_space<vmem>> -> memref<1x512xi32, #tpu.memory_space<vmem>>
      %dma_start3A_311 = tpu.memref_squeeze %dma_start3A_310 : memref<1x512xi32, #tpu.memory_space<vmem>> -> memref<512xi32, #tpu.memory_space<vmem>>
      %dma_start3A_312 = arith.constant 0 : i32
      %dma_start3A_313 = arith.constant 0 : i32
      %dma_start3A_314 = tpu.memref_slice %arg6[%dma_start3A_312, %dma_start3A_313] : memref<50048x32xbf16, #tpu.memory_space<vmem_shared>> -> memref<50048x32xbf16, #tpu.memory_space<vmem_shared>>
      tpu.enqueue_indirect_dma source(%arg9 : memref<512x32xbf16, #tpu.memory_space<vmem>>) target(%dma_start3A_314 : memref<50048x32xbf16, #tpu.memory_space<vmem_shared>>) offsets(%dma_start3A_311 : memref<512xi32, #tpu.memory_space<vmem>>) semaphore(%arg13 : memref<!tpu.dma_semaphore, #tpu.memory_space<semaphore_mem>>) {add = true}
      %dma_wait3A_315 = arith.constant 7 : i32
      %dma_wait3A_316 = arith.constant 0 : i32
      %dma_wait3A_317 = tpu.memref_slice %arg8[%dma_wait3A_315, %dma_wait3A_316] : memref<10x512xi32, #tpu.memory_space<vmem>> -> memref<1x512xi32, #tpu.memory_space<vmem>>
      %dma_wait3A_318 = tpu.memref_squeeze %dma_wait3A_317 : memref<1x512xi32, #tpu.memory_space<vmem>> -> memref<512xi32, #tpu.memory_space<vmem>>
      %dma_wait3A_319 = arith.constant 0 : i32
      %dma_wait3A_320 = arith.constant 0 : i32
      %dma_wait3A_321 = tpu.memref_slice %arg6[%dma_wait3A_319, %dma_wait3A_320] : memref<50048x32xbf16, #tpu.memory_space<vmem_shared>> -> memref<50048x32xbf16, #tpu.memory_space<vmem_shared>>
      tpu.wait_indirect_dma semaphore(%arg14 : memref<!tpu.dma_semaphore, #tpu.memory_space<semaphore_mem>>) src(%arg10 : memref<512x32xbf16, #tpu.memory_space<vmem>>) dst(%dma_wait3A_321 : memref<50048x32xbf16, #tpu.memory_space<vmem_shared>>)
      %dma_wait3A_322 = arith.constant 9 : i32
      %dma_wait3A_323 = arith.constant 0 : i32
      %dma_wait3A_324 = tpu.memref_slice %arg8[%dma_wait3A_322, %dma_wait3A_323] : memref<10x512xi32, #tpu.memory_space<vmem>> -> memref<1x512xi32, #tpu.memory_space<vmem>>
      %dma_wait3A_325 = tpu.memref_squeeze %dma_wait3A_324 : memref<1x512xi32, #tpu.memory_space<vmem>> -> memref<512xi32, #tpu.memory_space<vmem>>
      %dma_wait3A_326 = arith.constant 0 : i32
      %dma_wait3A_327 = arith.constant 0 : i32
      %dma_wait3A_328 = tpu.memref_slice %arg6[%dma_wait3A_326, %dma_wait3A_327] : memref<50048x32xbf16, #tpu.memory_space<vmem_shared>> -> memref<50048x32xbf16, #tpu.memory_space<vmem_shared>>
      tpu.wait_indirect_dma semaphore(%arg13 : memref<!tpu.dma_semaphore, #tpu.memory_space<semaphore_mem>>) src(%arg9 : memref<512x32xbf16, #tpu.memory_space<vmem>>) dst(%dma_wait3A_328 : memref<50048x32xbf16, #tpu.memory_space<vmem_shared>>)
      %dma_wait3A_329 = arith.constant 0 : i32
      %dma_wait3A_330 = tpu.memref_slice %arg3[%add3A_184, %dma_wait3A_329] : memref<6410x512xi32, #tpu.memory_space<hbm>> -> memref<10x512xi32, #tpu.memory_space<hbm>>
      %dma_wait3A_331 = arith.constant 0 : i32
      %dma_wait3A_332 = tpu.memref_slice %arg3[%add3A_184, %dma_wait3A_331] : memref<6410x512xi32, #tpu.memory_space<hbm>> -> memref<10x512xi32, #tpu.memory_space<hbm>>
      tpu.wait_dma2 semaphore(%arg15 : memref<!tpu.dma_semaphore, #tpu.memory_space<semaphore_mem>>) src(%dma_wait3A_332 : memref<10x512xi32, #tpu.memory_space<hbm>>) dst(%arg7 : memref<10x512xi32, #tpu.memory_space<vmem>>)
    }
    %scan3A_13 = arith.constant 10 : i32
    %barrier3A_14 = arith.constant 0 : index
    tpu.barrier barrier_id(%barrier3A_14)
    %mul3A_15 = arith.constant 50048 : i32
    %mul3A_16 = arith.muli %arg0, %mul3A_15 : i32
    %add3A_17 = arith.addi %mul3A_16, %mul3A_0 : i32
    "tpu.region"() ({
      %run_scoped3A = tpu.sem_alloc : memref<!tpu.dma_semaphore, #tpu.memory_space<semaphore_mem>>
      %dma_start3A = arith.constant 0 : i32
      %dma_start3A_18 = tpu.memref_slice %arg5[%add3A_17, %dma_start3A] : memref<100096x32xbf16, #tpu.memory_space<hbm>> -> memref<3128x32xbf16, #tpu.memory_space<hbm>>
      %dma_start3A_19 = arith.constant 0 : i32
      %dma_start3A_20 = tpu.memref_slice %arg6[%mul3A_0, %dma_start3A_19] : memref<50048x32xbf16, #tpu.memory_space<vmem_shared>> -> memref<3128x32xbf16, #tpu.memory_space<vmem_shared>>
      tpu.enqueue_dma source(%dma_start3A_20 : memref<3128x32xbf16, #tpu.memory_space<vmem_shared>>) target(%dma_start3A_18 : memref<3128x32xbf16, #tpu.memory_space<hbm>>) target_semaphore(%run_scoped3A : memref<!tpu.dma_semaphore, #tpu.memory_space<semaphore_mem>>)
      %dma_wait3A = arith.constant 0 : i32
      %dma_wait3A_21 = tpu.memref_slice %arg5[%add3A_17, %dma_wait3A] : memref<100096x32xbf16, #tpu.memory_space<hbm>> -> memref<3128x32xbf16, #tpu.memory_space<hbm>>
      %dma_wait3A_22 = arith.constant 0 : i32
      %dma_wait3A_23 = tpu.memref_slice %arg6[%mul3A_0, %dma_wait3A_22] : memref<50048x32xbf16, #tpu.memory_space<vmem_shared>> -> memref<3128x32xbf16, #tpu.memory_space<vmem_shared>>
      tpu.wait_dma2 semaphore(%run_scoped3A : memref<!tpu.dma_semaphore, #tpu.memory_space<semaphore_mem>>) src(%dma_wait3A_23 : memref<3128x32xbf16, #tpu.memory_space<vmem_shared>>) dst(%dma_wait3A_21 : memref<3128x32xbf16, #tpu.memory_space<hbm>>)
      tpu.yield
    }) : () -> ()
    return
  }
}

module attributes {stable_mosaic.version = 14 : i64} {
  func.func @_pre_body(%arg0: i32, %arg1: memref<3128x5xf32, #tpu.memory_space<vmem>>, %arg2: memref<5x64xf32, #tpu.memory_space<vmem>>, %arg3: memref<1x64xf32, #tpu.memory_space<vmem>>, %arg4: memref<3128x64xf32, #tpu.memory_space<vmem>>) attributes {dimension_semantics = [#tpu.dimension_semantics<arbitrary>], iteration_bounds = array<i64: 16>, scalar_prefetch = 0 : i64, scratch_operands = 0 : i64, tpu.core_type = #tpu.core_type<tc>, window_params = [{transform_indices = @transform_0, window_bounds = array<i64: 3128, 5>}, {pipeline_mode = #tpu.pipeline_mode<synchronous>, transform_indices = @transform_1, window_bounds = array<i64: 5, 64>}, {pipeline_mode = #tpu.pipeline_mode<synchronous>, transform_indices = @transform_2, window_bounds = array<i64: 1, 64>}, {transform_indices = @transform_3, window_bounds = array<i64: 3128, 64>}]} {
    %get3A = arith.constant 0 : index
    %get3A_0 = arith.constant 0 : index
    %get3A_1 = vector.load %arg1[%get3A, %get3A_0] : memref<3128x5xf32, #tpu.memory_space<vmem>>, vector<3128x5xf32>
    %get3A_2 = arith.constant 0 : index
    %get3A_3 = arith.constant 0 : index
    %get3A_4 = vector.load %arg2[%get3A_2, %get3A_3] : memref<5x64xf32, #tpu.memory_space<vmem>>, vector<5x64xf32>
    %dot_general3A = arith.constant dense<0.000000e+00> : vector<3128x64xf32>
    %dot_general3A_5 = tpu.matmul %get3A_1, %get3A_4, %dot_general3A {dimension_numbers = #tpu.dot_dimension_numbers<[1], [0], [0], [1], [0, 0, 1, 1], [], []>, transpose_lhs_hint = false} : vector<3128x5xf32>, vector<5x64xf32>, vector<3128x64xf32> -> vector<3128x64xf32>
    %get3A_6 = arith.constant 0 : index
    %get3A_7 = arith.constant 0 : index
    %get3A_8 = vector.load %arg3[%get3A_6, %get3A_7] : memref<1x64xf32, #tpu.memory_space<vmem>>, vector<1x64xf32>
    %add3A = vector.broadcast %get3A_8 : vector<1x64xf32> to vector<3128x64xf32>
    %add3A_9 = arith.addf %dot_general3A_5, %add3A : vector<3128x64xf32>
    %swap3A = arith.constant 0 : index
    %swap3A_10 = arith.constant 0 : index
    %swap3A_11 = vector.load %arg4[%swap3A, %swap3A_10] : memref<3128x64xf32, #tpu.memory_space<vmem>>, vector<3128x64xf32>
    tpu.vector_store %arg4[%swap3A, %swap3A_10], %add3A_9 {strides = array<i32>} : memref<3128x64xf32, #tpu.memory_space<vmem>>, vector<3128x64xf32>,
    return
  }
  func.func @transform_0(%arg0: i32) -> (i32, i32) {
    %c0_i32 = arith.constant 0 : i32
    %c0_i32_0 = arith.constant 0 : i32
    return %arg0, %c0_i32 : i32, i32
  }
  func.func @transform_1(%arg0: i32) -> (i32, i32) {
    %c0_i32 = arith.constant 0 : i32
    %c0_i32_0 = arith.constant 0 : i32
    %c0_i32_1 = arith.constant 0 : i32
    return %c0_i32, %c0_i32_0 : i32, i32
  }
  func.func @transform_2(%arg0: i32) -> (i32, i32) {
    %c0_i32 = arith.constant 0 : i32
    %c0_i32_0 = arith.constant 0 : i32
    %c0_i32_1 = arith.constant 0 : i32
    return %c0_i32, %c0_i32_0 : i32, i32
  }
  func.func @transform_3(%arg0: i32) -> (i32, i32) {
    %c0_i32 = arith.constant 0 : i32
    %c0_i32_0 = arith.constant 0 : i32
    return %arg0, %c0_i32 : i32, i32
  }
}

module attributes {stable_mosaic.version = 14 : i64} {
  func.func @_layer0_body(%arg0: i32, %arg1: memref<3128x64xf32, #tpu.memory_space<vmem>>, %arg2: memref<3128x32xbf16, #tpu.memory_space<vmem>>, %arg3: memref<3128x32xbf16, #tpu.memory_space<vmem>>, %arg4: memref<3128x1xf32, #tpu.memory_space<vmem>>, %arg5: memref<2x2xf32, #tpu.memory_space<vmem>>, %arg6: memref<64x64xf32, #tpu.memory_space<vmem>>, %arg7: memref<64x64xf32, #tpu.memory_space<vmem>>, %arg8: memref<1x64xf32, #tpu.memory_space<vmem>>, %arg9: memref<3128x64xf32, #tpu.memory_space<vmem>>) attributes {dimension_semantics = [#tpu.dimension_semantics<arbitrary>], iteration_bounds = array<i64: 16>, scalar_prefetch = 0 : i64, scratch_operands = 0 : i64, tpu.core_type = #tpu.core_type<tc>, window_params = [{transform_indices = @transform_0, window_bounds = array<i64: 3128, 64>}, {transform_indices = @transform_1, window_bounds = array<i64: 3128, 32>}, {transform_indices = @transform_2, window_bounds = array<i64: 3128, 32>}, {transform_indices = @transform_3, window_bounds = array<i64: 3128, 1>}, {pipeline_mode = #tpu.pipeline_mode<synchronous>, transform_indices = @transform_4, window_bounds = array<i64: 2, 2>}, {pipeline_mode = #tpu.pipeline_mode<synchronous>, transform_indices = @transform_5, window_bounds = array<i64: 64, 64>}, {pipeline_mode = #tpu.pipeline_mode<synchronous>, transform_indices = @transform_6, window_bounds = array<i64: 64, 64>}, {pipeline_mode = #tpu.pipeline_mode<synchronous>, transform_indices = @transform_7, window_bounds = array<i64: 1, 64>}, {transform_indices = @transform_8, window_bounds = array<i64: 3128, 64>}]} {
    %get3A = arith.constant 0 : index
    %get3A_0 = arith.constant 0 : index
    %get3A_1 = vector.load %arg5[%get3A, %get3A_0] : memref<2x2xf32, #tpu.memory_space<vmem>>, vector<1x1xf32>
    %get3A_2 = vector.extract %get3A_1[0, 0] : f32 from vector<1x1xf32>
    %logistic3A = arith.negf %get3A_2 : f32
    %logistic3A_3 = math.exp %logistic3A : f32
    %logistic3A_4 = arith.constant 1.000000e+00 : f32
    %logistic3A_5 = arith.addf %logistic3A_4, %logistic3A_3 : f32
    %logistic3A_6 = arith.divf %logistic3A_4, %logistic3A_5 : f32
    %get3A_7 = arith.constant 0 : index
    %get3A_8 = arith.constant 0 : index
    %get3A_9 = vector.load %arg4[%get3A_7, %get3A_8] : memref<3128x1xf32, #tpu.memory_space<vmem>>, vector<3128x1xf32>
    %max3A = arith.constant 1.000000e+00 : f32
    %max3A_10 = vector.broadcast %max3A : f32 to vector<3128x1xf32>
    %max3A_11 = arith.maximumf %get3A_9, %max3A_10 : vector<3128x1xf32>
    %get3A_12 = arith.constant 0 : index
    %get3A_13 = arith.constant 0 : index
    %get3A_14 = vector.load %arg2[%get3A_12, %get3A_13] : memref<3128x32xbf16, #tpu.memory_space<vmem>>, vector<3128x32xbf16>
    %get3A_15 = arith.constant 0 : index
    %get3A_16 = arith.constant 0 : index
    %get3A_17 = vector.load %arg3[%get3A_15, %get3A_16] : memref<3128x32xbf16, #tpu.memory_space<vmem>>, vector<3128x32xbf16>
    %concatenate3A = tpu.concatenate %get3A_14, %get3A_17 in 1 : vector<3128x32xbf16>, vector<3128x32xbf16> -> vector<3128x64xbf16>
    %convert_element_type3A = arith.extf %concatenate3A : vector<3128x64xbf16> to vector<3128x64xf32>
    %div3A = vector.broadcast %max3A_11 : vector<3128x1xf32> to vector<3128x64xf32>
    %div3A_18 = arith.divf %convert_element_type3A, %div3A : vector<3128x64xf32>
    %get3A_19 = arith.constant 0 : index
    %get3A_20 = arith.constant 0 : index
    %get3A_21 = vector.load %arg6[%get3A_19, %get3A_20] : memref<64x64xf32, #tpu.memory_space<vmem>>, vector<64x64xf32>
    %dot_general3A = arith.constant dense<0.000000e+00> : vector<3128x64xf32>
    %dot_general3A_22 = tpu.matmul %div3A_18, %get3A_21, %dot_general3A {dimension_numbers = #tpu.dot_dimension_numbers<[1], [0], [0], [1], [0, 0, 1, 1], [], []>, transpose_lhs_hint = false} : vector<3128x64xf32>, vector<64x64xf32>, vector<3128x64xf32> -> vector<3128x64xf32>
    %get3A_23 = arith.constant 0 : index
    %get3A_24 = arith.constant 0 : index
    %get3A_25 = vector.load %arg1[%get3A_23, %get3A_24] : memref<3128x64xf32, #tpu.memory_space<vmem>>, vector<3128x64xf32>
    %get3A_26 = arith.constant 0 : index
    %get3A_27 = arith.constant 0 : index
    %get3A_28 = vector.load %arg7[%get3A_26, %get3A_27] : memref<64x64xf32, #tpu.memory_space<vmem>>, vector<64x64xf32>
    %dot_general3A_29 = arith.constant dense<0.000000e+00> : vector<3128x64xf32>
    %dot_general3A_30 = tpu.matmul %get3A_25, %get3A_28, %dot_general3A_29 {dimension_numbers = #tpu.dot_dimension_numbers<[1], [0], [0], [1], [0, 0, 1, 1], [], []>, transpose_lhs_hint = false} : vector<3128x64xf32>, vector<64x64xf32>, vector<3128x64xf32> -> vector<3128x64xf32>
    %add3A = arith.addf %dot_general3A_22, %dot_general3A_30 : vector<3128x64xf32>
    %mul3A = vector.broadcast %logistic3A_6 : f32 to vector<3128x64xf32>
    %mul3A_31 = arith.mulf %mul3A, %add3A : vector<3128x64xf32>
    %get3A_32 = arith.constant 0 : index
    %get3A_33 = arith.constant 0 : index
    %get3A_34 = vector.load %arg8[%get3A_32, %get3A_33] : memref<1x64xf32, #tpu.memory_space<vmem>>, vector<1x64xf32>
    %add3A_35 = vector.broadcast %get3A_34 : vector<1x64xf32> to vector<3128x64xf32>
    %add3A_36 = arith.addf %mul3A_31, %add3A_35 : vector<3128x64xf32>
    %max3A_37 = arith.constant 0.000000e+00 : f32
    %max3A_38 = vector.broadcast %max3A_37 : f32 to vector<3128x64xf32>
    %max3A_39 = arith.maximumf %add3A_36, %max3A_38 : vector<3128x64xf32>
    %swap3A = arith.constant 0 : index
    %swap3A_40 = arith.constant 0 : index
    %swap3A_41 = vector.load %arg9[%swap3A, %swap3A_40] : memref<3128x64xf32, #tpu.memory_space<vmem>>, vector<3128x64xf32>
    tpu.vector_store %arg9[%swap3A, %swap3A_40], %max3A_39 {strides = array<i32>} : memref<3128x64xf32, #tpu.memory_space<vmem>>, vector<3128x64xf32>,
    return
  }
  func.func @transform_0(%arg0: i32) -> (i32, i32) {
    %c0_i32 = arith.constant 0 : i32
    %c0_i32_0 = arith.constant 0 : i32
    return %arg0, %c0_i32 : i32, i32
  }
  func.func @transform_1(%arg0: i32) -> (i32, i32) {
    %c0_i32 = arith.constant 0 : i32
    %c0_i32_0 = arith.constant 0 : i32
    return %arg0, %c0_i32 : i32, i32
  }
  func.func @transform_2(%arg0: i32) -> (i32, i32) {
    %add3A = arith.constant 16 : i32
    %add3A_0 = arith.addi %arg0, %add3A : i32
    %c0_i32 = arith.constant 0 : i32
    %c0_i32_1 = arith.constant 0 : i32
    return %add3A_0, %c0_i32 : i32, i32
  }
  func.func @transform_3(%arg0: i32) -> (i32, i32) {
    %c0_i32 = arith.constant 0 : i32
    %c0_i32_0 = arith.constant 0 : i32
    return %arg0, %c0_i32 : i32, i32
  }
  func.func @transform_4(%arg0: i32) -> (i32, i32) {
    %c0_i32 = arith.constant 0 : i32
    %c0_i32_0 = arith.constant 0 : i32
    %c0_i32_1 = arith.constant 0 : i32
    return %c0_i32, %c0_i32_0 : i32, i32
  }
  func.func @transform_5(%arg0: i32) -> (i32, i32) {
    %c0_i32 = arith.constant 0 : i32
    %c0_i32_0 = arith.constant 0 : i32
    %c0_i32_1 = arith.constant 0 : i32
    return %c0_i32, %c0_i32_0 : i32, i32
  }
  func.func @transform_6(%arg0: i32) -> (i32, i32) {
    %c0_i32 = arith.constant 0 : i32
    %c0_i32_0 = arith.constant 0 : i32
    %c0_i32_1 = arith.constant 0 : i32
    return %c0_i32, %c0_i32_0 : i32, i32
  }
  func.func @transform_7(%arg0: i32) -> (i32, i32) {
    %c0_i32 = arith.constant 0 : i32
    %c0_i32_0 = arith.constant 0 : i32
    %c0_i32_1 = arith.constant 0 : i32
    return %c0_i32, %c0_i32_0 : i32, i32
  }
  func.func @transform_8(%arg0: i32) -> (i32, i32) {
    %c0_i32 = arith.constant 0 : i32
    %c0_i32_0 = arith.constant 0 : i32
    return %arg0, %c0_i32 : i32, i32
  }
}

module attributes {stable_mosaic.version = 14 : i64} {
  func.func @_layer1_pool_body(%arg0: i32, %arg1: memref<3128x64xf32, #tpu.memory_space<vmem>>, %arg2: memref<3128x64xf32, #tpu.memory_space<vmem>>, %arg3: memref<3128x32xbf16, #tpu.memory_space<vmem>>, %arg4: memref<3128x32xbf16, #tpu.memory_space<vmem>>, %arg5: memref<3128x32xbf16, #tpu.memory_space<vmem>>, %arg6: memref<3128x32xbf16, #tpu.memory_space<vmem>>, %arg7: memref<3128x1xf32, #tpu.memory_space<vmem>>, %arg8: memref<1x1x3128xi32, #tpu.memory_space<vmem>>, %arg9: memref<2x2xf32, #tpu.memory_space<vmem>>, %arg10: memref<128x64xf32, #tpu.memory_space<vmem>>, %arg11: memref<128x64xf32, #tpu.memory_space<vmem>>, %arg12: memref<1x64xf32, #tpu.memory_space<vmem>>, %arg13: memref<64x192xf32, #tpu.memory_space<vmem>>) attributes {dimension_semantics = [#tpu.dimension_semantics<arbitrary>], iteration_bounds = array<i64: 16>, scalar_prefetch = 0 : i64, scratch_operands = 0 : i64, tpu.core_type = #tpu.core_type<tc>, window_params = [{transform_indices = @transform_0, window_bounds = array<i64: 3128, 64>}, {transform_indices = @transform_1, window_bounds = array<i64: 3128, 64>}, {transform_indices = @transform_2, window_bounds = array<i64: 3128, 32>}, {transform_indices = @transform_3, window_bounds = array<i64: 3128, 32>}, {transform_indices = @transform_4, window_bounds = array<i64: 3128, 32>}, {transform_indices = @transform_5, window_bounds = array<i64: 3128, 32>}, {transform_indices = @transform_6, window_bounds = array<i64: 3128, 1>}, {transform_indices = @transform_7, window_bounds = array<i64: 1, 1, 3128>}, {pipeline_mode = #tpu.pipeline_mode<synchronous>, transform_indices = @transform_8, window_bounds = array<i64: 2, 2>}, {pipeline_mode = #tpu.pipeline_mode<synchronous>, transform_indices = @transform_9, window_bounds = array<i64: 128, 64>}, {pipeline_mode = #tpu.pipeline_mode<synchronous>, transform_indices = @transform_10, window_bounds = array<i64: 128, 64>}, {pipeline_mode = #tpu.pipeline_mode<synchronous>, transform_indices = @transform_11, window_bounds = array<i64: 1, 64>}, {pipeline_mode = #tpu.pipeline_mode<synchronous>, transform_indices = @transform_12, window_bounds = array<i64: 64, 192>}]} {
    %get3A = arith.constant 1 : index
    %get3A_0 = arith.constant 0 : index
    %get3A_1 = vector.load %arg9[%get3A, %get3A_0] : memref<2x2xf32, #tpu.memory_space<vmem>>, vector<1x1xf32>
    %get3A_2 = vector.extract %get3A_1[0, 0] : f32 from vector<1x1xf32>
    %logistic3A = arith.negf %get3A_2 : f32
    %logistic3A_3 = math.exp %logistic3A : f32
    %logistic3A_4 = arith.constant 1.000000e+00 : f32
    %logistic3A_5 = arith.addf %logistic3A_4, %logistic3A_3 : f32
    %logistic3A_6 = arith.divf %logistic3A_4, %logistic3A_5 : f32
    %get3A_7 = arith.constant 1 : index
    %get3A_8 = arith.constant 1 : index
    %get3A_9 = vector.load %arg9[%get3A_7, %get3A_8] : memref<2x2xf32, #tpu.memory_space<vmem>>, vector<1x1xf32>
    %get3A_10 = vector.extract %get3A_9[0, 0] : f32 from vector<1x1xf32>
    %logistic3A_11 = arith.negf %get3A_10 : f32
    %logistic3A_12 = math.exp %logistic3A_11 : f32
    %logistic3A_13 = arith.constant 1.000000e+00 : f32
    %logistic3A_14 = arith.addf %logistic3A_13, %logistic3A_12 : f32
    %logistic3A_15 = arith.divf %logistic3A_13, %logistic3A_14 : f32
    %get3A_16 = arith.constant 0 : index
    %get3A_17 = arith.constant 0 : index
    %get3A_18 = vector.load %arg7[%get3A_16, %get3A_17] : memref<3128x1xf32, #tpu.memory_space<vmem>>, vector<3128x1xf32>
    %max3A = arith.constant 1.000000e+00 : f32
    %max3A_19 = vector.broadcast %max3A : f32 to vector<3128x1xf32>
    %max3A_20 = arith.maximumf %get3A_18, %max3A_19 : vector<3128x1xf32>
    %get3A_21 = arith.constant 0 : index
    %get3A_22 = arith.constant 0 : index
    %get3A_23 = vector.load %arg3[%get3A_21, %get3A_22] : memref<3128x32xbf16, #tpu.memory_space<vmem>>, vector<3128x32xbf16>
    %get3A_24 = arith.constant 0 : index
    %get3A_25 = arith.constant 0 : index
    %get3A_26 = vector.load %arg4[%get3A_24, %get3A_25] : memref<3128x32xbf16, #tpu.memory_space<vmem>>, vector<3128x32xbf16>
    %concatenate3A = tpu.concatenate %get3A_23, %get3A_26 in 1 : vector<3128x32xbf16>, vector<3128x32xbf16> -> vector<3128x64xbf16>
    %convert_element_type3A = arith.extf %concatenate3A : vector<3128x64xbf16> to vector<3128x64xf32>
    %div3A = vector.broadcast %max3A_20 : vector<3128x1xf32> to vector<3128x64xf32>
    %div3A_27 = arith.divf %convert_element_type3A, %div3A : vector<3128x64xf32>
    %get3A_28 = arith.constant 0 : index
    %get3A_29 = arith.constant 0 : index
    %get3A_30 = vector.load %arg5[%get3A_28, %get3A_29] : memref<3128x32xbf16, #tpu.memory_space<vmem>>, vector<3128x32xbf16>
    %get3A_31 = arith.constant 0 : index
    %get3A_32 = arith.constant 0 : index
    %get3A_33 = vector.load %arg6[%get3A_31, %get3A_32] : memref<3128x32xbf16, #tpu.memory_space<vmem>>, vector<3128x32xbf16>
    %concatenate3A_34 = tpu.concatenate %get3A_30, %get3A_33 in 1 : vector<3128x32xbf16>, vector<3128x32xbf16> -> vector<3128x64xbf16>
    %convert_element_type3A_35 = arith.extf %concatenate3A_34 : vector<3128x64xbf16> to vector<3128x64xf32>
    %div3A_36 = vector.broadcast %max3A_20 : vector<3128x1xf32> to vector<3128x64xf32>
    %div3A_37 = arith.divf %convert_element_type3A_35, %div3A_36 : vector<3128x64xf32>
    %get3A_38 = arith.constant 0 : index
    %get3A_39 = arith.constant 0 : index
    %get3A_40 = vector.load %arg1[%get3A_38, %get3A_39] : memref<3128x64xf32, #tpu.memory_space<vmem>>, vector<3128x64xf32>
    %get3A_41 = arith.constant 0 : index
    %get3A_42 = arith.constant 0 : index
    %get3A_43 = vector.load %arg2[%get3A_41, %get3A_42] : memref<3128x64xf32, #tpu.memory_space<vmem>>, vector<3128x64xf32>
    %get3A_44 = arith.constant 0 : index
    %get3A_45 = arith.constant 0 : index
    %get3A_46 = vector.load %arg10[%get3A_44, %get3A_45] : memref<128x64xf32, #tpu.memory_space<vmem>>, vector<128x64xf32>
    %get3A_47 = arith.constant 0 : index
    %get3A_48 = arith.constant 0 : index
    %get3A_49 = vector.load %arg11[%get3A_47, %get3A_48] : memref<128x64xf32, #tpu.memory_space<vmem>>, vector<128x64xf32>
    %slice3A = vector.extract_strided_slice %get3A_46 {offsets = [0, 0], sizes = [64, 64], strides = [1, 1]} : vector<128x64xf32> to vector<64x64xf32>
    %dot_general3A = arith.constant dense<0.000000e+00> : vector<3128x64xf32>
    %dot_general3A_50 = tpu.matmul %div3A_27, %slice3A, %dot_general3A {dimension_numbers = #tpu.dot_dimension_numbers<[1], [0], [0], [1], [0, 0, 1, 1], [], []>, transpose_lhs_hint = false} : vector<3128x64xf32>, vector<64x64xf32>, vector<3128x64xf32> -> vector<3128x64xf32>
    %slice3A_51 = vector.extract_strided_slice %get3A_49 {offsets = [0, 0], sizes = [64, 64], strides = [1, 1]} : vector<128x64xf32> to vector<64x64xf32>
    %dot_general3A_52 = arith.constant dense<0.000000e+00> : vector<3128x64xf32>
    %dot_general3A_53 = tpu.matmul %get3A_40, %slice3A_51, %dot_general3A_52 {dimension_numbers = #tpu.dot_dimension_numbers<[1], [0], [0], [1], [0, 0, 1, 1], [], []>, transpose_lhs_hint = false} : vector<3128x64xf32>, vector<64x64xf32>, vector<3128x64xf32> -> vector<3128x64xf32>
    %add3A = arith.addf %dot_general3A_50, %dot_general3A_53 : vector<3128x64xf32>
    %mul3A = vector.broadcast %logistic3A_6 : f32 to vector<3128x64xf32>
    %mul3A_54 = arith.mulf %mul3A, %add3A : vector<3128x64xf32>
    %slice3A_55 = vector.extract_strided_slice %get3A_46 {offsets = [64, 0], sizes = [64, 64], strides = [1, 1]} : vector<128x64xf32> to vector<64x64xf32>
    %dot_general3A_56 = arith.constant dense<0.000000e+00> : vector<3128x64xf32>
    %dot_general3A_57 = tpu.matmul %div3A_37, %slice3A_55, %dot_general3A_56 {dimension_numbers = #tpu.dot_dimension_numbers<[1], [0], [0], [1], [0, 0, 1, 1], [], []>, transpose_lhs_hint = false} : vector<3128x64xf32>, vector<64x64xf32>, vector<3128x64xf32> -> vector<3128x64xf32>
    %slice3A_58 = vector.extract_strided_slice %get3A_49 {offsets = [64, 0], sizes = [64, 64], strides = [1, 1]} : vector<128x64xf32> to vector<64x64xf32>
    %dot_general3A_59 = arith.constant dense<0.000000e+00> : vector<3128x64xf32>
    %dot_general3A_60 = tpu.matmul %get3A_43, %slice3A_58, %dot_general3A_59 {dimension_numbers = #tpu.dot_dimension_numbers<[1], [0], [0], [1], [0, 0, 1, 1], [], []>, transpose_lhs_hint = false} : vector<3128x64xf32>, vector<64x64xf32>, vector<3128x64xf32> -> vector<3128x64xf32>
    %add3A_61 = arith.addf %dot_general3A_57, %dot_general3A_60 : vector<3128x64xf32>
    %mul3A_62 = vector.broadcast %logistic3A_15 : f32 to vector<3128x64xf32>
    %mul3A_63 = arith.mulf %mul3A_62, %add3A_61 : vector<3128x64xf32>
    %add3A_64 = arith.addf %mul3A_54, %mul3A_63 : vector<3128x64xf32>
    %get3A_65 = arith.constant 0 : index
    %get3A_66 = arith.constant 0 : index
    %get3A_67 = vector.load %arg12[%get3A_65, %get3A_66] : memref<1x64xf32, #tpu.memory_space<vmem>>, vector<1x64xf32>
    %add3A_68 = vector.broadcast %get3A_67 : vector<1x64xf32> to vector<3128x64xf32>
    %add3A_69 = arith.addf %add3A_64, %add3A_68 : vector<3128x64xf32>
    %max3A_70 = arith.constant 0.000000e+00 : f32
    %max3A_71 = vector.broadcast %max3A_70 : f32 to vector<3128x64xf32>
    %max3A_72 = arith.maximumf %add3A_69, %max3A_71 : vector<3128x64xf32>
    %concatenate3A_73 = tpu.concatenate %get3A_40, %get3A_43, %max3A_72 in 1 : vector<3128x64xf32>, vector<3128x64xf32>, vector<3128x64xf32> -> vector<3128x192xf32>
    %get3A_74 = arith.constant 0 : index
    %get3A_75 = arith.constant 0 : index
    %get3A_76 = arith.constant 0 : index
    %get3A_77 = vector.load %arg8[%get3A_74, %get3A_75, %get3A_76] : memref<1x1x3128xi32, #tpu.memory_space<vmem>>, vector<1x1x3128xi32>
    %get3A_78 = vector.shape_cast %get3A_77 : vector<1x1x3128xi32> to vector<3128xi32>
    %broadcast_in_dim3A = vector.shape_cast %get3A_78 : vector<3128xi32> to vector<3128x1xi32>
    %iota3A = tpu.iota {dimensions = array<i32: 1>} : vector<3128x64xi32>
    %eq3A = vector.broadcast %broadcast_in_dim3A : vector<3128x1xi32> to vector<3128x64xi32>
    %eq3A_79 = arith.cmpi eq, %eq3A, %iota3A : vector<3128x64xi32>
    %convert_element_type3A_80 = arith.extui %eq3A_79 : vector<3128x64xi1> to vector<3128x64xi32>
    %convert_element_type3A_81 = arith.sitofp %convert_element_type3A_80 : vector<3128x64xi32> to vector<3128x64xf32>
    %dot_general3A_82 = arith.constant dense<0.000000e+00> : vector<64x192xf32>
    %dot_general3A_83 = tpu.matmul %convert_element_type3A_81, %concatenate3A_73, %dot_general3A_82 {dimension_numbers = #tpu.dot_dimension_numbers<[0], [0], [1], [1], [0, 1, 1, 1], [], []>, transpose_lhs_hint = false} : vector<3128x64xf32>, vector<3128x192xf32>, vector<64x192xf32> -> vector<64x192xf32>
    %eq3A_84 = arith.constant 0 : i32
    %eq3A_85 = arith.cmpi eq, %arg0, %eq3A_84 : i32
    %convert_element_type3A_86 = arith.extui %eq3A_85 : i1 to i32
    %cond3A = arith.constant 0 : i32
    %cond3A_87 = arith.cmpi ne, %convert_element_type3A_86, %cond3A : i32
    scf.if %cond3A_87 {
      %swap3A = arith.constant 0 : index
      %swap3A_92 = arith.constant 0 : index
      %swap3A_93 = vector.load %arg13[%swap3A, %swap3A_92] : memref<64x192xf32, #tpu.memory_space<vmem>>, vector<64x192xf32>
      tpu.vector_store %arg13[%swap3A, %swap3A_92], %dot_general3A_83 {strides = array<i32>} : memref<64x192xf32, #tpu.memory_space<vmem>>, vector<64x192xf32>,
    } else {
    }
    %gt3A = arith.constant 0 : i32
    %gt3A_88 = arith.cmpi sgt, %arg0, %gt3A : i32
    %convert_element_type3A_89 = arith.extui %gt3A_88 : i1 to i32
    %cond3A_90 = arith.constant 0 : i32
    %cond3A_91 = arith.cmpi ne, %convert_element_type3A_89, %cond3A_90 : i32
    scf.if %cond3A_91 {
      %get3A_92 = arith.constant 0 : index
      %get3A_93 = arith.constant 0 : index
      %get3A_94 = vector.load %arg13[%get3A_92, %get3A_93] : memref<64x192xf32, #tpu.memory_space<vmem>>, vector<64x192xf32>
      %add3A_95 = arith.addf %get3A_94, %dot_general3A_83 : vector<64x192xf32>
      %swap3A = arith.constant 0 : index
      %swap3A_96 = arith.constant 0 : index
      %swap3A_97 = vector.load %arg13[%swap3A, %swap3A_96] : memref<64x192xf32, #tpu.memory_space<vmem>>, vector<64x192xf32>
      tpu.vector_store %arg13[%swap3A, %swap3A_96], %add3A_95 {strides = array<i32>} : memref<64x192xf32, #tpu.memory_space<vmem>>, vector<64x192xf32>,
    } else {
    }
    return
  }
  func.func @transform_0(%arg0: i32) -> (i32, i32) {
    %c0_i32 = arith.constant 0 : i32
    %c0_i32_0 = arith.constant 0 : i32
    return %arg0, %c0_i32 : i32, i32
  }
  func.func @transform_1(%arg0: i32) -> (i32, i32) {
    %c0_i32 = arith.constant 0 : i32
    %c0_i32_0 = arith.constant 0 : i32
    return %arg0, %c0_i32 : i32, i32
  }
  func.func @transform_2(%arg0: i32) -> (i32, i32) {
    %c0_i32 = arith.constant 0 : i32
    %c0_i32_0 = arith.constant 0 : i32
    return %arg0, %c0_i32 : i32, i32
  }
  func.func @transform_3(%arg0: i32) -> (i32, i32) {
    %add3A = arith.constant 16 : i32
    %add3A_0 = arith.addi %arg0, %add3A : i32
    %c0_i32 = arith.constant 0 : i32
    %c0_i32_1 = arith.constant 0 : i32
    return %add3A_0, %c0_i32 : i32, i32
  }
  func.func @transform_4(%arg0: i32) -> (i32, i32) {
    %c0_i32 = arith.constant 0 : i32
    %c0_i32_0 = arith.constant 0 : i32
    return %arg0, %c0_i32 : i32, i32
  }
  func.func @transform_5(%arg0: i32) -> (i32, i32) {
    %add3A = arith.constant 16 : i32
    %add3A_0 = arith.addi %arg0, %add3A : i32
    %c0_i32 = arith.constant 0 : i32
    %c0_i32_1 = arith.constant 0 : i32
    return %add3A_0, %c0_i32 : i32, i32
  }
  func.func @transform_6(%arg0: i32) -> (i32, i32) {
    %c0_i32 = arith.constant 0 : i32
    %c0_i32_0 = arith.constant 0 : i32
    return %arg0, %c0_i32 : i32, i32
  }
  func.func @transform_7(%arg0: i32) -> (i32, i32, i32) {
    %c0_i32 = arith.constant 0 : i32
    %c0_i32_0 = arith.constant 0 : i32
    %c0_i32_1 = arith.constant 0 : i32
    return %arg0, %c0_i32, %c0_i32_0 : i32, i32, i32
  }
  func.func @transform_8(%arg0: i32) -> (i32, i32) {
    %c0_i32 = arith.constant 0 : i32
    %c0_i32_0 = arith.constant 0 : i32
    %c0_i32_1 = arith.constant 0 : i32
    return %c0_i32, %c0_i32_0 : i32, i32
  }
  func.func @transform_9(%arg0: i32) -> (i32, i32) {
    %c0_i32 = arith.constant 0 : i32
    %c0_i32_0 = arith.constant 0 : i32
    %c0_i32_1 = arith.constant 0 : i32
    return %c0_i32, %c0_i32_0 : i32, i32
  }
  func.func @transform_10(%arg0: i32) -> (i32, i32) {
    %c0_i32 = arith.constant 0 : i32
    %c0_i32_0 = arith.constant 0 : i32
    %c0_i32_1 = arith.constant 0 : i32
    return %c0_i32, %c0_i32_0 : i32, i32
  }
  func.func @transform_11(%arg0: i32) -> (i32, i32) {
    %c0_i32 = arith.constant 0 : i32
    %c0_i32_0 = arith.constant 0 : i32
    %c0_i32_1 = arith.constant 0 : i32
    return %c0_i32, %c0_i32_0 : i32, i32
  }
  func.func @transform_12(%arg0: i32) -> (i32, i32) {
    %c0_i32 = arith.constant 0 : i32
    %c0_i32_0 = arith.constant 0 : i32
    %c0_i32_1 = arith.constant 0 : i32
    return %c0_i32, %c0_i32_0 : i32, i32
  }
}

module attributes {stable_mosaic.version = 14 : i64} {
  func.func @_mlp_body(%arg0: memref<64x192xf32, #tpu.memory_space<vmem>>, %arg1: memref<192x64xf32, #tpu.memory_space<vmem>>, %arg2: memref<1x64xf32, #tpu.memory_space<vmem>>, %arg3: memref<64x64xf32, #tpu.memory_space<vmem>>, %arg4: memref<1x64xf32, #tpu.memory_space<vmem>>, %arg5: memref<64x256xf32, #tpu.memory_space<vmem>>, %arg6: memref<1x256xf32, #tpu.memory_space<vmem>>, %arg7: memref<256x64xf32, #tpu.memory_space<vmem>>, %arg8: memref<1x64xf32, #tpu.memory_space<vmem>>, %arg9: memref<64x64xf32, #tpu.memory_space<vmem>>) attributes {dimension_semantics = [], scalar_prefetch = 0 : i64, scratch_operands = 0 : i64, tpu.core_type = #tpu.core_type<tc>} {
    %get3A = arith.constant 0 : index
    %get3A_0 = arith.constant 0 : index
    %get3A_1 = vector.load %arg0[%get3A, %get3A_0] : memref<64x192xf32, #tpu.memory_space<vmem>>, vector<64x192xf32>
    %get3A_2 = arith.constant 0 : index
    %get3A_3 = arith.constant 0 : index
    %get3A_4 = vector.load %arg1[%get3A_2, %get3A_3] : memref<192x64xf32, #tpu.memory_space<vmem>>, vector<192x64xf32>
    %dot_general3A = arith.constant dense<0.000000e+00> : vector<64x64xf32>
    %dot_general3A_5 = tpu.matmul %get3A_1, %get3A_4, %dot_general3A {dimension_numbers = #tpu.dot_dimension_numbers<[1], [0], [0], [1], [0, 0, 1, 1], [], []>, transpose_lhs_hint = false} : vector<64x192xf32>, vector<192x64xf32>, vector<64x64xf32> -> vector<64x64xf32>
    %get3A_6 = arith.constant 0 : index
    %get3A_7 = arith.constant 0 : index
    %get3A_8 = vector.load %arg2[%get3A_6, %get3A_7] : memref<1x64xf32, #tpu.memory_space<vmem>>, vector<1x64xf32>
    %add3A = vector.broadcast %get3A_8 : vector<1x64xf32> to vector<64x64xf32>
    %add3A_9 = arith.addf %dot_general3A_5, %add3A : vector<64x64xf32>
    %ge3A = arith.constant 0.000000e+00 : f32
    %ge3A_10 = vector.broadcast %ge3A : f32 to vector<64x64xf32>
    %ge3A_11 = arith.cmpf oge, %add3A_9, %ge3A_10 : vector<64x64xf32>
    %mul3A = arith.constant 1.000000e-01 : f32
    %mul3A_12 = vector.broadcast %mul3A : f32 to vector<64x64xf32>
    %mul3A_13 = arith.mulf %mul3A_12, %add3A_9 : vector<64x64xf32>
    %select_n3A = arith.select %ge3A_11, %add3A_9, %mul3A_13 : vector<64x64xi1>, vector<64x64xf32>
    %get3A_14 = arith.constant 0 : index
    %get3A_15 = arith.constant 0 : index
    %get3A_16 = vector.load %arg3[%get3A_14, %get3A_15] : memref<64x64xf32, #tpu.memory_space<vmem>>, vector<64x64xf32>
    %dot_general3A_17 = arith.constant dense<0.000000e+00> : vector<64x64xf32>
    %dot_general3A_18 = tpu.matmul %select_n3A, %get3A_16, %dot_general3A_17 {dimension_numbers = #tpu.dot_dimension_numbers<[1], [0], [0], [1], [0, 0, 1, 1], [], []>, transpose_lhs_hint = false} : vector<64x64xf32>, vector<64x64xf32>, vector<64x64xf32> -> vector<64x64xf32>
    %get3A_19 = arith.constant 0 : index
    %get3A_20 = arith.constant 0 : index
    %get3A_21 = vector.load %arg4[%get3A_19, %get3A_20] : memref<1x64xf32, #tpu.memory_space<vmem>>, vector<1x64xf32>
    %add3A_22 = vector.broadcast %get3A_21 : vector<1x64xf32> to vector<64x64xf32>
    %add3A_23 = arith.addf %dot_general3A_18, %add3A_22 : vector<64x64xf32>
    %max3A = arith.constant 0.000000e+00 : f32
    %max3A_24 = vector.broadcast %max3A : f32 to vector<64x64xf32>
    %max3A_25 = arith.maximumf %add3A_23, %max3A_24 : vector<64x64xf32>
    %get3A_26 = arith.constant 0 : index
    %get3A_27 = arith.constant 0 : index
    %get3A_28 = vector.load %arg5[%get3A_26, %get3A_27] : memref<64x256xf32, #tpu.memory_space<vmem>>, vector<64x256xf32>
    %dot_general3A_29 = arith.constant dense<0.000000e+00> : vector<64x256xf32>
    %dot_general3A_30 = tpu.matmul %max3A_25, %get3A_28, %dot_general3A_29 {dimension_numbers = #tpu.dot_dimension_numbers<[1], [0], [0], [1], [0, 0, 1, 1], [], []>, transpose_lhs_hint = false} : vector<64x64xf32>, vector<64x256xf32>, vector<64x256xf32> -> vector<64x256xf32>
    %get3A_31 = arith.constant 0 : index
    %get3A_32 = arith.constant 0 : index
    %get3A_33 = vector.load %arg6[%get3A_31, %get3A_32] : memref<1x256xf32, #tpu.memory_space<vmem>>, vector<1x256xf32>
    %add3A_34 = vector.broadcast %get3A_33 : vector<1x256xf32> to vector<64x256xf32>
    %add3A_35 = arith.addf %dot_general3A_30, %add3A_34 : vector<64x256xf32>
    %max3A_36 = arith.constant 0.000000e+00 : f32
    %max3A_37 = vector.broadcast %max3A_36 : f32 to vector<64x256xf32>
    %max3A_38 = arith.maximumf %add3A_35, %max3A_37 : vector<64x256xf32>
    %get3A_39 = arith.constant 0 : index
    %get3A_40 = arith.constant 0 : index
    %get3A_41 = vector.load %arg7[%get3A_39, %get3A_40] : memref<256x64xf32, #tpu.memory_space<vmem>>, vector<256x64xf32>
    %dot_general3A_42 = arith.constant dense<0.000000e+00> : vector<64x64xf32>
    %dot_general3A_43 = tpu.matmul %max3A_38, %get3A_41, %dot_general3A_42 {dimension_numbers = #tpu.dot_dimension_numbers<[1], [0], [0], [1], [0, 0, 1, 1], [], []>, transpose_lhs_hint = false} : vector<64x256xf32>, vector<256x64xf32>, vector<64x64xf32> -> vector<64x64xf32>
    %get3A_44 = arith.constant 0 : index
    %get3A_45 = arith.constant 0 : index
    %get3A_46 = vector.load %arg8[%get3A_44, %get3A_45] : memref<1x64xf32, #tpu.memory_space<vmem>>, vector<1x64xf32>
    %add3A_47 = vector.broadcast %get3A_46 : vector<1x64xf32> to vector<64x64xf32>
    %add3A_48 = arith.addf %dot_general3A_43, %add3A_47 : vector<64x64xf32>
    %swap3A = arith.constant 0 : index
    %swap3A_49 = arith.constant 0 : index
    %swap3A_50 = vector.load %arg9[%swap3A, %swap3A_49] : memref<64x64xf32, #tpu.memory_space<vmem>>, vector<64x64xf32>
    tpu.vector_store %arg9[%swap3A, %swap3A_49], %add3A_48 {strides = array<i32>} : memref<64x64xf32, #tpu.memory_space<vmem>>, vector<64x64xf32>,
    return
  }
}

</mosaic_0001>

<sc_bundles>
// kernel: kernel.11.cloned.1.call-start
scs
__scs_entry_jumppad:
0x0: {  	(pc) =	sbr.rel $0x88, $3  }
0x1: {  	(tag) =	ssettag $0x0;
	lr =	simm.s32 $0x1  }
0x2: {  	[smem:$0x3F8D] =	sst lr;
	_ =	strace $0xD0000000  }
0x3: {  	_ = 	snop  }
0x4: {  	_ = 	snop  }
0x5: {  	_ = 	snop  }
0x6: {  	_ = 	snop  }
0x7: {  	_ = 	snop  }
__scs_overlays_trampoline_lowered:
0x8: {  	[smem:$0x3F9C] =	sst s0  }
0x9: {  	[smem:$0x3F9D] =	sst s1  }
0xa: {  	[smem:$0x3F9E] =	sst s2  }
0xb: {  	[smem:$0x3F9F] =	sst s3  }
0xc: {  	[smem:$0x3FA0] =	sst s4  }
0xd: {  	[smem:$0x3FA1] =	sst s5  }
0xe: {  	[smem:$0x3FA2] =	sst s6  }
0xf: {  	[smem:$0x3FA3] =	sst s7  }
0x10: {  	[smem:$0x3FA4] =	sst s8  }
0x11: {  	[smem:$0x3FA5] =	sst s9;
	s0 =	simm.s32 @!p0 $0x0  }
0x12: {  	s1 =	sld [smem:$0x3F8B];
	s0 =	simm.s32 @p0 $0x1  }
0x13: {  	[smem:$0x3FA6] =	sst s0;
	s0 =	simm.s32 @!p1 $0x0  }
0x14: {  	s2 =	sld [smem:$0x3F8A];
	s0 =	simm.s32 @p1 $0x1  }
0x15: {  	[smem:$0x3FA7] =	sst s0;
	s0 =	simm.s32 @!p2 $0x0  }
0x16: {  	s3 =	sld [smem:$0x3FDB];
	s0 =	simm.s32 @p2 $0x1  }
0x17: {  	s4 =	simm.s32 $0x1BF5;
	[smem:$0x3FA9] =	sst s0  }
0x18: {  	s0 =	sld [smem:$0x3F8C];
	_ =	swait.ge [sflag:s4], $0x0  }
0x19: {  	s7 =	sld [smem:$0x3F8D]  }
0x1a: {  	s8 =	sadd.s32 $0xFFFFE003, lr  }
0x1b: {  	s9 =	sadd.s32 $0xFFFFFEF7, lr;
	s5 =	simm.s32 $0xFFFFFFFF;
	p2 =	slt.u32 s8, $0xFFFFF086  }
0x1c: {  	p1 =	slt.u32 s9, $0xF7A;
	s5 =	simm.s32 @!p2 $0x0  }
0x1d: {  	s5 =	simm.s32 @p1 $0x1;
	p0 =	seq.s32 s7, s2  }
0x1e: {  	s7 =	smul.u32 @!p0 $0xF7A, s2;
	p2 =	seq.s32 @!p0 s5, $0x0  }
0x1f: {  	s9 =	smul.u32 $0xF7A, s1;
	s8 =	simm.s32 @!p0 $0x1BF5;
	p2 =	por !p2, p0  }
0x20: {  	[sflag:s8] =	ssyncset.s32 @!p0 $0xFFFFF086;
	s6 =	sadd.s32 @!p0 s3, s7;
	s7 =	simm.s32 @!p0 $0x108  }
0x21: {  	s3 =	sadd.s32 s3, s9;
	s6 =	sadd.s32 @!p0 $0x88, s6;
	s7 =	simm.s32 @p2 $0x1082  }
0x22: {  	[simem:s7], [sflag:s8] =	dma.local @!p0 [hbm:s6], $0xF7A  }
0x23: {  	s9 =	sor.u32 $0xD0000000, s2;
	s6 =	simm.s32 $0x108;
	_ =	swait.ge @!p0 [sflag:s8], $0x0  }
0x24: {  	s3 =	sadd.s32 $0x88, s3;
	s6 =	simm.s32 @!p1 $0x1082;
	[sflag:s4] =	ssyncset.s32 $0xFFFFF086  }
0x25: {  	[simem:s6], [sflag:s4] =	dma.local [hbm:s3], $0xF7A  }
0x26: {  	[smem:$0x3F8D] =	sst s1;
	(tag) =	ssettag s2;
	_ =	strace s9  }
0x27: {  	s1 =	sld [smem:$0x3F9D]  }
0x28: {  	s2 =	sld [smem:$0x3F9E]  }
0x29: {  	s4 =	sld [smem:$0x3FA0]  }
0x2a: {  	p0 =	seq.s32 s5, $0x0;
	s5 =	sld [smem:$0x3FA1]  }
0x2b: {  	s6 =	sld [smem:$0x3FA2]  }
0x2c: {  	s7 =	sld [smem:$0x3FA3]  }
0x2d: {  	s3 =	simm.s32 $0x108;
	s8 =	sld [smem:$0x3FA4]  }
0x2e: {  	s3 =	simm.s32 @!p0 $0x1082;
	s9 =	sld [smem:$0x3FA5]  }
0x2f: {  	lr =	sadd.s32 s0, s3;
	s0 =	sld [smem:$0x3F9C]  }
0x30: {  	s3 =	sld [smem:$0x3F9F]  }
0x31: {  	[smem:$0x3FA8] =	sst s10  }
0x32: {  	s10 =	sld [smem:$0x3FA6];
	_ =	sdelay $0x3  }
0x33: {  	p0 =	seq.s32 s10, $0x1;
	s10 =	sld [smem:$0x3FA8];
	_ =	sdelay $0x3  }
0x34: {  	[smem:$0x3FA8] =	sst s10  }
0x35: {  	s10 =	sld [smem:$0x3FA7];
	_ =	sdelay $0x3  }
0x36: {  	p1 =	seq.s32 s10, $0x1;
	s10 =	sld [smem:$0x3FA8];
	_ =	sdelay $0x3  }
0x37: {  	[smem:$0x3FA8] =	sst s10  }
0x38: {  	s10 =	sld [smem:$0x3FA9]  }
0x39: {  	_ = 	snop;
	(pc) =	sbr.ind lr, $3  }
0x3a: {  	_ = 	snop  }
0x3b: {  	_ = 	snop  }
0x3c: {  	p2 =	seq.s32 s10, $0x1;
	s10 =	sld [smem:$0x3FA8]  }
0x3d: {  	_ =	shalt  }
0x3e: {  	_ =	shalt  }
0x3f: {  	_ =	shalt  }
0x40: {  	_ =	shalt  }
0x41: {  	_ =	shalt  }
0x42: {  	_ =	shalt  }
0x43: {  	_ =	shalt  }
0x44: {  	_ =	shalt  }
0x45: {  	_ =	shalt  }
0x46: {  	_ =	shalt  }
0x47: {  	_ =	shalt  }
0x48: {  	_ =	shalt  }
0x49: {  	_ =	shalt  }
0x4a: {  	_ =	shalt  }
0x4b: {  	_ =	shalt  }
0x4c: {  	_ =	shalt  }
0x4d: {  	_ =	shalt  }
0x4e: {  	_ =	shalt  }
0x4f: {  	_ =	shalt  }
0x50: {  	_ =	shalt  }
0x51: {  	_ =	shalt  }
0x52: {  	_ =	shalt  }
0x53: {  	_ =	shalt  }
0x54: {  	_ =	shalt  }
0x55: {  	_ =	shalt  }
0x56: {  	_ =	shalt  }
0x57: {  	_ =	shalt  }
0x58: {  	_ =	shalt  }
0x59: {  	_ =	shalt  }
0x5a: {  	_ =	shalt  }
0x5b: {  	_ =	shalt  }
0x5c: {  	_ =	shalt  }
0x5d: {  	_ =	shalt  }
0x5e: {  	_ =	shalt  }
0x5f: {  	_ =	shalt  }
0x60: {  	_ =	shalt  }
0x61: {  	_ =	shalt  }
0x62: {  	_ =	shalt  }
0x63: {  	_ =	shalt  }
0x64: {  	_ =	shalt  }
0x65: {  	_ =	shalt  }
0x66: {  	_ =	shalt  }
0x67: {  	_ =	shalt  }
0x68: {  	_ =	shalt  }
0x69: {  	_ =	shalt  }
0x6a: {  	_ =	shalt  }
0x6b: {  	_ =	shalt  }
0x6c: {  	_ =	shalt  }
0x6d: {  	_ =	shalt  }
0x6e: {  	_ =	shalt  }
0x6f: {  	_ =	shalt  }
0x70: {  	_ =	shalt  }
0x71: {  	_ =	shalt  }
0x72: {  	_ =	shalt  }
0x73: {  	_ =	shalt  }
0x74: {  	_ =	shalt  }
0x75: {  	_ =	shalt  }
0x76: {  	_ =	shalt  }
0x77: {  	_ =	shalt  }
0x78: {  	_ =	shalt  }
0x79: {  	_ =	shalt  }
0x7a: {  	_ =	shalt  }
0x7b: {  	_ =	shalt  }
0x7c: {  	_ =	shalt  }
0x7d: {  	_ =	shalt  }
0x7e: {  	_ =	shalt  }
0x7f: {  	_ =	shalt  }
0x80: {  	_ =	shalt  }
0x81: {  	_ =	shalt  }
0x82: {  	_ =	shalt  }
0x83: {  	_ =	shalt  }
0x84: {  	_ =	shalt  }
0x85: {  	_ =	shalt  }
0x86: {  	_ =	shalt  }
0x87: {  	_ =	shalt  }
.Lfunc_end0:
.L_simem_size_0:
called_computation.1_lowered:
.L_overlay_start_0:
0x88: {  	s2 =	sld [smem:$0x3FD9]  }
0x89: {  	s3 =	sld [smem:$0x3FFE];
	_ =	sdelay $0x1  }
0x8a: {  	s1 =	srdreg.scid  }
0x8b: {  	s0 =	sand.u32 $0x1, s1  }
0x8c: {  	s16 =	sshll.u32 s0, $0xA;
	s2 =	sadd.s32 s3, s2  }
0x8d: {  	s2 =	sadd.s32 s2, s16  }
0x8e: {  	[smem:$0x3FB4] =	sst s2  }
0x8f: {  	_ = 	snop  }
0x90: {  	(tm) =	ssettm $0x1  }
0x91: {  	s17 =	sld [smem:$0x3FFB];
	_ =	sdelay $0x3  }
0x92: {  	_ =	strace s17  }
0x93: {  	s2 =	sld [smem:$0x3FFC];
	_ =	sdelay $0x3  }
0x94: {  	_ =	strace s2  }
0x95: {  	s2 =	sld [smem:$0x3FFD];
	_ =	sdelay $0x3  }
0x96: {  	_ =	strace s2  }
0x97: {  	_ =	strace $0x8FFFFFFF  }
0x98: {  	s18 =	sld [smem:$0x3FDB];
	_ =	sdelay $0x1  }
0x99: {  	s19 =	simm.s32 $_scs_section_size  }
0x9a: {  	s4 =	simm.s32 $_size__tile_overlayer_lowered;
	s5 =	simm.s32 $_tile_overlayer_lowered  }
0x9b: {  	s22 =	simm.s32 $0x1BFF;
	s21 =	sshll.u32 s5, $0x1;
	s2 =	sadd.s32 s19, s18  }
0x9c: {  	s6 =	simm.s32 $0x0;
	s20 =	sshll.u32 s4, $0x1;
	s4 =	sadd.s32 s21, s2  }
0x9d: {  	[timem:s6], [sflag:s22] =	dma.local [hbm:s4], s20  }
0x9e: {  	_ =	swait.ge [sflag:s22], s20  }
0x9f: {  	s3 =	ssub.s32 $0x0, s20;
	[sflag:s22] =	ssyncset.done $0x0  }
0xa0: {  	[sflag:s22] =	ssyncadd.s32 s3;
	_ =	sdelay $0x1  }
0xa1: {  	s23 =	simm.s32 $0x1B8B  }
0xa2: {  	_ =	swait.ge [sflag:s23], $0x1  }
0xa3: {  	[sflag:s23] =	ssyncset.done $0x0  }
0xa4: {  	s25 =	simm.s32 $0x1B8E;
	s24 =	sld [smem:$0x3FFE];
	[sflag:s23] =	ssyncadd.s32 $0xFFFFFFFF  }
0xa5: {  	s26 =	simm.s32 $execute0_lowered;
	[smem:$0x3FD2] =	sst s25  }
0xa6: {  	s4 =	sshll.u32 s26, $0x1;
	_ =	strace $0x80000049;
	[dreg:$0x1] =	wrdreg $0xFFFFFFFF  }
0xa7: {  	s28 =	simm.s32 $_size_execute0_lowered;
	s2 =	sadd.s32 s2, s4;
	[dreg:$0x0] =	wrdreg $0x0  }
0xa8: {  	s4 =	sshll.u32 s28, $0x1;
	[dreg:$0x2] =	wrdreg s2  }
0xa9: {  	[dreg:$0x3] =	wrdreg s4  }
0xaa: {  	[dreg:$0x4] =	wrdreg $0xC0  }
0xab: {  	_ =	task [dreg:s6], $0x5FFFF  }
0xac: {  	[dreg:$0x1] =	wrdreg $0xFFFFFFFF  }
0xad: {  	[dreg:$0x0] =	wrdreg $0x60  }
0xae: {  	[dreg:$0x2] =	wrdreg s24  }
0xaf: {  	[dreg:$0x3] =	wrdreg $0x0  }
0xb0: {  	[dreg:$0x4] =	wrdreg $0x9  }
0xb1: {  	_ =	task.clear_ibuf [dreg:s6], $0x5FFFF;
	_ =	strace $0x90000049  }
0xb2: {  	s29 =	simm.s32 $0x9;
	_ =	strace $0x8000004B  }
0xb3: {  	_ =	swait.ge [sflag:s29], $0x1  }
0xb4: {  	[sflag:s29] =	ssyncadd.s32 $0xFFFFFFFF  }
0xb5: {  	_ =	strace $0x9000004B  }
0xb6: {  	_ =	sfence  }
0xb7: {  	s30 =	sld [smem:$0x0];
	_ =	sdelay $0x2  }
0xb8: {  	s31 =	sshll.u32 s1, $0xD;
	s1 =	sshrl.u32 s1, $0x2  }
0xb9: {  	s3 =	sand.u32 $0x4000, s31;
	s1 =	sadd.s32 s1, s30  }
0xba: {  	s0 =	sor.u32 s3, s0;
	s1 =	sshll.u32 s1, $0x11  }
0xbb: {  	s0 =	sor.u32 s1, s0  }
0xbc: {  	s0 =	sadd.s32 $0x8F2B, s0  }
0xbd: {  	[sflag:s0] =	ssyncadd.remote.s32 $0x1  }
0xbe: {  	_ =	sfence.sel $0xFFFF  }
0xbf: {  	[dreg:$0x0] =	wrdreg $0xFFFFFFFF;
	(pc) =	sbr.abs _section_cstart, $3  }
0xc0: {  	[dreg:$0x1] =	wrdreg $0xFFFFFFFF  }
0xc1: {  	_ =	task.clear_ibuf [dreg:s6], $0x2FFFF;
	_ =	strace $0x9FFFFFFF  }
0xc2: {  	(tm) =	ssettm $0x7FFFFFFF  }
0xc3: {  	_ =	shalt  }
tec
execute0_lowered:
.L_overlay_start_1:
0x0: {  	(tag) =	ssettag $0x1  }
0x1: {  	s0 =	rddreg [dreg:$0x0]  }
0x2: {  	s2 =	rddreg [dreg:$0x1]  }
0x3: {  	s12 =	stileid.u32;
	s3 =	simm.s32 $0x0;
	s4 =	srdreg.scid  }
0x4: {  	s13 =	simm.s32 $0xD780;
	s23 =	simm.s32 $0xC580;
	s14 =	simm.s32 $0x200  }
0x5: {  	s24 =	simm.s32 $0xC780;
	s25 =	simm.s32 $0xC980;
	s26 =	simm.s32 $0xCB80  }
0x6: {  	s28 =	simm.s32 $0xD980;
	s29 =	simm.s32 $0xDB80;
	s30 =	simm.s32 $0xDD80  }
0x7: {  	s31 =	simm.s32 $0xDF80;
	s1 =	smul.u32 $0x18700, s12;
	[smem:$0x7FF] =	sst s3  }
0x8: {  	s5 =	sand.u32 $0x1, s4;
	s6 =	smul.u32 $0x1870, s12;
	s4 =	sadd.s32 $0x67200, s0  }
0x9: {  	s9 =	sadd.s32 $0x2E00, s0;
	_ =	strace $0x8000004A;
	[dreg:$0x5] =	wrdreg s23  }
0xa: {  	s11 =	smul.u32 $0xC8, s12;
	s18 =	sshll.u32 s12, $0x6;
	[dreg:$0x6] =	wrdreg s24  }
0xb: {  	s8 =	smul.u32 $0x18700, s5;
	s15 =	ssub.s32 $0x2, s5;
	[dreg:$0x7] =	wrdreg s25  }
0xc: {  	s10 =	smul.u32 $0xC80, s5;
	s5 =	sshll.u32 s5, $0x4;
	[dreg:$0x8] =	wrdreg s26  }
0xd: {  	s23 =	simm.s32 $0xD180;
	s24 =	simm.s32 $0xD380;
	s25 =	simm.s32 $0xD580  }
0xe: {  	s26 =	simm.s32 $0x5;
	s7 =	sshrl.u32 s1, $0x4;
	s16 =	sshrl.u32 s15, $0x1  }
0xf: {  	s1 =	sshrl.u32 s1, $0x1;
	s5 =	sor.u32 s12, s5;
	s12 =	simm.s32 $0xC380  }
0x10: {  	s7 =	sadd.s32 s7, s0;
	s6 =	sadd.s32 s6, s8;
	s1 =	sadd.s32 s1, s2  }
0x11: {  	s17 =	sadd.s32 s11, s10;
	s5 =	smul.u32 $0x3200, s5;
	s10 =	sor.u32 $0x1C06, s18  }
0x12: {  	s11 =	simm.s32 $0x6;
	s18 =	simm.s32 $0x2;
	s0 =	sadd.s32 s6, s0  }
0x13: {  	s6 =	ssub.s32 s15, s16;
	s8 =	sshll.u32 s17, $0x6;
	s7 =	sadd.s32 $0x98000, s7  }
0x14: {  	s15 =	simm.s32 $0xEB80;
	s16 =	simm.s32 $0x1;
	[dreg:$0xa] =	wrdreg s10  }
0x15: {  	s17 =	simm.s32 $0x10B80;
	[dreg:$0x9] =	wrdreg s7;
	s19 =	sadd.s32 s9, s8  }
0x16: {  	s5 =	sadd.s32 s9, s5;
	s0 =	sadd.s32 $0xB0800, s0;
	s21 =	smax.u32 s6, $0x1  }
0x17: {  	s9 =	sshrl.u32 s1, $0x3;
	s1 =	simm.s32 $0xE380;
	[dreg:$0xb] =	wrdreg s5  }
0x18: {  	s7 =	simm.s32 $0xE780;
	s8 =	simm.s32 $0xE980;
	[dreg:$0xc] =	wrdreg s0  }
0x19: {  	s20 =	sadd.s32 $0x500, s19;
	[dreg:$0xd] =	wrdreg s21;
	s22 =	sadd.s32 $0x280, s19  }
0x1a: {  	s19 =	simm.s32 $0x3;
	s21 =	simm.s32 $0x4;
	[dreg:$0xe] =	wrdreg s9  }
0x1b: {  	s0 =	simm.s32 $0xE180;
	s5 =	simm.s32 $0xE580;
	[dreg:$0x3] =	wrdreg s20  }
0x1c: {  	[dreg:$0x4] =	wrdreg s22;
	s22 =	simm.s32 $0xCF80;
	s20 =	simm.s32 $0x0  }
.LBB2_1:
0x1d: {  	[dreg:$0xf] =	wrdreg s20  }
0x1e: {  	s6 =	rddreg [dreg:$0x9]  }
0x1f: {  	[spmem:s9], [sflag:s10] =	dma.local [hbm:s6], $0x1870  }
0x20: {  	_ =	swait.ge [sflag:s11], $0x1870  }
0x21: {  	[sflag:s11] =	ssyncset.done $0x0  }
0x22: {  	[sflag:s11] =	ssyncadd.s32 $0xFFFFE790  }
0x23: {  	[bflag:$0x0] =	sbarrier.arrive $0xFFFF  }
0x24: {  	s9 =	rddreg [dreg:$0xb]  }
0x25: {  	[tilespmem:s12], [sflag:$0x6] =	stream.linear.gather [hbm4b:s9+s3], $0x1400, $0x38;
	[tilespmem:$0x12B80] =	vst v63  }
0x26: {  	_ =	swait.ge [sflag:s11], $0x1400  }
0x27: {  	s10 =	rddreg [dreg:$0x4];
	[sflag:s11] =	ssyncset.done $0x0  }
0x28: {  	[sflag:s11] =	ssyncadd.s32 $0xFFFFEC00;
	s6 =	sadd.s32 $0x0, s10  }
0x29: {  	[tilespmem:s13], [sflag:$0x5] =	stream.linear.gather [hbm4b:s6+s3], $0x1400, $0x38;
	[tilespmem:$0x12B80] =	vst v63  }
0x2a: {  	_ = 	snop  }
0x2b: {  	[tilespmem:s15], [sflag:$0x1] =	stream.indirect.gather [hbm4b:s4+s14], $0x10, s12, s14, $0xb8;
	[tilespmem:$0x12B80] =	vst v63  }
0x2c: {  	_ =	swait.ge [sflag:s16], $0x2000  }
0x2d: {  	[sflag:s16] =	ssyncset.done $0x0  }
0x2e: {  	s11 =	rddreg [dreg:$0x5];
	[sflag:s16] =	ssyncadd.s32 $0xFFFFE000  }
0x2f: {  	[spmem:s2] =	stream.indirect.scatter.add.bf16 [tilespmem:s15], [sflag:$0x3], $0x10, s11, s14, $0xb8;
	[tilespmem:$0x12B80] =	vst v63  }
0x30: {  	s20 =	rddreg [dreg:$0x6]  }
0x31: {  	[tilespmem:s17], [sflag:$0x2] =	stream.indirect.gather [hbm4b:s4+s14], $0x10, s20, s14, $0xb8;
	[tilespmem:$0x12B80] =	vst v63  }
0x32: {  	_ =	swait.ge [sflag:s18], $0x2000  }
0x33: {  	[sflag:s18] =	ssyncset.done $0x0  }
0x34: {  	s9 =	rddreg [dreg:$0x7];
	[sflag:s18] =	ssyncadd.s32 $0xFFFFE000  }
0x35: {  	[spmem:s2] =	stream.indirect.scatter.add.bf16 [tilespmem:s17], [sflag:$0x4], $0x10, s9, s14, $0xb8;
	[tilespmem:$0x12B80] =	vst v63  }
0x36: {  	_ =	swait.ge [sflag:s19], $0x2000  }
0x37: {  	[sflag:s19] =	ssyncset.done $0x0  }
0x38: {  	s10 =	rddreg [dreg:$0x8];
	[sflag:s19] =	ssyncadd.s32 $0xFFFFE000  }
0x39: {  	[tilespmem:s15], [sflag:$0x1] =	stream.indirect.gather [hbm4b:s4+s14], $0x10, s10, s14, $0xb8;
	[tilespmem:$0x12B80] =	vst v63  }
0x3a: {  	_ =	swait.ge [sflag:s16], $0x2000  }
0x3b: {  	[sflag:s16] =	ssyncset.done $0x0  }
0x3c: {  	s11 =	simm.s32 $0xCD80;
	[sflag:s16] =	ssyncadd.s32 $0xFFFFE000  }
0x3d: {  	[spmem:s2] =	stream.indirect.scatter.add.bf16 [tilespmem:s15], [sflag:$0x3], $0x10, s11, s14, $0xb8;
	[tilespmem:$0x12B80] =	vst v63  }
0x3e: {  	_ =	swait.ge [sflag:s21], $0x2000  }
0x3f: {  	[sflag:s21] =	ssyncset.done $0x0  }
0x40: {  	[sflag:s21] =	ssyncadd.s32 $0xFFFFE000  }
0x41: {  	[tilespmem:s17], [sflag:$0x2] =	stream.indirect.gather [hbm4b:s4+s14], $0x10, s22, s14, $0xb8;
	[tilespmem:$0x12B80] =	vst v63  }
0x42: {  	_ =	swait.ge [sflag:s18], $0x2000  }
0x43: {  	[sflag:s18] =	ssyncset.done $0x0  }
0x44: {  	[sflag:s18] =	ssyncadd.s32 $0xFFFFE000  }
0x45: {  	[spmem:s2] =	stream.indirect.scatter.add.bf16 [tilespmem:s17], [sflag:$0x4], $0x10, s23, s14, $0xb8;
	[tilespmem:$0x12B80] =	vst v63  }
0x46: {  	_ =	swait.ge [sflag:s19], $0x2000  }
0x47: {  	[sflag:s19] =	ssyncset.done $0x0  }
0x48: {  	[sflag:s19] =	ssyncadd.s32 $0xFFFFE000  }
0x49: {  	[tilespmem:s15], [sflag:$0x1] =	stream.indirect.gather [hbm4b:s4+s14], $0x10, s24, s14, $0xb8;
	[tilespmem:$0x12B80] =	vst v63  }
0x4a: {  	_ =	swait.ge [sflag:s16], $0x2000  }
0x4b: {  	[sflag:s16] =	ssyncset.done $0x0  }
0x4c: {  	[sflag:s16] =	ssyncadd.s32 $0xFFFFE000  }
0x4d: {  	[spmem:s2] =	stream.indirect.scatter.add.bf16 [tilespmem:s15], [sflag:$0x3], $0x10, s25, s14, $0xb8;
	[tilespmem:$0x12B80] =	vst v63  }
0x4e: {  	_ =	swait.ge [sflag:s21], $0x2000  }
0x4f: {  	[sflag:s21] =	ssyncset.done $0x0  }
0x50: {  	[sflag:s21] =	ssyncadd.s32 $0xFFFFE000  }
0x51: {  	_ =	swait.ge [sflag:s19], $0x2000  }
0x52: {  	[sflag:s19] =	ssyncset.done $0x0  }
0x53: {  	[sflag:s19] =	ssyncadd.s32 $0xFFFFE000  }
0x54: {  	_ =	swait.ge [sflag:s26], $0x1400  }
0x55: {  	s20 =	rddreg [dreg:$0x3];
	[sflag:s26] =	ssyncset.done $0x0  }
0x56: {  	[sflag:s26] =	ssyncadd.s32 $0xFFFFEC00;
	s6 =	sadd.s32 $0x0, s20  }
0x57: {  	[tilespmem:s12], [sflag:$0x5] =	stream.linear.gather [hbm4b:s6+s3], $0x1400, $0x38;
	[tilespmem:$0x12B80] =	vst v63  }
0x58: {  	_ = 	snop  }
0x59: {  	[tilespmem:s15], [sflag:$0x1] =	stream.indirect.gather [hbm4b:s4+s14], $0x10, s13, s14, $0xb8;
	[tilespmem:$0x12B80] =	vst v63  }
0x5a: {  	_ =	swait.ge [sflag:s16], $0x2000  }
0x5b: {  	[sflag:s16] =	ssyncset.done $0x0  }
0x5c: {  	[sflag:s16] =	ssyncadd.s32 $0xFFFFE000  }
0x5d: {  	[spmem:s2] =	stream.indirect.scatter.add.bf16 [tilespmem:s15], [sflag:$0x3], $0x10, s28, s14, $0xb8;
	[tilespmem:$0x12B80] =	vst v63  }
0x5e: {  	_ = 	snop  }
0x5f: {  	[tilespmem:s17], [sflag:$0x2] =	stream.indirect.gather [hbm4b:s4+s14], $0x10, s29, s14, $0xb8;
	[tilespmem:$0x12B80] =	vst v63  }
0x60: {  	_ =	swait.ge [sflag:s18], $0x2000  }
0x61: {  	[sflag:s18] =	ssyncset.done $0x0  }
0x62: {  	[sflag:s18] =	ssyncadd.s32 $0xFFFFE000  }
0x63: {  	[spmem:s2] =	stream.indirect.scatter.add.bf16 [tilespmem:s17], [sflag:$0x4], $0x10, s30, s14, $0xb8;
	[tilespmem:$0x12B80] =	vst v63  }
0x64: {  	_ =	swait.ge [sflag:s19], $0x2000  }
0x65: {  	[sflag:s19] =	ssyncset.done $0x0  }
0x66: {  	[sflag:s19] =	ssyncadd.s32 $0xFFFFE000  }
0x67: {  	[tilespmem:s15], [sflag:$0x1] =	stream.indirect.gather [hbm4b:s4+s14], $0x10, s31, s14, $0xb8;
	[tilespmem:$0x12B80] =	vst v63  }
0x68: {  	_ =	swait.ge [sflag:s16], $0x2000  }
0x69: {  	[sflag:s16] =	ssyncset.done $0x0  }
0x6a: {  	[sflag:s16] =	ssyncadd.s32 $0xFFFFE000  }
0x6b: {  	[spmem:s2] =	stream.indirect.scatter.add.bf16 [tilespmem:s15], [sflag:$0x3], $0x10, s0, s14, $0xb8;
	[tilespmem:$0x12B80] =	vst v63  }
0x6c: {  	_ =	swait.ge [sflag:s21], $0x2000  }
0x6d: {  	[sflag:s21] =	ssyncset.done $0x0  }
0x6e: {  	[sflag:s21] =	ssyncadd.s32 $0xFFFFE000  }
0x6f: {  	[tilespmem:s17], [sflag:$0x2] =	stream.indirect.gather [hbm4b:s4+s14], $0x10, s1, s14, $0xb8;
	[tilespmem:$0x12B80] =	vst v63  }
0x70: {  	_ =	swait.ge [sflag:s18], $0x2000  }
0x71: {  	[sflag:s18] =	ssyncset.done $0x0  }
0x72: {  	[sflag:s18] =	ssyncadd.s32 $0xFFFFE000  }
0x73: {  	[spmem:s2] =	stream.indirect.scatter.add.bf16 [tilespmem:s17], [sflag:$0x4], $0x10, s5, s14, $0xb8;
	[tilespmem:$0x12B80] =	vst v63  }
0x74: {  	_ =	swait.ge [sflag:s19], $0x2000  }
0x75: {  	[sflag:s19] =	ssyncset.done $0x0  }
0x76: {  	[sflag:s19] =	ssyncadd.s32 $0xFFFFE000  }
0x77: {  	[tilespmem:s15], [sflag:$0x1] =	stream.indirect.gather [hbm4b:s4+s14], $0x10, s7, s14, $0xb8;
	[tilespmem:$0x12B80] =	vst v63  }
0x78: {  	_ =	swait.ge [sflag:s16], $0x2000  }
0x79: {  	[sflag:s16] =	ssyncset.done $0x0  }
0x7a: {  	[sflag:s16] =	ssyncadd.s32 $0xFFFFE000  }
0x7b: {  	[spmem:s2] =	stream.indirect.scatter.add.bf16 [tilespmem:s15], [sflag:$0x3], $0x10, s8, s14, $0xb8;
	[tilespmem:$0x12B80] =	vst v63  }
0x7c: {  	_ =	swait.ge [sflag:s21], $0x2000  }
0x7d: {  	[sflag:s21] =	ssyncset.done $0x0  }
0x7e: {  	[sflag:s21] =	ssyncadd.s32 $0xFFFFE000  }
0x7f: {  	_ =	swait.ge [sflag:s19], $0x2000  }
0x80: {  	[sflag:s19] =	ssyncset.done $0x0  }
0x81: {  	[sflag:s19] =	ssyncadd.s32 $0xFFFFE000  }
0x82: {  	s10 =	simm.s32 $0xA00;
	_ =	swait.ge [sflag:s26], $0x1400  }
0x83: {  	s6 =	simm.s32 $0x500;
	s9 =	rddreg [dreg:$0x4];
	[sflag:s26] =	ssyncset.done $0x0  }
.LBB2_2:
0x84: {  	[sflag:s26] =	ssyncadd.s32 $0xFFFFEC00;
	s9 =	sadd.s32 s6, s9  }
0x85: {  	[tilespmem:s13], [sflag:$0x5] =	stream.linear.gather [hbm4b:s9+s3], $0x1400, $0x38;
	[tilespmem:$0x12B80] =	vst v63  }
0x86: {  	_ = 	snop  }
0x87: {  	[tilespmem:s15], [sflag:$0x1] =	stream.indirect.gather [hbm4b:s4+s14], $0x10, s12, s14, $0xb8;
	[tilespmem:$0x12B80] =	vst v63  }
0x88: {  	_ =	swait.ge [sflag:s16], $0x2000  }
0x89: {  	[sflag:s16] =	ssyncset.done $0x0  }
0x8a: {  	s9 =	rddreg [dreg:$0x5];
	[sflag:s16] =	ssyncadd.s32 $0xFFFFE000  }
0x8b: {  	[spmem:s2] =	stream.indirect.scatter.add.bf16 [tilespmem:s15], [sflag:$0x3], $0x10, s9, s14, $0xb8;
	[tilespmem:$0x12B80] =	vst v63  }
0x8c: {  	s20 =	rddreg [dreg:$0x6]  }
0x8d: {  	[tilespmem:s17], [sflag:$0x2] =	stream.indirect.gather [hbm4b:s4+s14], $0x10, s20, s14, $0xb8;
	[tilespmem:$0x12B80] =	vst v63  }
0x8e: {  	_ =	swait.ge [sflag:s18], $0x2000  }
0x8f: {  	[sflag:s18] =	ssyncset.done $0x0  }
0x90: {  	s20 =	rddreg [dreg:$0x7];
	[sflag:s18] =	ssyncadd.s32 $0xFFFFE000  }
0x91: {  	[spmem:s2] =	stream.indirect.scatter.add.bf16 [tilespmem:s17], [sflag:$0x4], $0x10, s20, s14, $0xb8;
	[tilespmem:$0x12B80] =	vst v63  }
0x92: {  	_ =	swait.ge [sflag:s19], $0x2000  }
0x93: {  	[sflag:s19] =	ssyncset.done $0x0  }
0x94: {  	s20 =	rddreg [dreg:$0x8];
	[sflag:s19] =	ssyncadd.s32 $0xFFFFE000  }
0x95: {  	[tilespmem:s15], [sflag:$0x1] =	stream.indirect.gather [hbm4b:s4+s14], $0x10, s20, s14, $0xb8;
	[tilespmem:$0x12B80] =	vst v63  }
0x96: {  	_ =	swait.ge [sflag:s16], $0x2000  }
0x97: {  	[sflag:s16] =	ssyncset.done $0x0  }
0x98: {  	s20 =	simm.s32 $0xCD80;
	[sflag:s16] =	ssyncadd.s32 $0xFFFFE000  }
0x99: {  	[spmem:s2] =	stream.indirect.scatter.add.bf16 [tilespmem:s15], [sflag:$0x3], $0x10, s20, s14, $0xb8;
	[tilespmem:$0x12B80] =	vst v63  }
0x9a: {  	_ =	swait.ge [sflag:s21], $0x2000  }
0x9b: {  	[sflag:s21] =	ssyncset.done $0x0  }
0x9c: {  	[sflag:s21] =	ssyncadd.s32 $0xFFFFE000  }
0x9d: {  	[tilespmem:s17], [sflag:$0x2] =	stream.indirect.gather [hbm4b:s4+s14], $0x10, s22, s14, $0xb8;
	[tilespmem:$0x12B80] =	vst v63  }
0x9e: {  	_ =	swait.ge [sflag:s18], $0x2000  }
0x9f: {  	[sflag:s18] =	ssyncset.done $0x0  }
0xa0: {  	[sflag:s18] =	ssyncadd.s32 $0xFFFFE000  }
0xa1: {  	[spmem:s2] =	stream.indirect.scatter.add.bf16 [tilespmem:s17], [sflag:$0x4], $0x10, s23, s14, $0xb8;
	[tilespmem:$0x12B80] =	vst v63  }
0xa2: {  	_ =	swait.ge [sflag:s19], $0x2000  }
0xa3: {  	[sflag:s19] =	ssyncset.done $0x0  }
0xa4: {  	[sflag:s19] =	ssyncadd.s32 $0xFFFFE000  }
0xa5: {  	[tilespmem:s15], [sflag:$0x1] =	stream.indirect.gather [hbm4b:s4+s14], $0x10, s24, s14, $0xb8;
	[tilespmem:$0x12B80] =	vst v63  }
0xa6: {  	_ =	swait.ge [sflag:s16], $0x2000  }
0xa7: {  	[sflag:s16] =	ssyncset.done $0x0  }
0xa8: {  	[sflag:s16] =	ssyncadd.s32 $0xFFFFE000  }
0xa9: {  	[spmem:s2] =	stream.indirect.scatter.add.bf16 [tilespmem:s15], [sflag:$0x3], $0x10, s25, s14, $0xb8;
	[tilespmem:$0x12B80] =	vst v63  }
0xaa: {  	_ =	swait.ge [sflag:s21], $0x2000  }
0xab: {  	[sflag:s21] =	ssyncset.done $0x0  }
0xac: {  	[sflag:s21] =	ssyncadd.s32 $0xFFFFE000  }
0xad: {  	_ =	swait.ge [sflag:s19], $0x2000  }
0xae: {  	[sflag:s19] =	ssyncset.done $0x0  }
0xaf: {  	[sflag:s19] =	ssyncadd.s32 $0xFFFFE000  }
0xb0: {  	_ =	swait.ge [sflag:s26], $0x1400  }
0xb1: {  	s20 =	rddreg [dreg:$0x3];
	[sflag:s26] =	ssyncset.done $0x0  }
0xb2: {  	[sflag:s26] =	ssyncadd.s32 $0xFFFFEC00;
	s9 =	sadd.s32 s6, s20  }
0xb3: {  	[tilespmem:s12], [sflag:$0x5] =	stream.linear.gather [hbm4b:s9+s3], $0x1400, $0x38;
	[tilespmem:$0x12B80] =	vst v63  }
0xb4: {  	_ = 	snop  }
0xb5: {  	[tilespmem:s15], [sflag:$0x1] =	stream.indirect.gather [hbm4b:s4+s14], $0x10, s13, s14, $0xb8;
	[tilespmem:$0x12B80] =	vst v63  }
0xb6: {  	_ =	swait.ge [sflag:s16], $0x2000  }
0xb7: {  	[sflag:s16] =	ssyncset.done $0x0  }
0xb8: {  	[sflag:s16] =	ssyncadd.s32 $0xFFFFE000  }
0xb9: {  	[spmem:s2] =	stream.indirect.scatter.add.bf16 [tilespmem:s15], [sflag:$0x3], $0x10, s28, s14, $0xb8;
	[tilespmem:$0x12B80] =	vst v63  }
0xba: {  	_ = 	snop  }
0xbb: {  	[tilespmem:s17], [sflag:$0x2] =	stream.indirect.gather [hbm4b:s4+s14], $0x10, s29, s14, $0xb8;
	[tilespmem:$0x12B80] =	vst v63  }
0xbc: {  	_ =	swait.ge [sflag:s18], $0x2000  }
0xbd: {  	[sflag:s18] =	ssyncset.done $0x0  }
0xbe: {  	[sflag:s18] =	ssyncadd.s32 $0xFFFFE000  }
0xbf: {  	[spmem:s2] =	stream.indirect.scatter.add.bf16 [tilespmem:s17], [sflag:$0x4], $0x10, s30, s14, $0xb8;
	[tilespmem:$0x12B80] =	vst v63  }
0xc0: {  	_ =	swait.ge [sflag:s19], $0x2000  }
0xc1: {  	[sflag:s19] =	ssyncset.done $0x0  }
0xc2: {  	[sflag:s19] =	ssyncadd.s32 $0xFFFFE000  }
0xc3: {  	[tilespmem:s15], [sflag:$0x1] =	stream.indirect.gather [hbm4b:s4+s14], $0x10, s31, s14, $0xb8;
	[tilespmem:$0x12B80] =	vst v63  }
0xc4: {  	_ =	swait.ge [sflag:s16], $0x2000  }
0xc5: {  	[sflag:s16] =	ssyncset.done $0x0  }
0xc6: {  	[sflag:s16] =	ssyncadd.s32 $0xFFFFE000  }
0xc7: {  	[spmem:s2] =	stream.indirect.scatter.add.bf16 [tilespmem:s15], [sflag:$0x3], $0x10, s0, s14, $0xb8;
	[tilespmem:$0x12B80] =	vst v63  }
0xc8: {  	_ =	swait.ge [sflag:s21], $0x2000  }
0xc9: {  	[sflag:s21] =	ssyncset.done $0x0  }
0xca: {  	[sflag:s21] =	ssyncadd.s32 $0xFFFFE000  }
0xcb: {  	[tilespmem:s17], [sflag:$0x2] =	stream.indirect.gather [hbm4b:s4+s14], $0x10, s1, s14, $0xb8;
	[tilespmem:$0x12B80] =	vst v63  }
0xcc: {  	_ =	swait.ge [sflag:s18], $0x2000  }
0xcd: {  	[sflag:s18] =	ssyncset.done $0x0  }
0xce: {  	[sflag:s18] =	ssyncadd.s32 $0xFFFFE000  }
0xcf: {  	[spmem:s2] =	stream.indirect.scatter.add.bf16 [tilespmem:s17], [sflag:$0x4], $0x10, s5, s14, $0xb8;
	[tilespmem:$0x12B80] =	vst v63  }
0xd0: {  	_ =	swait.ge [sflag:s19], $0x2000  }
0xd1: {  	[sflag:s19] =	ssyncset.done $0x0  }
0xd2: {  	[sflag:s19] =	ssyncadd.s32 $0xFFFFE000  }
0xd3: {  	[tilespmem:s15], [sflag:$0x1] =	stream.indirect.gather [hbm4b:s4+s14], $0x10, s7, s14, $0xb8;
	[tilespmem:$0x12B80] =	vst v63  }
0xd4: {  	_ =	swait.ge [sflag:s16], $0x2000  }
0xd5: {  	[sflag:s16] =	ssyncset.done $0x0  }
0xd6: {  	[sflag:s16] =	ssyncadd.s32 $0xFFFFE000  }
0xd7: {  	[spmem:s2] =	stream.indirect.scatter.add.bf16 [tilespmem:s15], [sflag:$0x3], $0x10, s8, s14, $0xb8;
	[tilespmem:$0x12B80] =	vst v63  }
0xd8: {  	_ =	swait.ge [sflag:s21], $0x2000  }
0xd9: {  	[sflag:s21] =	ssyncset.done $0x0  }
0xda: {  	p0 =	sne.s32 s10, $0x2D00;
	[sflag:s21] =	ssyncadd.s32 $0xFFFFE000  }
.Ltmp0:
0xdb: {  	_ =	swait.ge [sflag:s19], $0x2000;
	(pc) =	sbr.rel @p0 .LBB2_2-.Ltmp0, $4  }
0xdc: {  	[sflag:s19] =	ssyncset.done $0x0  }
0xdd: {  	[sflag:s19] =	ssyncadd.s32 $0xFFFFE000  }
0xde: {  	s11 =	smov.u32 s10;
	s10 =	sadd.s32 $0x500, s10;
	_ =	swait.ge [sflag:s26], $0x1400  }
0xdf: {  	s6 =	smov.u32 s11;
	s9 =	rddreg [dreg:$0x4];
	[sflag:s26] =	ssyncset.done $0x0  }
0xe0: {  	[sflag:s26] =	ssyncadd.s32 $0xFFFFEC00;
	s9 =	sadd.s32 s6, s9  }
0xe1: {  	[tilespmem:s13], [sflag:$0x5] =	stream.linear.gather [hbm4b:s9+s3], $0x1400, $0x38;
	[tilespmem:$0x12B80] =	vst v63  }
0xe2: {  	_ = 	snop  }
0xe3: {  	[tilespmem:s15], [sflag:$0x1] =	stream.indirect.gather [hbm4b:s4+s14], $0x10, s12, s14, $0xb8;
	[tilespmem:$0x12B80] =	vst v63  }
0xe4: {  	_ =	swait.ge [sflag:s16], $0x2000  }
0xe5: {  	[sflag:s16] =	ssyncset.done $0x0  }
0xe6: {  	s20 =	rddreg [dreg:$0x5];
	[sflag:s16] =	ssyncadd.s32 $0xFFFFE000  }
0xe7: {  	[spmem:s2] =	stream.indirect.scatter.add.bf16 [tilespmem:s15], [sflag:$0x3], $0x10, s20, s14, $0xb8;
	[tilespmem:$0x12B80] =	vst v63  }
0xe8: {  	s10 =	rddreg [dreg:$0x6]  }
0xe9: {  	[tilespmem:s17], [sflag:$0x2] =	stream.indirect.gather [hbm4b:s4+s14], $0x10, s10, s14, $0xb8;
	[tilespmem:$0x12B80] =	vst v63  }
0xea: {  	_ =	swait.ge [sflag:s18], $0x2000  }
0xeb: {  	[sflag:s18] =	ssyncset.done $0x0  }
0xec: {  	s10 =	rddreg [dreg:$0x7];
	[sflag:s18] =	ssyncadd.s32 $0xFFFFE000  }
0xed: {  	[spmem:s2] =	stream.indirect.scatter.add.bf16 [tilespmem:s17], [sflag:$0x4], $0x10, s10, s14, $0xb8;
	[tilespmem:$0x12B80] =	vst v63  }
0xee: {  	_ =	swait.ge [sflag:s19], $0x2000  }
0xef: {  	[sflag:s19] =	ssyncset.done $0x0  }
0xf0: {  	s11 =	rddreg [dreg:$0x8];
	[sflag:s19] =	ssyncadd.s32 $0xFFFFE000  }
0xf1: {  	[tilespmem:s15], [sflag:$0x1] =	stream.indirect.gather [hbm4b:s4+s14], $0x10, s11, s14, $0xb8;
	[tilespmem:$0x12B80] =	vst v63  }
0xf2: {  	_ =	swait.ge [sflag:s16], $0x2000  }
0xf3: {  	[sflag:s16] =	ssyncset.done $0x0  }
0xf4: {  	s20 =	simm.s32 $0xCD80;
	[sflag:s16] =	ssyncadd.s32 $0xFFFFE000  }
0xf5: {  	[spmem:s2] =	stream.indirect.scatter.add.bf16 [tilespmem:s15], [sflag:$0x3], $0x10, s20, s14, $0xb8;
	[tilespmem:$0x12B80] =	vst v63  }
0xf6: {  	_ =	swait.ge [sflag:s21], $0x2000  }
0xf7: {  	[sflag:s21] =	ssyncset.done $0x0  }
0xf8: {  	[sflag:s21] =	ssyncadd.s32 $0xFFFFE000  }
0xf9: {  	[tilespmem:s17], [sflag:$0x2] =	stream.indirect.gather [hbm4b:s4+s14], $0x10, s22, s14, $0xb8;
	[tilespmem:$0x12B80] =	vst v63  }
0xfa: {  	_ =	swait.ge [sflag:s18], $0x2000  }
0xfb: {  	[sflag:s18] =	ssyncset.done $0x0  }
0xfc: {  	[sflag:s18] =	ssyncadd.s32 $0xFFFFE000  }
0xfd: {  	[spmem:s2] =	stream.indirect.scatter.add.bf16 [tilespmem:s17], [sflag:$0x4], $0x10, s23, s14, $0xb8;
	[tilespmem:$0x12B80] =	vst v63  }
0xfe: {  	_ =	swait.ge [sflag:s19], $0x2000  }
0xff: {  	[sflag:s19] =	ssyncset.done $0x0  }
0x100: {  	[sflag:s19] =	ssyncadd.s32 $0xFFFFE000  }
0x101: {  	[tilespmem:s15], [sflag:$0x1] =	stream.indirect.gather [hbm4b:s4+s14], $0x10, s24, s14, $0xb8;
	[tilespmem:$0x12B80] =	vst v63  }
0x102: {  	_ =	swait.ge [sflag:s16], $0x2000  }
0x103: {  	[sflag:s16] =	ssyncset.done $0x0  }
0x104: {  	[sflag:s16] =	ssyncadd.s32 $0xFFFFE000  }
0x105: {  	[spmem:s2] =	stream.indirect.scatter.add.bf16 [tilespmem:s15], [sflag:$0x3], $0x10, s25, s14, $0xb8;
	[tilespmem:$0x12B80] =	vst v63  }
0x106: {  	_ =	swait.ge [sflag:s21], $0x2000  }
0x107: {  	[sflag:s21] =	ssyncset.done $0x0  }
0x108: {  	[sflag:s21] =	ssyncadd.s32 $0xFFFFE000  }
0x109: {  	_ =	swait.ge [sflag:s19], $0x2000  }
0x10a: {  	[sflag:s19] =	ssyncset.done $0x0  }
0x10b: {  	[sflag:s19] =	ssyncadd.s32 $0xFFFFE000  }
0x10c: {  	_ =	swait.ge [sflag:s26], $0x1400  }
0x10d: {  	s10 =	rddreg [dreg:$0x3];
	[sflag:s26] =	ssyncset.done $0x0  }
0x10e: {  	s11 =	sadd.s32 s6, s10;
	[sflag:s26] =	ssyncadd.s32 $0xFFFFEC00  }
0x10f: {  	[tilespmem:s12], [sflag:$0x5] =	stream.linear.gather [hbm4b:s11+s3], $0x1400, $0x38;
	[tilespmem:$0x12B80] =	vst v63  }
0x110: {  	_ = 	snop  }
0x111: {  	[tilespmem:s15], [sflag:$0x1] =	stream.indirect.gather [hbm4b:s4+s14], $0x10, s13, s14, $0xb8;
	[tilespmem:$0x12B80] =	vst v63  }
0x112: {  	_ =	swait.ge [sflag:s16], $0x2000  }
0x113: {  	[sflag:s16] =	ssyncset.done $0x0  }
0x114: {  	[sflag:s16] =	ssyncadd.s32 $0xFFFFE000  }
0x115: {  	[spmem:s2] =	stream.indirect.scatter.add.bf16 [tilespmem:s15], [sflag:$0x3], $0x10, s28, s14, $0xb8;
	[tilespmem:$0x12B80] =	vst v63  }
0x116: {  	_ = 	snop  }
0x117: {  	[tilespmem:s17], [sflag:$0x2] =	stream.indirect.gather [hbm4b:s4+s14], $0x10, s29, s14, $0xb8;
	[tilespmem:$0x12B80] =	vst v63  }
0x118: {  	_ =	swait.ge [sflag:s18], $0x2000  }
0x119: {  	[sflag:s18] =	ssyncset.done $0x0  }
0x11a: {  	[sflag:s18] =	ssyncadd.s32 $0xFFFFE000  }
0x11b: {  	[spmem:s2] =	stream.indirect.scatter.add.bf16 [tilespmem:s17], [sflag:$0x4], $0x10, s30, s14, $0xb8;
	[tilespmem:$0x12B80] =	vst v63  }
0x11c: {  	_ =	swait.ge [sflag:s19], $0x2000  }
0x11d: {  	[sflag:s19] =	ssyncset.done $0x0  }
0x11e: {  	[sflag:s19] =	ssyncadd.s32 $0xFFFFE000  }
0x11f: {  	[tilespmem:s15], [sflag:$0x1] =	stream.indirect.gather [hbm4b:s4+s14], $0x10, s31, s14, $0xb8;
	[tilespmem:$0x12B80] =	vst v63  }
0x120: {  	_ =	swait.ge [sflag:s16], $0x2000  }
0x121: {  	[sflag:s16] =	ssyncset.done $0x0  }
0x122: {  	[sflag:s16] =	ssyncadd.s32 $0xFFFFE000  }
0x123: {  	[spmem:s2] =	stream.indirect.scatter.add.bf16 [tilespmem:s15], [sflag:$0x3], $0x10, s0, s14, $0xb8;
	[tilespmem:$0x12B80] =	vst v63  }
0x124: {  	_ =	swait.ge [sflag:s21], $0x2000  }
0x125: {  	[sflag:s21] =	ssyncset.done $0x0  }
0x126: {  	[sflag:s21] =	ssyncadd.s32 $0xFFFFE000  }
0x127: {  	[tilespmem:s17], [sflag:$0x2] =	stream.indirect.gather [hbm4b:s4+s14], $0x10, s1, s14, $0xb8;
	[tilespmem:$0x12B80] =	vst v63  }
0x128: {  	_ =	swait.ge [sflag:s18], $0x2000  }
0x129: {  	[sflag:s18] =	ssyncset.done $0x0  }
0x12a: {  	[sflag:s18] =	ssyncadd.s32 $0xFFFFE000  }
0x12b: {  	[spmem:s2] =	stream.indirect.scatter.add.bf16 [tilespmem:s17], [sflag:$0x4], $0x10, s5, s14, $0xb8;
	[tilespmem:$0x12B80] =	vst v63  }
0x12c: {  	_ =	swait.ge [sflag:s19], $0x2000  }
0x12d: {  	[sflag:s19] =	ssyncset.done $0x0  }
0x12e: {  	[sflag:s19] =	ssyncadd.s32 $0xFFFFE000  }
0x12f: {  	[tilespmem:s15], [sflag:$0x1] =	stream.indirect.gather [hbm4b:s4+s14], $0x10, s7, s14, $0xb8;
	[tilespmem:$0x12B80] =	vst v63  }
0x130: {  	_ =	swait.ge [sflag:s16], $0x2000  }
0x131: {  	[sflag:s16] =	ssyncset.done $0x0  }
0x132: {  	[sflag:s16] =	ssyncadd.s32 $0xFFFFE000  }
0x133: {  	[spmem:s2] =	stream.indirect.scatter.add.bf16 [tilespmem:s15], [sflag:$0x3], $0x10, s8, s14, $0xb8;
	[tilespmem:$0x12B80] =	vst v63  }
0x134: {  	_ =	swait.ge [sflag:s21], $0x2000  }
0x135: {  	[sflag:s21] =	ssyncset.done $0x0  }
0x136: {  	[sflag:s21] =	ssyncadd.s32 $0xFFFFE000  }
0x137: {  	_ =	swait.ge [sflag:s19], $0x2000  }
0x138: {  	[sflag:s19] =	ssyncset.done $0x0  }
0x139: {  	[sflag:s19] =	ssyncadd.s32 $0xFFFFE000  }
0x13a: {  	_ =	swait.ge [sflag:s26], $0x1400  }
0x13b: {  	[sflag:s26] =	ssyncset.done $0x0  }
0x13c: {  	[sflag:s26] =	ssyncadd.s32 $0xFFFFEC00  }
0x13d: {  	[bflag:$0x0] =	sbarrier.arrive $0xFFFF  }
0x13e: {  	s10 =	rddreg [dreg:$0xa]  }
0x13f: {  	s20 =	rddreg [dreg:$0xc]  }
0x140: {  	s11 =	simm.s32 $0x6;
	s9 =	rddreg [dreg:$0xe]  }
0x141: {  	[hbm:s20], [sflag:s10] =	dma.local [spmem:s9], $0x1870  }
0x142: {  	_ =	swait.ge [sflag:s11], $0x1870  }
0x143: {  	s20 =	rddreg [dreg:$0xf]  }
0x144: {  	s6 =	rddreg [dreg:$0xd];
	s20 =	sadd.s32 $0x1, s20  }
0x145: {  	p0 =	sne.s32 s20, s6  }
.Ltmp1:
0x146: {  	_ = 	snop;
	(pc) =	sbr.rel @p0 .LBB2_1-.Ltmp1, $3  }
0x147: {  	_ =	sdelay $0x1  }
0x148: {  	[sflag:s11] =	ssyncset.done $0x0  }
0x149: {  	[sflag:s11] =	ssyncadd.s32 $0xFFFFE790  }
0x14a: {  	_ =	sfence.sel $0x180000  }
0x14b: {  	[bflag:$0x0] =	sbarrier.arrive $0xFFFF  }
0x14c: {  	_ =	strace $0x9000004A  }
0x14d: {  	s0 =	stileid.u32;
	[bflag:$0x2] =	sbarrier.arrive $0xFFFF  }
0x14e: {  	p0 =	sne.s32 s0, $0x0;
	s0 =	rddreg [dreg:$0x2]  }
0x14f: {  	s0 =	sadd.s32 @!p0 $0x100000, s0  }
0x150: {  	[sflag:s0] =	ssyncadd.tile.s32 @!p0 $0x1;
	_ =	shalt  }
.Lfunc_end2:
_tile_overlayer_lowered:
.L_overlay_start_2:
0x151: {  	(tag) =	ssettag $0x2  }
0x152: {  	s0 =	rddreg [dreg:$0x0];
	s2 =	stileid.u32  }
0x153: {  	s1 =	rddreg [dreg:$0x1];
	p0 =	sne.s32 s2, $0x0  }
0x154: {  	s3 =	rddreg [dreg:$0x2];
	[bflag:$0x3] =	sbarrier.arrive $0xFFFF;
	s2 =	simm.s32 @!p0 $0x1C06  }
0x155: {  	[timem:s3], [sflag:s2] =	dma.local @!p0 [hbm:s0], s1  }
0x156: {  	s0 =	simm.s32 @!p0 $0x6  }
0x157: {  	_ =	swait.ge @!p0 [sflag:s0], s1  }
0x158: {  	s1 =	ssub.s32 @!p0 $0x0, s1;
	[sflag:s0] =	ssyncset.done @!p0 $0x0  }
0x159: {  	[sflag:s0] =	ssyncadd.s32 @!p0 s1  }
0x15a: {  	[bflag:$0x3] =	sbarrier.arrive $0xFFFF  }
0x15b: {  	_ =	shalt  }

// kernel: kernel.8.cloned.1.call-start
scs
__scs_entry_jumppad:
0x0: {  	(pc) =	sbr.rel $0x88, $3  }
0x1: {  	(tag) =	ssettag $0x0;
	lr =	simm.s32 $0x1  }
0x2: {  	[smem:$0x3F8D] =	sst lr;
	_ =	strace $0xD0000000  }
0x3: {  	_ = 	snop  }
0x4: {  	_ = 	snop  }
0x5: {  	_ = 	snop  }
0x6: {  	_ = 	snop  }
0x7: {  	_ = 	snop  }
__scs_overlays_trampoline_lowered:
0x8: {  	[smem:$0x3F9C] =	sst s0  }
0x9: {  	[smem:$0x3F9D] =	sst s1  }
0xa: {  	[smem:$0x3F9E] =	sst s2  }
0xb: {  	[smem:$0x3F9F] =	sst s3  }
0xc: {  	[smem:$0x3FA0] =	sst s4  }
0xd: {  	[smem:$0x3FA1] =	sst s5  }
0xe: {  	[smem:$0x3FA2] =	sst s6  }
0xf: {  	[smem:$0x3FA3] =	sst s7  }
0x10: {  	[smem:$0x3FA4] =	sst s8  }
0x11: {  	[smem:$0x3FA5] =	sst s9;
	s0 =	simm.s32 @!p0 $0x0  }
0x12: {  	s1 =	sld [smem:$0x3F8B];
	s0 =	simm.s32 @p0 $0x1  }
0x13: {  	[smem:$0x3FA6] =	sst s0;
	s0 =	simm.s32 @!p1 $0x0  }
0x14: {  	s2 =	sld [smem:$0x3F8A];
	s0 =	simm.s32 @p1 $0x1  }
0x15: {  	[smem:$0x3FA7] =	sst s0;
	s0 =	simm.s32 @!p2 $0x0  }
0x16: {  	s3 =	sld [smem:$0x3FDB];
	s0 =	simm.s32 @p2 $0x1  }
0x17: {  	s4 =	simm.s32 $0x1BF5;
	[smem:$0x3FA9] =	sst s0  }
0x18: {  	s0 =	sld [smem:$0x3F8C];
	_ =	swait.ge [sflag:s4], $0x0  }
0x19: {  	s7 =	sld [smem:$0x3F8D]  }
0x1a: {  	s8 =	sadd.s32 $0xFFFFE003, lr  }
0x1b: {  	s9 =	sadd.s32 $0xFFFFFEF7, lr;
	s5 =	simm.s32 $0xFFFFFFFF;
	p2 =	slt.u32 s8, $0xFFFFF086  }
0x1c: {  	p1 =	slt.u32 s9, $0xF7A;
	s5 =	simm.s32 @!p2 $0x0  }
0x1d: {  	s5 =	simm.s32 @p1 $0x1;
	p0 =	seq.s32 s7, s2  }
0x1e: {  	s7 =	smul.u32 @!p0 $0xF7A, s2;
	p2 =	seq.s32 @!p0 s5, $0x0  }
0x1f: {  	s9 =	smul.u32 $0xF7A, s1;
	s8 =	simm.s32 @!p0 $0x1BF5;
	p2 =	por !p2, p0  }
0x20: {  	[sflag:s8] =	ssyncset.s32 @!p0 $0xFFFFF086;
	s6 =	sadd.s32 @!p0 s3, s7;
	s7 =	simm.s32 @!p0 $0x108  }
0x21: {  	s3 =	sadd.s32 s3, s9;
	s6 =	sadd.s32 @!p0 $0x88, s6;
	s7 =	simm.s32 @p2 $0x1082  }
0x22: {  	[simem:s7], [sflag:s8] =	dma.local @!p0 [hbm:s6], $0xF7A  }
0x23: {  	s9 =	sor.u32 $0xD0000000, s2;
	s6 =	simm.s32 $0x108;
	_ =	swait.ge @!p0 [sflag:s8], $0x0  }
0x24: {  	s3 =	sadd.s32 $0x88, s3;
	s6 =	simm.s32 @!p1 $0x1082;
	[sflag:s4] =	ssyncset.s32 $0xFFFFF086  }
0x25: {  	[simem:s6], [sflag:s4] =	dma.local [hbm:s3], $0xF7A  }
0x26: {  	[smem:$0x3F8D] =	sst s1;
	(tag) =	ssettag s2;
	_ =	strace s9  }
0x27: {  	s1 =	sld [smem:$0x3F9D]  }
0x28: {  	s2 =	sld [smem:$0x3F9E]  }
0x29: {  	s4 =	sld [smem:$0x3FA0]  }
0x2a: {  	p0 =	seq.s32 s5, $0x0;
	s5 =	sld [smem:$0x3FA1]  }
0x2b: {  	s6 =	sld [smem:$0x3FA2]  }
0x2c: {  	s7 =	sld [smem:$0x3FA3]  }
0x2d: {  	s3 =	simm.s32 $0x108;
	s8 =	sld [smem:$0x3FA4]  }
0x2e: {  	s3 =	simm.s32 @!p0 $0x1082;
	s9 =	sld [smem:$0x3FA5]  }
0x2f: {  	lr =	sadd.s32 s0, s3;
	s0 =	sld [smem:$0x3F9C]  }
0x30: {  	s3 =	sld [smem:$0x3F9F]  }
0x31: {  	[smem:$0x3FA8] =	sst s10  }
0x32: {  	s10 =	sld [smem:$0x3FA6];
	_ =	sdelay $0x3  }
0x33: {  	p0 =	seq.s32 s10, $0x1;
	s10 =	sld [smem:$0x3FA8];
	_ =	sdelay $0x3  }
0x34: {  	[smem:$0x3FA8] =	sst s10  }
0x35: {  	s10 =	sld [smem:$0x3FA7];
	_ =	sdelay $0x3  }
0x36: {  	p1 =	seq.s32 s10, $0x1;
	s10 =	sld [smem:$0x3FA8];
	_ =	sdelay $0x3  }
0x37: {  	[smem:$0x3FA8] =	sst s10  }
0x38: {  	s10 =	sld [smem:$0x3FA9]  }
0x39: {  	_ = 	snop;
	(pc) =	sbr.ind lr, $3  }
0x3a: {  	_ = 	snop  }
0x3b: {  	_ = 	snop  }
0x3c: {  	p2 =	seq.s32 s10, $0x1;
	s10 =	sld [smem:$0x3FA8]  }
0x3d: {  	_ =	shalt  }
0x3e: {  	_ =	shalt  }
0x3f: {  	_ =	shalt  }
0x40: {  	_ =	shalt  }
0x41: {  	_ =	shalt  }
0x42: {  	_ =	shalt  }
0x43: {  	_ =	shalt  }
0x44: {  	_ =	shalt  }
0x45: {  	_ =	shalt  }
0x46: {  	_ =	shalt  }
0x47: {  	_ =	shalt  }
0x48: {  	_ =	shalt  }
0x49: {  	_ =	shalt  }
0x4a: {  	_ =	shalt  }
0x4b: {  	_ =	shalt  }
0x4c: {  	_ =	shalt  }
0x4d: {  	_ =	shalt  }
0x4e: {  	_ =	shalt  }
0x4f: {  	_ =	shalt  }
0x50: {  	_ =	shalt  }
0x51: {  	_ =	shalt  }
0x52: {  	_ =	shalt  }
0x53: {  	_ =	shalt  }
0x54: {  	_ =	shalt  }
0x55: {  	_ =	shalt  }
0x56: {  	_ =	shalt  }
0x57: {  	_ =	shalt  }
0x58: {  	_ =	shalt  }
0x59: {  	_ =	shalt  }
0x5a: {  	_ =	shalt  }
0x5b: {  	_ =	shalt  }
0x5c: {  	_ =	shalt  }
0x5d: {  	_ =	shalt  }
0x5e: {  	_ =	shalt  }
0x5f: {  	_ =	shalt  }
0x60: {  	_ =	shalt  }
0x61: {  	_ =	shalt  }
0x62: {  	_ =	shalt  }
0x63: {  	_ =	shalt  }
0x64: {  	_ =	shalt  }
0x65: {  	_ =	shalt  }
0x66: {  	_ =	shalt  }
0x67: {  	_ =	shalt  }
0x68: {  	_ =	shalt  }
0x69: {  	_ =	shalt  }
0x6a: {  	_ =	shalt  }
0x6b: {  	_ =	shalt  }
0x6c: {  	_ =	shalt  }
0x6d: {  	_ =	shalt  }
0x6e: {  	_ =	shalt  }
0x6f: {  	_ =	shalt  }
0x70: {  	_ =	shalt  }
0x71: {  	_ =	shalt  }
0x72: {  	_ =	shalt  }
0x73: {  	_ =	shalt  }
0x74: {  	_ =	shalt  }
0x75: {  	_ =	shalt  }
0x76: {  	_ =	shalt  }
0x77: {  	_ =	shalt  }
0x78: {  	_ =	shalt  }
0x79: {  	_ =	shalt  }
0x7a: {  	_ =	shalt  }
0x7b: {  	_ =	shalt  }
0x7c: {  	_ =	shalt  }
0x7d: {  	_ =	shalt  }
0x7e: {  	_ =	shalt  }
0x7f: {  	_ =	shalt  }
0x80: {  	_ =	shalt  }
0x81: {  	_ =	shalt  }
0x82: {  	_ =	shalt  }
0x83: {  	_ =	shalt  }
0x84: {  	_ =	shalt  }
0x85: {  	_ =	shalt  }
0x86: {  	_ =	shalt  }
0x87: {  	_ =	shalt  }
.Lfunc_end0:
.L_simem_size_0:
called_computation_lowered:
.L_overlay_start_0:
0x88: {  	s2 =	sld [smem:$0x3FD9]  }
0x89: {  	s3 =	sld [smem:$0x3FFE];
	_ =	sdelay $0x1  }
0x8a: {  	s1 =	srdreg.scid  }
0x8b: {  	s0 =	sand.u32 $0x1, s1  }
0x8c: {  	s16 =	sshll.u32 s0, $0xA;
	s2 =	sadd.s32 s3, s2  }
0x8d: {  	s2 =	sadd.s32 s2, s16  }
0x8e: {  	[smem:$0x3FB4] =	sst s2  }
0x8f: {  	_ = 	snop  }
0x90: {  	(tm) =	ssettm $0x1  }
0x91: {  	s17 =	sld [smem:$0x3FFB];
	_ =	sdelay $0x3  }
0x92: {  	_ =	strace s17  }
0x93: {  	s2 =	sld [smem:$0x3FFC];
	_ =	sdelay $0x3  }
0x94: {  	_ =	strace s2  }
0x95: {  	s2 =	sld [smem:$0x3FFD];
	_ =	sdelay $0x3  }
0x96: {  	_ =	strace s2  }
0x97: {  	_ =	strace $0x8FFFFFFF  }
0x98: {  	s18 =	sld [smem:$0x3FDB];
	_ =	sdelay $0x1  }
0x99: {  	s19 =	simm.s32 $_scs_section_size  }
0x9a: {  	s4 =	simm.s32 $_size__tile_overlayer_lowered;
	s5 =	simm.s32 $_tile_overlayer_lowered  }
0x9b: {  	s22 =	simm.s32 $0x1BFF;
	s21 =	sshll.u32 s5, $0x1;
	s2 =	sadd.s32 s19, s18  }
0x9c: {  	s6 =	simm.s32 $0x0;
	s20 =	sshll.u32 s4, $0x1;
	s4 =	sadd.s32 s21, s2  }
0x9d: {  	[timem:s6], [sflag:s22] =	dma.local [hbm:s4], s20  }
0x9e: {  	_ =	swait.ge [sflag:s22], s20  }
0x9f: {  	s3 =	ssub.s32 $0x0, s20;
	[sflag:s22] =	ssyncset.done $0x0  }
0xa0: {  	[sflag:s22] =	ssyncadd.s32 s3;
	_ =	sdelay $0x1  }
0xa1: {  	s23 =	simm.s32 $0x1B8B  }
0xa2: {  	_ =	swait.ge [sflag:s23], $0x1  }
0xa3: {  	[sflag:s23] =	ssyncset.done $0x0  }
0xa4: {  	s25 =	simm.s32 $0x1B8E;
	s24 =	sld [smem:$0x3FFE];
	[sflag:s23] =	ssyncadd.s32 $0xFFFFFFFF  }
0xa5: {  	s26 =	simm.s32 $execute0_lowered;
	[smem:$0x3FD2] =	sst s25  }
0xa6: {  	s4 =	sshll.u32 s26, $0x1;
	_ =	strace $0x80000046;
	[dreg:$0x1] =	wrdreg $0xFFFFFFFF  }
0xa7: {  	s28 =	simm.s32 $_size_execute0_lowered;
	s2 =	sadd.s32 s2, s4;
	[dreg:$0x0] =	wrdreg $0x0  }
0xa8: {  	s4 =	sshll.u32 s28, $0x1;
	[dreg:$0x2] =	wrdreg s2  }
0xa9: {  	[dreg:$0x3] =	wrdreg s4  }
0xaa: {  	[dreg:$0x4] =	wrdreg $0xC0  }
0xab: {  	_ =	task [dreg:s6], $0x5FFFF  }
0xac: {  	[dreg:$0x1] =	wrdreg $0xFFFFFFFF  }
0xad: {  	[dreg:$0x0] =	wrdreg $0x60  }
0xae: {  	[dreg:$0x2] =	wrdreg s24  }
0xaf: {  	[dreg:$0x3] =	wrdreg $0x0  }
0xb0: {  	[dreg:$0x4] =	wrdreg $0xC3800  }
0xb1: {  	[dreg:$0x5] =	wrdreg $0x9  }
0xb2: {  	_ =	task.clear_ibuf [dreg:s6], $0x6FFFF;
	_ =	strace $0x90000046  }
0xb3: {  	s29 =	simm.s32 $0x9;
	_ =	strace $0x80000048  }
0xb4: {  	_ =	swait.ge [sflag:s29], $0x1  }
0xb5: {  	[sflag:s29] =	ssyncadd.s32 $0xFFFFFFFF  }
0xb6: {  	_ =	strace $0x90000048  }
0xb7: {  	_ =	sfence  }
0xb8: {  	s30 =	sld [smem:$0x0];
	_ =	sdelay $0x2  }
0xb9: {  	s31 =	sshll.u32 s1, $0xD;
	s1 =	sshrl.u32 s1, $0x2  }
0xba: {  	s3 =	sand.u32 $0x4000, s31;
	s1 =	sadd.s32 s1, s30  }
0xbb: {  	s0 =	sor.u32 s3, s0;
	s1 =	sshll.u32 s1, $0x11  }
0xbc: {  	s0 =	sor.u32 s1, s0  }
0xbd: {  	s0 =	sadd.s32 $0x8F2B, s0  }
0xbe: {  	[sflag:s0] =	ssyncadd.remote.s32 $0x1  }
0xbf: {  	_ =	sfence.sel $0xFFFF  }
0xc0: {  	[dreg:$0x0] =	wrdreg $0xFFFFFFFF;
	(pc) =	sbr.abs _section_cstart, $3  }
0xc1: {  	[dreg:$0x1] =	wrdreg $0xFFFFFFFF  }
0xc2: {  	_ =	task.clear_ibuf [dreg:s6], $0x2FFFF;
	_ =	strace $0x9FFFFFFF  }
0xc3: {  	(tm) =	ssettm $0x7FFFFFFF  }
tec
execute0_lowered:
.L_overlay_start_1:
0x0: {  	(tag) =	ssettag $0x1  }
0x1: {  	s0 =	rddreg [dreg:$0x0]  }
0x2: {  	s2 =	rddreg [dreg:$0x1]  }
0x3: {  	s3 =	rddreg [dreg:$0x2]  }
0x4: {  	s15 =	stileid.u32;
	s4 =	srdreg.scid  }
0x5: {  	s5 =	simm.s32 $0x0;
	s30 =	simm.s32 $0xD1B8;
	s1 =	smul.u32 $0x18700, s15  }
0x6: {  	s31 =	simm.s32 $0xE5B8;
	s6 =	smul.u32 $0xC38, s15;
	s4 =	sand.u32 $0x1, s4  }
0x7: {  	[smem:$0x7FF] =	sst s5;
	s5 =	sadd.s32 $0x67200, s0;
	s14 =	smul.u32 $0xC8, s15  }
0x8: {  	s8 =	sadd.s32 $0x2E00, s0;
	s22 =	sshll.u32 s15, $0x6;
	s7 =	smul.u32 $0xC380, s4  }
0x9: {  	_ =	strace $0x80000047;
	s19 =	ssub.s32 $0x2, s4;
	[dreg:$0x6] =	wrdreg s30  }
0xa: {  	s12 =	smul.u32 $0xC80, s4;
	[dreg:$0x7] =	wrdreg s31;
	s9 =	sshrl.u32 s1, $0x4  }
0xb: {  	s10 =	sshrl.u32 s6, $0x3;
	s13 =	sshrl.u32 s19, $0x1;
	s1 =	sshrl.u32 s1, $0x1  }
0xc: {  	s7 =	sadd.s32 s6, s7;
	s9 =	sadd.s32 s9, s0;
	s10 =	sadd.s32 s10, s0  }
0xd: {  	s1 =	sadd.s32 s1, s2;
	s12 =	sadd.s32 s14, s12;
	s11 =	sshll.u32 s7, $0x1  }
0xe: {  	s7 =	sshrl.u32 s7, $0x3;
	s9 =	sadd.s32 $0x98000, s9;
	s12 =	sshll.u32 s12, $0x6  }
0xf: {  	s10 =	sadd.s32 $0xB0800, s10;
	s1 =	sshrl.u32 s1, $0x3;
	[dreg:$0x8] =	wrdreg s9  }
0x10: {  	s11 =	sadd.s32 s11, s0;
	s0 =	sadd.s32 s7, s0;
	[dreg:$0xa] =	wrdreg s10  }
0x11: {  	s7 =	ssub.s32 s19, s13;
	s13 =	sor.u32 $0x1C07, s22;
	[dreg:$0x10] =	wrdreg s1  }
0x12: {  	s23 =	sadd.s32 s8, s12;
	s12 =	sadd.s32 s6, s3;
	[dreg:$0x9] =	wrdreg s13  }
0x13: {  	s26 =	sadd.s32 $0xB2200, s11;
	[dreg:$0xb] =	wrdreg s12  }
0x14: {  	s20 =	sshll.u32 s4, $0x4;
	s25 =	sadd.s32 $0x500, s23;
	[dreg:$0xd] =	wrdreg s26  }
0x15: {  	s21 =	sor.u32 s15, s20;
	s0 =	sadd.s32 $0xE3000, s0;
	[dreg:$0x4] =	wrdreg s25  }
0x16: {  	s9 =	smul.u32 $0x3200, s21;
	s29 =	smax.u32 s7, $0x1;
	[dreg:$0xe] =	wrdreg s0  }
0x17: {  	p0 =	sne.s32 s4, $0x0;
	s28 =	sadd.s32 $0x280, s23;
	[dreg:$0xf] =	wrdreg s29  }
0x18: {  	s6 =	simm.s32 $0x7;
	s24 =	sadd.s32 s8, s9;
	[dreg:$0x5] =	wrdreg s28  }
0x19: {  	v0 =	vimm.f32 $1.000000000e+00;
	s3 =	simm.s32 $0x0;
	s7 =	simm.s32 $0x139B8;
	[dreg:$0xc] =	wrdreg s24  }
.LBB2_1:
0x1a: {  	[dreg:$0x11] =	wrdreg s3  }
0x1b: {  	s0 =	rddreg [dreg:$0x8]  }
0x1c: {  	[spmem:s1], [sflag:s13] =	dma.local [hbm:s0], $0x1870  }
0x1d: {  	_ =	swait.ge [sflag:s6], $0x1870  }
0x1e: {  	[sflag:s6] =	ssyncset.done $0x0  }
0x1f: {  	s9 =	simm.s32 $0x0;
	s23 =	rddreg [dreg:$0xa];
	[sflag:s6] =	ssyncadd.s32 $0xFFFFE790  }
0x20: {  	[tilespmem:s7], [sflag:$0x7] =	stream.linear.gather [hbm4b:s23+s9], $0xC38, $0x38;
	[tilespmem:$0x145F0] =	vst v63  }
0x21: {  	_ =	swait.ge [sflag:s6], $0xC38  }
0x22: {  	[sflag:s6] =	ssyncset.done $0x0  }
0x23: {  	[sflag:s6] =	ssyncadd.s32 $0xFFFFF3C8  }
0x24: {  	[spmem:s12] =	stream.linear.scatter [tilespmem:s7], [sflag:$0x7], $0xC38, $0x38;
	[tilespmem:$0x145F0] =	vst v63  }
0x25: {  	_ =	swait.ge [sflag:s6], $0xC38  }
0x26: {  	[sflag:s6] =	ssyncset.done $0x0  }
0x27: {  	[sflag:s6] =	ssyncadd.s32 $0xFFFFF3C8  }
0x28: {  	[tilespmem:$0x137B8] =	vst v0  }
0x29: {  	[tilespmem:$0x137C8] =	vst v0  }
0x2a: {  	[tilespmem:$0x137D8] =	vst v0  }
0x2b: {  	[tilespmem:$0x137E8] =	vst v0  }
0x2c: {  	[tilespmem:$0x137F8] =	vst v0  }
0x2d: {  	[tilespmem:$0x13808] =	vst v0  }
0x2e: {  	[tilespmem:$0x13818] =	vst v0  }
0x2f: {  	[tilespmem:$0x13828] =	vst v0  }
0x30: {  	[tilespmem:$0x13838] =	vst v0  }
0x31: {  	[tilespmem:$0x13848] =	vst v0  }
0x32: {  	[tilespmem:$0x13858] =	vst v0  }
0x33: {  	[tilespmem:$0x13868] =	vst v0  }
0x34: {  	[tilespmem:$0x13878] =	vst v0  }
0x35: {  	[tilespmem:$0x13888] =	vst v0  }
0x36: {  	[tilespmem:$0x13898] =	vst v0  }
0x37: {  	[tilespmem:$0x138A8] =	vst v0  }
0x38: {  	[tilespmem:$0x138B8] =	vst v0  }
0x39: {  	[tilespmem:$0x138C8] =	vst v0  }
0x3a: {  	[tilespmem:$0x138D8] =	vst v0  }
0x3b: {  	[tilespmem:$0x138E8] =	vst v0  }
0x3c: {  	[tilespmem:$0x138F8] =	vst v0  }
0x3d: {  	[tilespmem:$0x13908] =	vst v0  }
0x3e: {  	[tilespmem:$0x13918] =	vst v0  }
0x3f: {  	[tilespmem:$0x13928] =	vst v0  }
0x40: {  	[tilespmem:$0x13938] =	vst v0  }
0x41: {  	[tilespmem:$0x13948] =	vst v0  }
0x42: {  	[tilespmem:$0x13958] =	vst v0  }
0x43: {  	[tilespmem:$0x13968] =	vst v0  }
0x44: {  	[tilespmem:$0x13978] =	vst v0  }
0x45: {  	[tilespmem:$0x13988] =	vst v0  }
0x46: {  	[tilespmem:$0x13998] =	vst v0  }
0x47: {  	[tilespmem:$0x139A8] =	vst v0  }
0x48: {  	[bflag:$0x0] =	sbarrier.arrive $0xFFFF  }
0x49: {  	s15 =	simm.s32 $0xCFB8;
	s24 =	rddreg [dreg:$0xc]  }
0x4a: {  	[tilespmem:s15], [sflag:$0x7] =	stream.linear.gather [hbm4b:s24+s9], $0x1400, $0x38;
	[tilespmem:$0x145F0] =	vst v63  }
0x4b: {  	_ =	swait.ge [sflag:s6], $0x1400  }
0x4c: {  	s25 =	rddreg [dreg:$0x5];
	[sflag:s6] =	ssyncset.done $0x0  }
0x4d: {  	s30 =	simm.s32 $0xE3B8;
	[sflag:s6] =	ssyncadd.s32 $0xFFFFEC00;
	s0 =	sadd.s32 $0x0, s25  }
0x4e: {  	[tilespmem:s30], [sflag:$0x5] =	stream.linear.gather [hbm4b:s0+s9], $0x1400, $0x38;
	[tilespmem:$0x145F0] =	vst v63  }
0x4f: {  	s19 =	simm.s32 $0x200;
	s20 =	simm.s32 $0xF7B8;
	s25 =	simm.s32 $0x1  }
0x50: {  	[tilespmem:s20], [sflag:$0x1] =	stream.indirect.gather [hbm4b:s5+s19], $0x10, s15, s19, $0xb8;
	[tilespmem:$0x145F0] =	vst v63  }
0x51: {  	_ =	swait.ge [sflag:s25], $0x2000  }
0x52: {  	[sflag:s25] =	ssyncset.done $0x0  }
0x53: {  	s26 =	rddreg [dreg:$0x6];
	[sflag:s25] =	ssyncadd.s32 $0xFFFFE000  }
0x54: {  	s28 =	simm.s32 @p0 $0x2;
	s31 =	rddreg [dreg:$0x1]  }
0x55: {  	[spmem:s31] =	stream.indirect.scatter.add.bf16 [tilespmem:s20], [sflag:$0x3], $0x10, s26, s19, $0xb8;
	[tilespmem:$0x145F0] =	vst v63  }
0x56: {  	s29 =	simm.s32 @p0 $0x200;
	s11 =	simm.s32 @p0 $0x117B8;
	s0 =	simm.s32 @p0 $0xD3B8  }
0x57: {  	[tilespmem:s11], [sflag:$0x2] =	stream.indirect.gather @p0 [hbm4b:s5+s29], $0x10, s0, s29, $0xb8;
	[tilespmem:$0x145F0] =	vst v63  }
0x58: {  	_ =	swait.ge @p0 [sflag:s28], $0x2000  }
0x59: {  	[sflag:s28] =	ssyncset.done @p0 $0x0  }
0x5a: {  	s0 =	simm.s32 @p0 $0xD5B8;
	[sflag:s28] =	ssyncadd.s32 @p0 $0xFFFFE000  }
0x5b: {  	[spmem:s31] =	stream.indirect.scatter.add.bf16 @p0 [tilespmem:s11], [sflag:$0x4], $0x10, s0, s29, $0xb8;
	[tilespmem:$0x145F0] =	vst v63  }
0x5c: {  	s4 =	simm.s32 @p0 $0x137B8;
	s6 =	simm.s32 @p0 $0x3;
	s23 =	rddreg [dreg:$0x2]  }
0x5d: {  	[spmem:s23] =	stream.indirect.scatter.add.f32 @p0 [tilespmem:s4], [sflag:$0x6], $0x1, s0, s29, $0xb8;
	[tilespmem:$0x145F0] =	vst v63  }
0x5e: {  	_ =	swait.ge @p0 [sflag:s6], $0x2000  }
0x5f: {  	s8 =	simm.s32 @p0 $0x1;
	[sflag:s6] =	ssyncset.done @p0 $0x0  }
0x60: {  	s12 =	simm.s32 @p0 $0xF7B8;
	s0 =	simm.s32 @p0 $0xD7B8;
	[sflag:s6] =	ssyncadd.s32 @p0 $0xFFFFE000  }
0x61: {  	[tilespmem:s12], [sflag:$0x1] =	stream.indirect.gather @p0 [hbm4b:s5+s29], $0x10, s0, s29, $0xb8;
	[tilespmem:$0x145F0] =	vst v63  }
0x62: {  	_ =	swait.ge @p0 [sflag:s8], $0x2000  }
0x63: {  	[sflag:s8] =	ssyncset.done @p0 $0x0  }
0x64: {  	s18 =	simm.s32 @p0 $0x4;
	s0 =	simm.s32 @p0 $0xD9B8;
	[sflag:s8] =	ssyncadd.s32 @p0 $0xFFFFE000  }
0x65: {  	[spmem:s31] =	stream.indirect.scatter.add.bf16 @p0 [tilespmem:s12], [sflag:$0x3], $0x10, s0, s29, $0xb8;
	[tilespmem:$0x145F0] =	vst v63  }
0x66: {  	_ =	swait.ge @p0 [sflag:s18], $0x2000  }
0x67: {  	[sflag:s18] =	ssyncset.done @p0 $0x0  }
0x68: {  	s0 =	simm.s32 @p0 $0xDBB8;
	[sflag:s18] =	ssyncadd.s32 @p0 $0xFFFFE000  }
0x69: {  	[tilespmem:s11], [sflag:$0x2] =	stream.indirect.gather @p0 [hbm4b:s5+s29], $0x10, s0, s29, $0xb8;
	[tilespmem:$0x145F0] =	vst v63  }
0x6a: {  	_ =	swait.ge @p0 [sflag:s28], $0x2000  }
0x6b: {  	[sflag:s28] =	ssyncset.done @p0 $0x0  }
0x6c: {  	s0 =	simm.s32 @p0 $0xDDB8;
	[sflag:s28] =	ssyncadd.s32 @p0 $0xFFFFE000  }
0x6d: {  	[spmem:s31] =	stream.indirect.scatter.add.bf16 @p0 [tilespmem:s11], [sflag:$0x4], $0x10, s0, s29, $0xb8;
	[tilespmem:$0x145F0] =	vst v63  }
0x6e: {  	_ = 	snop  }
0x6f: {  	[spmem:s23] =	stream.indirect.scatter.add.f32 @p0 [tilespmem:s4], [sflag:$0x6], $0x1, s0, s29, $0xb8;
	[tilespmem:$0x145F0] =	vst v63  }
0x70: {  	_ =	swait.ge @p0 [sflag:s6], $0x2000  }
0x71: {  	[sflag:s6] =	ssyncset.done @p0 $0x0  }
0x72: {  	s0 =	simm.s32 @p0 $0xDFB8;
	[sflag:s6] =	ssyncadd.s32 @p0 $0xFFFFE000  }
0x73: {  	[tilespmem:s12], [sflag:$0x1] =	stream.indirect.gather @p0 [hbm4b:s5+s29], $0x10, s0, s29, $0xb8;
	[tilespmem:$0x145F0] =	vst v63  }
0x74: {  	_ =	swait.ge @p0 [sflag:s8], $0x2000  }
0x75: {  	[sflag:s8] =	ssyncset.done @p0 $0x0  }
0x76: {  	s0 =	simm.s32 @p0 $0xE1B8;
	[sflag:s8] =	ssyncadd.s32 @p0 $0xFFFFE000  }
0x77: {  	[spmem:s31] =	stream.indirect.scatter.add.bf16 @p0 [tilespmem:s12], [sflag:$0x3], $0x10, s0, s29, $0xb8;
	[tilespmem:$0x145F0] =	vst v63  }
0x78: {  	s22 =	simm.s32 @!p0 $0x137B8;
	s26 =	simm.s32 @!p0 $0x200;
	s0 =	simm.s32 @!p0 $0xD1B8  }
0x79: {  	[spmem:s23] =	stream.indirect.scatter.add.f32 @!p0 [tilespmem:s22], [sflag:$0x6], $0x1, s0, s26, $0xb8;
	[tilespmem:$0x145F0] =	vst v63  }
0x7a: {  	s10 =	simm.s32 @!p0 $0x117B8;
	s7 =	simm.s32 @!p0 $0x2;
	s0 =	simm.s32 @!p0 $0xD3B8  }
0x7b: {  	[tilespmem:s10], [sflag:$0x2] =	stream.indirect.gather @!p0 [hbm4b:s5+s26], $0x10, s0, s26, $0xb8;
	[tilespmem:$0x145F0] =	vst v63  }
0x7c: {  	_ =	swait.ge @!p0 [sflag:s7], $0x2000  }
0x7d: {  	[sflag:s7] =	ssyncset.done @!p0 $0x0  }
0x7e: {  	s14 =	simm.s32 @!p0 $0x3;
	s0 =	simm.s32 @!p0 $0xD5B8;
	[sflag:s7] =	ssyncadd.s32 @!p0 $0xFFFFE000  }
0x7f: {  	[spmem:s31] =	stream.indirect.scatter.add.bf16 @!p0 [tilespmem:s10], [sflag:$0x4], $0x10, s0, s26, $0xb8;
	[tilespmem:$0x145F0] =	vst v63  }
0x80: {  	_ =	swait.ge @!p0 [sflag:s14], $0x2000  }
0x81: {  	s2 =	simm.s32 @!p0 $0xF7B8;
	[sflag:s14] =	ssyncset.done @!p0 $0x0  }
0x82: {  	s16 =	simm.s32 @!p0 $0x1;
	s0 =	simm.s32 @!p0 $0xD7B8;
	[sflag:s14] =	ssyncadd.s32 @!p0 $0xFFFFE000  }
0x83: {  	[tilespmem:s2], [sflag:$0x1] =	stream.indirect.gather @!p0 [hbm4b:s5+s26], $0x10, s0, s26, $0xb8;
	[tilespmem:$0x145F0] =	vst v63  }
0x84: {  	_ =	swait.ge @!p0 [sflag:s16], $0x2000  }
0x85: {  	[sflag:s16] =	ssyncset.done @!p0 $0x0  }
0x86: {  	s0 =	simm.s32 @!p0 $0xD9B8;
	[sflag:s16] =	ssyncadd.s32 @!p0 $0xFFFFE000  }
0x87: {  	[spmem:s31] =	stream.indirect.scatter.add.bf16 @!p0 [tilespmem:s2], [sflag:$0x3], $0x10, s0, s26, $0xb8;
	[tilespmem:$0x145F0] =	vst v63  }
0x88: {  	s21 =	simm.s32 @!p0 $0x4  }
0x89: {  	[spmem:s23] =	stream.indirect.scatter.add.f32 @!p0 [tilespmem:s22], [sflag:$0x6], $0x1, s0, s26, $0xb8;
	[tilespmem:$0x145F0] =	vst v63  }
0x8a: {  	_ =	swait.ge @!p0 [sflag:s21], $0x2000  }
0x8b: {  	[sflag:s21] =	ssyncset.done @!p0 $0x0  }
0x8c: {  	s0 =	simm.s32 @!p0 $0xDBB8;
	[sflag:s21] =	ssyncadd.s32 @!p0 $0xFFFFE000  }
0x8d: {  	[tilespmem:s10], [sflag:$0x2] =	stream.indirect.gather @!p0 [hbm4b:s5+s26], $0x10, s0, s26, $0xb8;
	[tilespmem:$0x145F0] =	vst v63  }
0x8e: {  	_ =	swait.ge @!p0 [sflag:s7], $0x2000  }
0x8f: {  	[sflag:s7] =	ssyncset.done @!p0 $0x0  }
0x90: {  	s0 =	simm.s32 @!p0 $0xDDB8;
	[sflag:s7] =	ssyncadd.s32 @!p0 $0xFFFFE000  }
0x91: {  	[spmem:s31] =	stream.indirect.scatter.add.bf16 @!p0 [tilespmem:s10], [sflag:$0x4], $0x10, s0, s26, $0xb8;
	[tilespmem:$0x145F0] =	vst v63  }
0x92: {  	_ =	swait.ge @!p0 [sflag:s14], $0x2000  }
0x93: {  	[sflag:s14] =	ssyncset.done @!p0 $0x0  }
0x94: {  	s0 =	simm.s32 @!p0 $0xDFB8;
	[sflag:s14] =	ssyncadd.s32 @!p0 $0xFFFFE000  }
0x95: {  	[tilespmem:s2], [sflag:$0x1] =	stream.indirect.gather @!p0 [hbm4b:s5+s26], $0x10, s0, s26, $0xb8;
	[tilespmem:$0x145F0] =	vst v63  }
0x96: {  	_ =	swait.ge @!p0 [sflag:s16], $0x2000  }
0x97: {  	[sflag:s16] =	ssyncset.done @!p0 $0x0  }
0x98: {  	s0 =	simm.s32 @!p0 $0xE1B8;
	[sflag:s16] =	ssyncadd.s32 @!p0 $0xFFFFE000  }
0x99: {  	[spmem:s31] =	stream.indirect.scatter.add.bf16 @!p0 [tilespmem:s2], [sflag:$0x3], $0x10, s0, s26, $0xb8;
	[tilespmem:$0x145F0] =	vst v63  }
0x9a: {  	s17 =	simm.s32 @!p0 $0x6  }
0x9b: {  	[spmem:s23] =	stream.indirect.scatter.add.f32 @!p0 [tilespmem:s22], [sflag:$0x6], $0x1, s0, s26, $0xb8;
	[tilespmem:$0x145F0] =	vst v63  }
0x9c: {  	_ =	swait.ge @!p0 [sflag:s17], $0x200  }
0x9d: {  	[sflag:s17] =	ssyncset.done @!p0 $0x0  }
0x9e: {  	s24 =	simm.s32 $0x6;
	[sflag:s17] =	ssyncadd.s32 @!p0 $0xFFFFFE00  }
0x9f: {  	_ =	swait.ge [sflag:s24], $0x200  }
0xa0: {  	[sflag:s24] =	ssyncset.done $0x0  }
0xa1: {  	[sflag:s24] =	ssyncadd.s32 $0xFFFFFE00  }
0xa2: {  	_ =	swait.ge [sflag:s24], $0x200  }
0xa3: {  	[sflag:s24] =	ssyncset.done $0x0  }
0xa4: {  	s1 =	simm.s32 $0x4;
	[sflag:s24] =	ssyncadd.s32 $0xFFFFFE00  }
0xa5: {  	_ =	swait.ge [sflag:s1], $0x2000  }
0xa6: {  	[sflag:s1] =	ssyncset.done $0x0  }
0xa7: {  	s13 =	simm.s32 $0x3;
	[sflag:s1] =	ssyncadd.s32 $0xFFFFE000  }
0xa8: {  	_ =	swait.ge [sflag:s13], $0x2000  }
0xa9: {  	[sflag:s13] =	ssyncset.done $0x0  }
0xaa: {  	s3 =	simm.s32 $0x5;
	[sflag:s13] =	ssyncadd.s32 $0xFFFFE000  }
0xab: {  	_ =	swait.ge [sflag:s3], $0x1400  }
0xac: {  	s0 =	rddreg [dreg:$0x4];
	[sflag:s3] =	ssyncset.done $0x0  }
0xad: {  	[sflag:s3] =	ssyncadd.s32 $0xFFFFEC00;
	s0 =	sadd.s32 $0x0, s0  }
0xae: {  	[tilespmem:s15], [sflag:$0x5] =	stream.linear.gather [hbm4b:s0+s9], $0x1400, $0x38;
	[tilespmem:$0x145F0] =	vst v63  }
0xaf: {  	_ = 	snop  }
0xb0: {  	[tilespmem:s20], [sflag:$0x1] =	stream.indirect.gather [hbm4b:s5+s19], $0x10, s30, s19, $0xb8;
	[tilespmem:$0x145F0] =	vst v63  }
0xb1: {  	_ =	swait.ge [sflag:s25], $0x2000  }
0xb2: {  	[sflag:s25] =	ssyncset.done $0x0  }
0xb3: {  	s30 =	rddreg [dreg:$0x7];
	[sflag:s25] =	ssyncadd.s32 $0xFFFFE000  }
0xb4: {  	[spmem:s31] =	stream.indirect.scatter.add.bf16 [tilespmem:s20], [sflag:$0x3], $0x10, s30, s19, $0xb8;
	[tilespmem:$0x145F0] =	vst v63  }
0xb5: {  	s0 =	simm.s32 @p0 $0xE7B8  }
0xb6: {  	[tilespmem:s11], [sflag:$0x2] =	stream.indirect.gather @p0 [hbm4b:s5+s29], $0x10, s0, s29, $0xb8;
	[tilespmem:$0x145F0] =	vst v63  }
0xb7: {  	_ =	swait.ge @p0 [sflag:s28], $0x2000  }
0xb8: {  	[sflag:s28] =	ssyncset.done @p0 $0x0  }
0xb9: {  	s0 =	simm.s32 @p0 $0xE9B8;
	[sflag:s28] =	ssyncadd.s32 @p0 $0xFFFFE000  }
0xba: {  	[spmem:s31] =	stream.indirect.scatter.add.bf16 @p0 [tilespmem:s11], [sflag:$0x4], $0x10, s0, s29, $0xb8;
	[tilespmem:$0x145F0] =	vst v63  }
0xbb: {  	_ = 	snop  }
0xbc: {  	[spmem:s23] =	stream.indirect.scatter.add.f32 @p0 [tilespmem:s4], [sflag:$0x6], $0x1, s0, s29, $0xb8;
	[tilespmem:$0x145F0] =	vst v63  }
0xbd: {  	_ =	swait.ge @p0 [sflag:s6], $0x2000  }
0xbe: {  	[sflag:s6] =	ssyncset.done @p0 $0x0  }
0xbf: {  	s0 =	simm.s32 @p0 $0xEBB8;
	[sflag:s6] =	ssyncadd.s32 @p0 $0xFFFFE000  }
0xc0: {  	[tilespmem:s12], [sflag:$0x1] =	stream.indirect.gather @p0 [hbm4b:s5+s29], $0x10, s0, s29, $0xb8;
	[tilespmem:$0x145F0] =	vst v63  }
0xc1: {  	_ =	swait.ge @p0 [sflag:s8], $0x2000  }
0xc2: {  	[sflag:s8] =	ssyncset.done @p0 $0x0  }
0xc3: {  	s0 =	simm.s32 @p0 $0xEDB8;
	[sflag:s8] =	ssyncadd.s32 @p0 $0xFFFFE000  }
0xc4: {  	[spmem:s31] =	stream.indirect.scatter.add.bf16 @p0 [tilespmem:s12], [sflag:$0x3], $0x10, s0, s29, $0xb8;
	[tilespmem:$0x145F0] =	vst v63  }
0xc5: {  	_ =	swait.ge @p0 [sflag:s18], $0x2000  }
0xc6: {  	[sflag:s18] =	ssyncset.done @p0 $0x0  }
0xc7: {  	s0 =	simm.s32 @p0 $0xEFB8;
	[sflag:s18] =	ssyncadd.s32 @p0 $0xFFFFE000  }
0xc8: {  	[tilespmem:s11], [sflag:$0x2] =	stream.indirect.gather @p0 [hbm4b:s5+s29], $0x10, s0, s29, $0xb8;
	[tilespmem:$0x145F0] =	vst v63  }
0xc9: {  	_ =	swait.ge @p0 [sflag:s28], $0x2000  }
0xca: {  	[sflag:s28] =	ssyncset.done @p0 $0x0  }
0xcb: {  	s0 =	simm.s32 @p0 $0xF1B8;
	[sflag:s28] =	ssyncadd.s32 @p0 $0xFFFFE000  }
0xcc: {  	[spmem:s31] =	stream.indirect.scatter.add.bf16 @p0 [tilespmem:s11], [sflag:$0x4], $0x10, s0, s29, $0xb8;
	[tilespmem:$0x145F0] =	vst v63  }
0xcd: {  	_ = 	snop  }
0xce: {  	[spmem:s23] =	stream.indirect.scatter.add.f32 @p0 [tilespmem:s4], [sflag:$0x6], $0x1, s0, s29, $0xb8;
	[tilespmem:$0x145F0] =	vst v63  }
0xcf: {  	_ =	swait.ge @p0 [sflag:s6], $0x2000  }
0xd0: {  	[sflag:s6] =	ssyncset.done @p0 $0x0  }
0xd1: {  	s0 =	simm.s32 @p0 $0xF3B8;
	[sflag:s6] =	ssyncadd.s32 @p0 $0xFFFFE000  }
0xd2: {  	[tilespmem:s12], [sflag:$0x1] =	stream.indirect.gather @p0 [hbm4b:s5+s29], $0x10, s0, s29, $0xb8;
	[tilespmem:$0x145F0] =	vst v63  }
0xd3: {  	_ =	swait.ge @p0 [sflag:s8], $0x2000  }
0xd4: {  	[sflag:s8] =	ssyncset.done @p0 $0x0  }
0xd5: {  	s0 =	simm.s32 @p0 $0xF5B8;
	[sflag:s8] =	ssyncadd.s32 @p0 $0xFFFFE000  }
0xd6: {  	[spmem:s31] =	stream.indirect.scatter.add.bf16 @p0 [tilespmem:s12], [sflag:$0x3], $0x10, s0, s29, $0xb8;
	[tilespmem:$0x145F0] =	vst v63  }
0xd7: {  	s0 =	simm.s32 @!p0 $0xE5B8  }
0xd8: {  	[spmem:s23] =	stream.indirect.scatter.add.f32 @!p0 [tilespmem:s22], [sflag:$0x6], $0x1, s0, s26, $0xb8;
	[tilespmem:$0x145F0] =	vst v63  }
0xd9: {  	s0 =	simm.s32 @!p0 $0xE7B8  }
0xda: {  	[tilespmem:s10], [sflag:$0x2] =	stream.indirect.gather @!p0 [hbm4b:s5+s26], $0x10, s0, s26, $0xb8;
	[tilespmem:$0x145F0] =	vst v63  }
0xdb: {  	_ =	swait.ge @!p0 [sflag:s7], $0x2000  }
0xdc: {  	[sflag:s7] =	ssyncset.done @!p0 $0x0  }
0xdd: {  	s0 =	simm.s32 @!p0 $0xE9B8;
	[sflag:s7] =	ssyncadd.s32 @!p0 $0xFFFFE000  }
0xde: {  	[spmem:s31] =	stream.indirect.scatter.add.bf16 @!p0 [tilespmem:s10], [sflag:$0x4], $0x10, s0, s26, $0xb8;
	[tilespmem:$0x145F0] =	vst v63  }
0xdf: {  	_ =	swait.ge @!p0 [sflag:s14], $0x2000  }
0xe0: {  	[sflag:s14] =	ssyncset.done @!p0 $0x0  }
0xe1: {  	s0 =	simm.s32 @!p0 $0xEBB8;
	[sflag:s14] =	ssyncadd.s32 @!p0 $0xFFFFE000  }
0xe2: {  	[tilespmem:s2], [sflag:$0x1] =	stream.indirect.gather @!p0 [hbm4b:s5+s26], $0x10, s0, s26, $0xb8;
	[tilespmem:$0x145F0] =	vst v63  }
0xe3: {  	_ =	swait.ge @!p0 [sflag:s16], $0x2000  }
0xe4: {  	[sflag:s16] =	ssyncset.done @!p0 $0x0  }
0xe5: {  	s0 =	simm.s32 @!p0 $0xEDB8;
	[sflag:s16] =	ssyncadd.s32 @!p0 $0xFFFFE000  }
0xe6: {  	[spmem:s31] =	stream.indirect.scatter.add.bf16 @!p0 [tilespmem:s2], [sflag:$0x3], $0x10, s0, s26, $0xb8;
	[tilespmem:$0x145F0] =	vst v63  }
0xe7: {  	_ = 	snop  }
0xe8: {  	[spmem:s23] =	stream.indirect.scatter.add.f32 @!p0 [tilespmem:s22], [sflag:$0x6], $0x1, s0, s26, $0xb8;
	[tilespmem:$0x145F0] =	vst v63  }
0xe9: {  	_ =	swait.ge @!p0 [sflag:s21], $0x2000  }
0xea: {  	[sflag:s21] =	ssyncset.done @!p0 $0x0  }
0xeb: {  	s0 =	simm.s32 @!p0 $0xEFB8;
	[sflag:s21] =	ssyncadd.s32 @!p0 $0xFFFFE000  }
0xec: {  	[tilespmem:s10], [sflag:$0x2] =	stream.indirect.gather @!p0 [hbm4b:s5+s26], $0x10, s0, s26, $0xb8;
	[tilespmem:$0x145F0] =	vst v63  }
0xed: {  	_ =	swait.ge @!p0 [sflag:s7], $0x2000  }
0xee: {  	[sflag:s7] =	ssyncset.done @!p0 $0x0  }
0xef: {  	s0 =	simm.s32 @!p0 $0xF1B8;
	[sflag:s7] =	ssyncadd.s32 @!p0 $0xFFFFE000  }
0xf0: {  	[spmem:s31] =	stream.indirect.scatter.add.bf16 @!p0 [tilespmem:s10], [sflag:$0x4], $0x10, s0, s26, $0xb8;
	[tilespmem:$0x145F0] =	vst v63  }
0xf1: {  	_ =	swait.ge @!p0 [sflag:s14], $0x2000  }
0xf2: {  	[sflag:s14] =	ssyncset.done @!p0 $0x0  }
0xf3: {  	s0 =	simm.s32 @!p0 $0xF3B8;
	[sflag:s14] =	ssyncadd.s32 @!p0 $0xFFFFE000  }
0xf4: {  	[tilespmem:s2], [sflag:$0x1] =	stream.indirect.gather @!p0 [hbm4b:s5+s26], $0x10, s0, s26, $0xb8;
	[tilespmem:$0x145F0] =	vst v63  }
0xf5: {  	_ =	swait.ge @!p0 [sflag:s16], $0x2000  }
0xf6: {  	[sflag:s16] =	ssyncset.done @!p0 $0x0  }
0xf7: {  	s0 =	simm.s32 @!p0 $0xF5B8;
	[sflag:s16] =	ssyncadd.s32 @!p0 $0xFFFFE000  }
0xf8: {  	[spmem:s31] =	stream.indirect.scatter.add.bf16 @!p0 [tilespmem:s2], [sflag:$0x3], $0x10, s0, s26, $0xb8;
	[tilespmem:$0x145F0] =	vst v63  }
0xf9: {  	_ = 	snop  }
0xfa: {  	[spmem:s23] =	stream.indirect.scatter.add.f32 @!p0 [tilespmem:s22], [sflag:$0x6], $0x1, s0, s26, $0xb8;
	[tilespmem:$0x145F0] =	vst v63  }
0xfb: {  	_ =	swait.ge @!p0 [sflag:s17], $0x200  }
0xfc: {  	[sflag:s17] =	ssyncset.done @!p0 $0x0  }
0xfd: {  	[sflag:s17] =	ssyncadd.s32 @!p0 $0xFFFFFE00  }
0xfe: {  	_ =	swait.ge [sflag:s24], $0x200  }
0xff: {  	[sflag:s24] =	ssyncset.done $0x0  }
0x100: {  	[sflag:s24] =	ssyncadd.s32 $0xFFFFFE00  }
0x101: {  	_ =	swait.ge [sflag:s24], $0x200  }
0x102: {  	[sflag:s24] =	ssyncset.done $0x0  }
0x103: {  	[sflag:s24] =	ssyncadd.s32 $0xFFFFFE00  }
0x104: {  	_ =	swait.ge [sflag:s1], $0x2000  }
0x105: {  	[sflag:s1] =	ssyncset.done $0x0  }
0x106: {  	[sflag:s1] =	ssyncadd.s32 $0xFFFFE000  }
0x107: {  	_ =	swait.ge [sflag:s13], $0x2000  }
0x108: {  	[sflag:s13] =	ssyncset.done $0x0  }
0x109: {  	[sflag:s13] =	ssyncadd.s32 $0xFFFFE000  }
0x10a: {  	s9 =	simm.s32 $0x500;
	_ =	swait.ge [sflag:s3], $0x1400  }
0x10b: {  	s15 =	simm.s32 $0xA00;
	[sflag:s3] =	ssyncset.done $0x0;
	s20 =	rddreg [dreg:$0x5]  }
.LBB2_2:
0x10c: {  	s0 =	simm.s32 $0x5;
	s20 =	sadd.s32 s9, s20;
	s1 =	simm.s32 $0x0  }
0x10d: {  	s31 =	simm.s32 $0xE3B8;
	s23 =	simm.s32 $0x200;
	[sflag:s0] =	ssyncadd.s32 $0xFFFFEC00  }
0x10e: {  	[tilespmem:s31], [sflag:$0x5] =	stream.linear.gather [hbm4b:s20+s1], $0x1400, $0x38;
	[tilespmem:$0x145F0] =	vst v63  }
0x10f: {  	s24 =	simm.s32 $0xF7B8;
	s25 =	simm.s32 $0x1;
	s1 =	simm.s32 $0xCFB8  }
0x110: {  	[tilespmem:s24], [sflag:$0x1] =	stream.indirect.gather [hbm4b:s5+s23], $0x10, s1, s23, $0xb8;
	[tilespmem:$0x145F0] =	vst v63  }
0x111: {  	_ =	swait.ge [sflag:s25], $0x2000  }
0x112: {  	[sflag:s25] =	ssyncset.done $0x0  }
0x113: {  	s2 =	rddreg [dreg:$0x6];
	[sflag:s25] =	ssyncadd.s32 $0xFFFFE000  }
0x114: {  	s0 =	rddreg [dreg:$0x1]  }
0x115: {  	[spmem:s0] =	stream.indirect.scatter.add.bf16 [tilespmem:s24], [sflag:$0x3], $0x10, s2, s23, $0xb8;
	[tilespmem:$0x145F0] =	vst v63  }
0x116: {  	s11 =	simm.s32 @p0 $0x117B8;
	s1 =	simm.s32 @p0 $0xD3B8  }
0x117: {  	[tilespmem:s11], [sflag:$0x2] =	stream.indirect.gather @p0 [hbm4b:s5+s29], $0x10, s1, s29, $0xb8;
	[tilespmem:$0x145F0] =	vst v63  }
0x118: {  	_ =	swait.ge @p0 [sflag:s28], $0x2000  }
0x119: {  	[sflag:s28] =	ssyncset.done @p0 $0x0  }
0x11a: {  	s1 =	simm.s32 @p0 $0xD5B8;
	[sflag:s28] =	ssyncadd.s32 @p0 $0xFFFFE000  }
0x11b: {  	[spmem:s0] =	stream.indirect.scatter.add.bf16 @p0 [tilespmem:s11], [sflag:$0x4], $0x10, s1, s29, $0xb8;
	[tilespmem:$0x145F0] =	vst v63  }
0x11c: {  	s4 =	simm.s32 @p0 $0x137B8;
	s30 =	rddreg [dreg:$0x2]  }
0x11d: {  	[spmem:s30] =	stream.indirect.scatter.add.f32 @p0 [tilespmem:s4], [sflag:$0x6], $0x1, s1, s29, $0xb8;
	[tilespmem:$0x145F0] =	vst v63  }
0x11e: {  	_ =	swait.ge @p0 [sflag:s6], $0x2000  }
0x11f: {  	[sflag:s6] =	ssyncset.done @p0 $0x0  }
0x120: {  	s12 =	simm.s32 @p0 $0xF7B8;
	s1 =	simm.s32 @p0 $0xD7B8;
	[sflag:s6] =	ssyncadd.s32 @p0 $0xFFFFE000  }
0x121: {  	[tilespmem:s12], [sflag:$0x1] =	stream.indirect.gather @p0 [hbm4b:s5+s29], $0x10, s1, s29, $0xb8;
	[tilespmem:$0x145F0] =	vst v63  }
0x122: {  	_ =	swait.ge @p0 [sflag:s8], $0x2000  }
0x123: {  	[sflag:s8] =	ssyncset.done @p0 $0x0  }
0x124: {  	s18 =	simm.s32 @p0 $0x4;
	s1 =	simm.s32 @p0 $0xD9B8;
	[sflag:s8] =	ssyncadd.s32 @p0 $0xFFFFE000  }
0x125: {  	[spmem:s0] =	stream.indirect.scatter.add.bf16 @p0 [tilespmem:s12], [sflag:$0x3], $0x10, s1, s29, $0xb8;
	[tilespmem:$0x145F0] =	vst v63  }
0x126: {  	_ =	swait.ge @p0 [sflag:s18], $0x2000  }
0x127: {  	[sflag:s18] =	ssyncset.done @p0 $0x0  }
0x128: {  	s1 =	simm.s32 @p0 $0xDBB8;
	[sflag:s18] =	ssyncadd.s32 @p0 $0xFFFFE000  }
0x129: {  	[tilespmem:s11], [sflag:$0x2] =	stream.indirect.gather @p0 [hbm4b:s5+s29], $0x10, s1, s29, $0xb8;
	[tilespmem:$0x145F0] =	vst v63  }
0x12a: {  	_ =	swait.ge @p0 [sflag:s28], $0x2000  }
0x12b: {  	[sflag:s28] =	ssyncset.done @p0 $0x0  }
0x12c: {  	s1 =	simm.s32 @p0 $0xDDB8;
	[sflag:s28] =	ssyncadd.s32 @p0 $0xFFFFE000  }
0x12d: {  	[spmem:s0] =	stream.indirect.scatter.add.bf16 @p0 [tilespmem:s11], [sflag:$0x4], $0x10, s1, s29, $0xb8;
	[tilespmem:$0x145F0] =	vst v63  }
0x12e: {  	_ = 	snop  }
0x12f: {  	[spmem:s30] =	stream.indirect.scatter.add.f32 @p0 [tilespmem:s4], [sflag:$0x6], $0x1, s1, s29, $0xb8;
	[tilespmem:$0x145F0] =	vst v63  }
0x130: {  	_ =	swait.ge @p0 [sflag:s6], $0x2000  }
0x131: {  	[sflag:s6] =	ssyncset.done @p0 $0x0  }
0x132: {  	s1 =	simm.s32 @p0 $0xDFB8;
	[sflag:s6] =	ssyncadd.s32 @p0 $0xFFFFE000  }
0x133: {  	[tilespmem:s12], [sflag:$0x1] =	stream.indirect.gather @p0 [hbm4b:s5+s29], $0x10, s1, s29, $0xb8;
	[tilespmem:$0x145F0] =	vst v63  }
0x134: {  	_ =	swait.ge @p0 [sflag:s8], $0x2000  }
0x135: {  	[sflag:s8] =	ssyncset.done @p0 $0x0  }
0x136: {  	s1 =	simm.s32 @p0 $0xE1B8;
	[sflag:s8] =	ssyncadd.s32 @p0 $0xFFFFE000  }
0x137: {  	[spmem:s0] =	stream.indirect.scatter.add.bf16 @p0 [tilespmem:s12], [sflag:$0x3], $0x10, s1, s29, $0xb8;
	[tilespmem:$0x145F0] =	vst v63  }
0x138: {  	s22 =	simm.s32 @!p0 $0x137B8;
	s1 =	simm.s32 @!p0 $0xD1B8  }
0x139: {  	[spmem:s30] =	stream.indirect.scatter.add.f32 @!p0 [tilespmem:s22], [sflag:$0x6], $0x1, s1, s26, $0xb8;
	[tilespmem:$0x145F0] =	vst v63  }
0x13a: {  	s10 =	simm.s32 @!p0 $0x117B8;
	s1 =	simm.s32 @!p0 $0xD3B8  }
0x13b: {  	[tilespmem:s10], [sflag:$0x2] =	stream.indirect.gather @!p0 [hbm4b:s5+s26], $0x10, s1, s26, $0xb8;
	[tilespmem:$0x145F0] =	vst v63  }
0x13c: {  	_ =	swait.ge @!p0 [sflag:s7], $0x2000  }
0x13d: {  	[sflag:s7] =	ssyncset.done @!p0 $0x0  }
0x13e: {  	s1 =	simm.s32 @!p0 $0xD5B8;
	[sflag:s7] =	ssyncadd.s32 @!p0 $0xFFFFE000  }
0x13f: {  	[spmem:s0] =	stream.indirect.scatter.add.bf16 @!p0 [tilespmem:s10], [sflag:$0x4], $0x10, s1, s26, $0xb8;
	[tilespmem:$0x145F0] =	vst v63  }
0x140: {  	_ =	swait.ge @!p0 [sflag:s14], $0x2000  }
0x141: {  	[sflag:s14] =	ssyncset.done @!p0 $0x0  }
0x142: {  	s2 =	simm.s32 @!p0 $0xF7B8;
	s1 =	simm.s32 @!p0 $0xD7B8;
	[sflag:s14] =	ssyncadd.s32 @!p0 $0xFFFFE000  }
0x143: {  	[tilespmem:s2], [sflag:$0x1] =	stream.indirect.gather @!p0 [hbm4b:s5+s26], $0x10, s1, s26, $0xb8;
	[tilespmem:$0x145F0] =	vst v63  }
0x144: {  	_ =	swait.ge @!p0 [sflag:s16], $0x2000  }
0x145: {  	[sflag:s16] =	ssyncset.done @!p0 $0x0  }
0x146: {  	s1 =	simm.s32 @!p0 $0xD9B8;
	[sflag:s16] =	ssyncadd.s32 @!p0 $0xFFFFE000  }
0x147: {  	[spmem:s0] =	stream.indirect.scatter.add.bf16 @!p0 [tilespmem:s2], [sflag:$0x3], $0x10, s1, s26, $0xb8;
	[tilespmem:$0x145F0] =	vst v63  }
0x148: {  	s21 =	simm.s32 @!p0 $0x4  }
0x149: {  	[spmem:s30] =	stream.indirect.scatter.add.f32 @!p0 [tilespmem:s22], [sflag:$0x6], $0x1, s1, s26, $0xb8;
	[tilespmem:$0x145F0] =	vst v63  }
0x14a: {  	_ =	swait.ge @!p0 [sflag:s21], $0x2000  }
0x14b: {  	[sflag:s21] =	ssyncset.done @!p0 $0x0  }
0x14c: {  	s1 =	simm.s32 @!p0 $0xDBB8;
	[sflag:s21] =	ssyncadd.s32 @!p0 $0xFFFFE000  }
0x14d: {  	[tilespmem:s10], [sflag:$0x2] =	stream.indirect.gather @!p0 [hbm4b:s5+s26], $0x10, s1, s26, $0xb8;
	[tilespmem:$0x145F0] =	vst v63  }
0x14e: {  	_ =	swait.ge @!p0 [sflag:s7], $0x2000  }
0x14f: {  	[sflag:s7] =	ssyncset.done @!p0 $0x0  }
0x150: {  	s1 =	simm.s32 @!p0 $0xDDB8;
	[sflag:s7] =	ssyncadd.s32 @!p0 $0xFFFFE000  }
0x151: {  	[spmem:s0] =	stream.indirect.scatter.add.bf16 @!p0 [tilespmem:s10], [sflag:$0x4], $0x10, s1, s26, $0xb8;
	[tilespmem:$0x145F0] =	vst v63  }
0x152: {  	_ =	swait.ge @!p0 [sflag:s14], $0x2000  }
0x153: {  	[sflag:s14] =	ssyncset.done @!p0 $0x0  }
0x154: {  	s1 =	simm.s32 @!p0 $0xDFB8;
	[sflag:s14] =	ssyncadd.s32 @!p0 $0xFFFFE000  }
0x155: {  	[tilespmem:s2], [sflag:$0x1] =	stream.indirect.gather @!p0 [hbm4b:s5+s26], $0x10, s1, s26, $0xb8;
	[tilespmem:$0x145F0] =	vst v63  }
0x156: {  	_ =	swait.ge @!p0 [sflag:s16], $0x2000  }
0x157: {  	[sflag:s16] =	ssyncset.done @!p0 $0x0  }
0x158: {  	s1 =	simm.s32 @!p0 $0xE1B8;
	[sflag:s16] =	ssyncadd.s32 @!p0 $0xFFFFE000  }
0x159: {  	[spmem:s0] =	stream.indirect.scatter.add.bf16 @!p0 [tilespmem:s2], [sflag:$0x3], $0x10, s1, s26, $0xb8;
	[tilespmem:$0x145F0] =	vst v63  }
0x15a: {  	s17 =	simm.s32 @!p0 $0x6  }
0x15b: {  	[spmem:s30] =	stream.indirect.scatter.add.f32 @!p0 [tilespmem:s22], [sflag:$0x6], $0x1, s1, s26, $0xb8;
	[tilespmem:$0x145F0] =	vst v63  }
0x15c: {  	_ =	swait.ge @!p0 [sflag:s17], $0x200  }
0x15d: {  	[sflag:s17] =	ssyncset.done @!p0 $0x0  }
0x15e: {  	s31 =	simm.s32 $0x6;
	[sflag:s17] =	ssyncadd.s32 @!p0 $0xFFFFFE00  }
0x15f: {  	_ =	swait.ge [sflag:s31], $0x200  }
0x160: {  	[sflag:s31] =	ssyncset.done $0x0  }
0x161: {  	[sflag:s31] =	ssyncadd.s32 $0xFFFFFE00  }
0x162: {  	_ =	swait.ge [sflag:s31], $0x200  }
0x163: {  	[sflag:s31] =	ssyncset.done $0x0  }
0x164: {  	s1 =	simm.s32 $0x4;
	[sflag:s31] =	ssyncadd.s32 $0xFFFFFE00  }
0x165: {  	_ =	swait.ge [sflag:s1], $0x2000  }
0x166: {  	[sflag:s1] =	ssyncset.done $0x0  }
0x167: {  	s13 =	simm.s32 $0x3;
	[sflag:s1] =	ssyncadd.s32 $0xFFFFE000  }
0x168: {  	_ =	swait.ge [sflag:s13], $0x2000  }
0x169: {  	[sflag:s13] =	ssyncset.done $0x0  }
0x16a: {  	s3 =	simm.s32 $0x5;
	[sflag:s13] =	ssyncadd.s32 $0xFFFFE000  }
0x16b: {  	_ =	swait.ge [sflag:s3], $0x1400  }
0x16c: {  	s20 =	rddreg [dreg:$0x4];
	[sflag:s3] =	ssyncset.done $0x0  }
0x16d: {  	s19 =	smov.u32 s15;
	[sflag:s3] =	ssyncadd.s32 $0xFFFFEC00;
	s20 =	sadd.s32 s9, s20  }
0x16e: {  	s9 =	smov.u32 s19;
	s19 =	simm.s32 $0x0;
	s3 =	simm.s32 $0xCFB8  }
0x16f: {  	[tilespmem:s3], [sflag:$0x5] =	stream.linear.gather [hbm4b:s20+s19], $0x1400, $0x38;
	[tilespmem:$0x145F0] =	vst v63  }
0x170: {  	s3 =	simm.s32 $0xE3B8  }
0x171: {  	[tilespmem:s24], [sflag:$0x1] =	stream.indirect.gather [hbm4b:s5+s23], $0x10, s3, s23, $0xb8;
	[tilespmem:$0x145F0] =	vst v63  }
0x172: {  	_ =	swait.ge [sflag:s25], $0x2000  }
0x173: {  	[sflag:s25] =	ssyncset.done $0x0  }
0x174: {  	s20 =	rddreg [dreg:$0x7];
	[sflag:s25] =	ssyncadd.s32 $0xFFFFE000  }
0x175: {  	[spmem:s0] =	stream.indirect.scatter.add.bf16 [tilespmem:s24], [sflag:$0x3], $0x10, s20, s23, $0xb8;
	[tilespmem:$0x145F0] =	vst v63  }
0x176: {  	s19 =	simm.s32 @p0 $0xE7B8  }
0x177: {  	[tilespmem:s11], [sflag:$0x2] =	stream.indirect.gather @p0 [hbm4b:s5+s29], $0x10, s19, s29, $0xb8;
	[tilespmem:$0x145F0] =	vst v63  }
0x178: {  	_ =	swait.ge @p0 [sflag:s28], $0x2000  }
0x179: {  	[sflag:s28] =	ssyncset.done @p0 $0x0  }
0x17a: {  	s19 =	simm.s32 @p0 $0xE9B8;
	[sflag:s28] =	ssyncadd.s32 @p0 $0xFFFFE000  }
0x17b: {  	[spmem:s0] =	stream.indirect.scatter.add.bf16 @p0 [tilespmem:s11], [sflag:$0x4], $0x10, s19, s29, $0xb8;
	[tilespmem:$0x145F0] =	vst v63  }
0x17c: {  	_ = 	snop  }
0x17d: {  	[spmem:s30] =	stream.indirect.scatter.add.f32 @p0 [tilespmem:s4], [sflag:$0x6], $0x1, s19, s29, $0xb8;
	[tilespmem:$0x145F0] =	vst v63  }
0x17e: {  	_ =	swait.ge @p0 [sflag:s6], $0x2000  }
0x17f: {  	[sflag:s6] =	ssyncset.done @p0 $0x0  }
0x180: {  	s19 =	simm.s32 @p0 $0xEBB8;
	[sflag:s6] =	ssyncadd.s32 @p0 $0xFFFFE000  }
0x181: {  	[tilespmem:s12], [sflag:$0x1] =	stream.indirect.gather @p0 [hbm4b:s5+s29], $0x10, s19, s29, $0xb8;
	[tilespmem:$0x145F0] =	vst v63  }
0x182: {  	_ =	swait.ge @p0 [sflag:s8], $0x2000  }
0x183: {  	[sflag:s8] =	ssyncset.done @p0 $0x0  }
0x184: {  	s19 =	simm.s32 @p0 $0xEDB8;
	[sflag:s8] =	ssyncadd.s32 @p0 $0xFFFFE000  }
0x185: {  	[spmem:s0] =	stream.indirect.scatter.add.bf16 @p0 [tilespmem:s12], [sflag:$0x3], $0x10, s19, s29, $0xb8;
	[tilespmem:$0x145F0] =	vst v63  }
0x186: {  	_ =	swait.ge @p0 [sflag:s18], $0x2000  }
0x187: {  	[sflag:s18] =	ssyncset.done @p0 $0x0  }
0x188: {  	[sflag:s18] =	ssyncadd.s32 @p0 $0xFFFFE000;
	s18 =	simm.s32 @p0 $0xEFB8  }
0x189: {  	[tilespmem:s11], [sflag:$0x2] =	stream.indirect.gather @p0 [hbm4b:s5+s29], $0x10, s18, s29, $0xb8;
	[tilespmem:$0x145F0] =	vst v63  }
0x18a: {  	_ =	swait.ge @p0 [sflag:s28], $0x2000  }
0x18b: {  	[sflag:s28] =	ssyncset.done @p0 $0x0  }
0x18c: {  	s18 =	simm.s32 @p0 $0xF1B8;
	[sflag:s28] =	ssyncadd.s32 @p0 $0xFFFFE000  }
0x18d: {  	[spmem:s0] =	stream.indirect.scatter.add.bf16 @p0 [tilespmem:s11], [sflag:$0x4], $0x10, s18, s29, $0xb8;
	[tilespmem:$0x145F0] =	vst v63  }
0x18e: {  	_ = 	snop  }
0x18f: {  	[spmem:s30] =	stream.indirect.scatter.add.f32 @p0 [tilespmem:s4], [sflag:$0x6], $0x1, s18, s29, $0xb8;
	[tilespmem:$0x145F0] =	vst v63  }
0x190: {  	_ =	swait.ge @p0 [sflag:s6], $0x2000  }
0x191: {  	[sflag:s6] =	ssyncset.done @p0 $0x0  }
0x192: {  	s4 =	simm.s32 @p0 $0xF3B8;
	[sflag:s6] =	ssyncadd.s32 @p0 $0xFFFFE000  }
0x193: {  	[tilespmem:s12], [sflag:$0x1] =	stream.indirect.gather @p0 [hbm4b:s5+s29], $0x10, s4, s29, $0xb8;
	[tilespmem:$0x145F0] =	vst v63  }
0x194: {  	_ =	swait.ge @p0 [sflag:s8], $0x2000  }
0x195: {  	[sflag:s8] =	ssyncset.done @p0 $0x0  }
0x196: {  	s4 =	simm.s32 @p0 $0xF5B8;
	[sflag:s8] =	ssyncadd.s32 @p0 $0xFFFFE000  }
0x197: {  	[spmem:s0] =	stream.indirect.scatter.add.bf16 @p0 [tilespmem:s12], [sflag:$0x3], $0x10, s4, s29, $0xb8;
	[tilespmem:$0x145F0] =	vst v63  }
0x198: {  	s4 =	simm.s32 @!p0 $0xE5B8  }
0x199: {  	[spmem:s30] =	stream.indirect.scatter.add.f32 @!p0 [tilespmem:s22], [sflag:$0x6], $0x1, s4, s26, $0xb8;
	[tilespmem:$0x145F0] =	vst v63  }
0x19a: {  	s4 =	simm.s32 @!p0 $0xE7B8  }
0x19b: {  	[tilespmem:s10], [sflag:$0x2] =	stream.indirect.gather @!p0 [hbm4b:s5+s26], $0x10, s4, s26, $0xb8;
	[tilespmem:$0x145F0] =	vst v63  }
0x19c: {  	_ =	swait.ge @!p0 [sflag:s7], $0x2000  }
0x19d: {  	[sflag:s7] =	ssyncset.done @!p0 $0x0  }
0x19e: {  	s4 =	simm.s32 @!p0 $0xE9B8;
	[sflag:s7] =	ssyncadd.s32 @!p0 $0xFFFFE000  }
0x19f: {  	[spmem:s0] =	stream.indirect.scatter.add.bf16 @!p0 [tilespmem:s10], [sflag:$0x4], $0x10, s4, s26, $0xb8;
	[tilespmem:$0x145F0] =	vst v63  }
0x1a0: {  	_ =	swait.ge @!p0 [sflag:s14], $0x2000  }
0x1a1: {  	[sflag:s14] =	ssyncset.done @!p0 $0x0  }
0x1a2: {  	s4 =	simm.s32 @!p0 $0xEBB8;
	[sflag:s14] =	ssyncadd.s32 @!p0 $0xFFFFE000  }
0x1a3: {  	[tilespmem:s2], [sflag:$0x1] =	stream.indirect.gather @!p0 [hbm4b:s5+s26], $0x10, s4, s26, $0xb8;
	[tilespmem:$0x145F0] =	vst v63  }
0x1a4: {  	_ =	swait.ge @!p0 [sflag:s16], $0x2000  }
0x1a5: {  	[sflag:s16] =	ssyncset.done @!p0 $0x0  }
0x1a6: {  	s4 =	simm.s32 @!p0 $0xEDB8;
	[sflag:s16] =	ssyncadd.s32 @!p0 $0xFFFFE000  }
0x1a7: {  	[spmem:s0] =	stream.indirect.scatter.add.bf16 @!p0 [tilespmem:s2], [sflag:$0x3], $0x10, s4, s26, $0xb8;
	[tilespmem:$0x145F0] =	vst v63  }
0x1a8: {  	_ = 	snop  }
0x1a9: {  	[spmem:s30] =	stream.indirect.scatter.add.f32 @!p0 [tilespmem:s22], [sflag:$0x6], $0x1, s4, s26, $0xb8;
	[tilespmem:$0x145F0] =	vst v63  }
0x1aa: {  	_ =	swait.ge @!p0 [sflag:s21], $0x2000  }
0x1ab: {  	[sflag:s21] =	ssyncset.done @!p0 $0x0  }
0x1ac: {  	s4 =	simm.s32 @!p0 $0xEFB8;
	[sflag:s21] =	ssyncadd.s32 @!p0 $0xFFFFE000  }
0x1ad: {  	[tilespmem:s10], [sflag:$0x2] =	stream.indirect.gather @!p0 [hbm4b:s5+s26], $0x10, s4, s26, $0xb8;
	[tilespmem:$0x145F0] =	vst v63  }
0x1ae: {  	_ =	swait.ge @!p0 [sflag:s7], $0x2000  }
0x1af: {  	[sflag:s7] =	ssyncset.done @!p0 $0x0  }
0x1b0: {  	s4 =	simm.s32 @!p0 $0xF1B8;
	[sflag:s7] =	ssyncadd.s32 @!p0 $0xFFFFE000  }
0x1b1: {  	[spmem:s0] =	stream.indirect.scatter.add.bf16 @!p0 [tilespmem:s10], [sflag:$0x4], $0x10, s4, s26, $0xb8;
	[tilespmem:$0x145F0] =	vst v63  }
0x1b2: {  	_ =	swait.ge @!p0 [sflag:s14], $0x2000  }
0x1b3: {  	[sflag:s14] =	ssyncset.done @!p0 $0x0  }
0x1b4: {  	s4 =	simm.s32 @!p0 $0xF3B8;
	[sflag:s14] =	ssyncadd.s32 @!p0 $0xFFFFE000  }
0x1b5: {  	[tilespmem:s2], [sflag:$0x1] =	stream.indirect.gather @!p0 [hbm4b:s5+s26], $0x10, s4, s26, $0xb8;
	[tilespmem:$0x145F0] =	vst v63  }
0x1b6: {  	_ =	swait.ge @!p0 [sflag:s16], $0x2000  }
0x1b7: {  	[sflag:s16] =	ssyncset.done @!p0 $0x0  }
0x1b8: {  	s4 =	simm.s32 @!p0 $0xF5B8;
	[sflag:s16] =	ssyncadd.s32 @!p0 $0xFFFFE000  }
0x1b9: {  	[spmem:s0] =	stream.indirect.scatter.add.bf16 @!p0 [tilespmem:s2], [sflag:$0x3], $0x10, s4, s26, $0xb8;
	[tilespmem:$0x145F0] =	vst v63  }
0x1ba: {  	_ = 	snop  }
0x1bb: {  	[spmem:s30] =	stream.indirect.scatter.add.f32 @!p0 [tilespmem:s22], [sflag:$0x6], $0x1, s4, s26, $0xb8;
	[tilespmem:$0x145F0] =	vst v63  }
0x1bc: {  	_ =	swait.ge @!p0 [sflag:s17], $0x200  }
0x1bd: {  	[sflag:s17] =	ssyncset.done @!p0 $0x0  }
0x1be: {  	[sflag:s17] =	ssyncadd.s32 @!p0 $0xFFFFFE00  }
0x1bf: {  	_ =	swait.ge [sflag:s31], $0x200  }
0x1c0: {  	[sflag:s31] =	ssyncset.done $0x0  }
0x1c1: {  	[sflag:s31] =	ssyncadd.s32 $0xFFFFFE00  }
0x1c2: {  	_ =	swait.ge [sflag:s31], $0x200  }
0x1c3: {  	[sflag:s31] =	ssyncset.done $0x0  }
0x1c4: {  	[sflag:s31] =	ssyncadd.s32 $0xFFFFFE00  }
0x1c5: {  	_ =	swait.ge [sflag:s1], $0x2000  }
0x1c6: {  	s15 =	sadd.s32 $0x500, s15;
	[sflag:s1] =	ssyncset.done $0x0  }
0x1c7: {  	p1 =	sne.s32 s15, $0x3200;
	[sflag:s1] =	ssyncadd.s32 $0xFFFFE000  }
.Ltmp0:
0x1c8: {  	_ =	swait.ge [sflag:s13], $0x2000;
	(pc) =	sbr.rel @p1 .LBB2_2-.Ltmp0, $4  }
0x1c9: {  	[sflag:s13] =	ssyncset.done $0x0  }
0x1ca: {  	s31 =	simm.s32 $0x5;
	[sflag:s13] =	ssyncadd.s32 $0xFFFFE000  }
0x1cb: {  	_ =	swait.ge [sflag:s31], $0x1400  }
0x1cc: {  	s20 =	rddreg [dreg:$0x5];
	[sflag:s31] =	ssyncset.done $0x0  }
0x1cd: {  	s21 =	simm.s32 $0x5;
	s1 =	sadd.s32 s9, s20;
	s0 =	simm.s32 $0x0  }
0x1ce: {  	s2 =	simm.s32 $0xE3B8;
	s29 =	simm.s32 $0xCFB8;
	[sflag:s21] =	ssyncadd.s32 $0xFFFFEC00  }
0x1cf: {  	[tilespmem:s2], [sflag:$0x5] =	stream.linear.gather [hbm4b:s1+s0], $0x1400, $0x38;
	[tilespmem:$0x145F0] =	vst v63  }
0x1d0: {  	s23 =	simm.s32 $0x200;
	s24 =	simm.s32 $0xF7B8;
	s25 =	simm.s32 $0x1  }
0x1d1: {  	[tilespmem:s24], [sflag:$0x1] =	stream.indirect.gather [hbm4b:s5+s23], $0x10, s29, s23, $0xb8;
	[tilespmem:$0x145F0] =	vst v63  }
0x1d2: {  	_ =	swait.ge [sflag:s25], $0x2000  }
0x1d3: {  	[sflag:s25] =	ssyncset.done $0x0  }
0x1d4: {  	s31 =	rddreg [dreg:$0x6];
	[sflag:s25] =	ssyncadd.s32 $0xFFFFE000  }
0x1d5: {  	s7 =	simm.s32 @p0 $0x2;
	s2 =	rddreg [dreg:$0x1]  }
0x1d6: {  	[spmem:s2] =	stream.indirect.scatter.add.bf16 [tilespmem:s24], [sflag:$0x3], $0x10, s31, s23, $0xb8;
	[tilespmem:$0x145F0] =	vst v63  }
0x1d7: {  	s4 =	simm.s32 @p0 $0xD3B8;
	s8 =	simm.s32 @p0 $0x117B8;
	s1 =	simm.s32 @p0 $0x200  }
0x1d8: {  	[tilespmem:s8], [sflag:$0x2] =	stream.indirect.gather @p0 [hbm4b:s5+s1], $0x10, s4, s1, $0xb8;
	[tilespmem:$0x145F0] =	vst v63  }
0x1d9: {  	_ =	swait.ge @p0 [sflag:s7], $0x2000  }
0x1da: {  	[sflag:s7] =	ssyncset.done @p0 $0x0  }
0x1db: {  	s4 =	simm.s32 @p0 $0xD5B8;
	[sflag:s7] =	ssyncadd.s32 @p0 $0xFFFFE000  }
0x1dc: {  	[spmem:s2] =	stream.indirect.scatter.add.bf16 @p0 [tilespmem:s8], [sflag:$0x4], $0x10, s4, s1, $0xb8;
	[tilespmem:$0x145F0] =	vst v63  }
0x1dd: {  	s28 =	simm.s32 @p0 $0x137B8;
	s10 =	simm.s32 @p0 $0x3;
	s6 =	rddreg [dreg:$0x2]  }
0x1de: {  	[spmem:s6] =	stream.indirect.scatter.add.f32 @p0 [tilespmem:s28], [sflag:$0x6], $0x1, s4, s1, $0xb8;
	[tilespmem:$0x145F0] =	vst v63  }
0x1df: {  	_ =	swait.ge @p0 [sflag:s10], $0x2000  }
0x1e0: {  	s3 =	simm.s32 @p0 $0x1;
	[sflag:s10] =	ssyncset.done @p0 $0x0  }
0x1e1: {  	s11 =	simm.s32 @p0 $0xF7B8;
	s4 =	simm.s32 @p0 $0xD7B8;
	[sflag:s10] =	ssyncadd.s32 @p0 $0xFFFFE000  }
0x1e2: {  	[tilespmem:s11], [sflag:$0x1] =	stream.indirect.gather @p0 [hbm4b:s5+s1], $0x10, s4, s1, $0xb8;
	[tilespmem:$0x145F0] =	vst v63  }
0x1e3: {  	_ =	swait.ge @p0 [sflag:s3], $0x2000  }
0x1e4: {  	[sflag:s3] =	ssyncset.done @p0 $0x0  }
0x1e5: {  	s18 =	simm.s32 @p0 $0x4;
	s4 =	simm.s32 @p0 $0xD9B8;
	[sflag:s3] =	ssyncadd.s32 @p0 $0xFFFFE000  }
0x1e6: {  	[spmem:s2] =	stream.indirect.scatter.add.bf16 @p0 [tilespmem:s11], [sflag:$0x3], $0x10, s4, s1, $0xb8;
	[tilespmem:$0x145F0] =	vst v63  }
0x1e7: {  	_ =	swait.ge @p0 [sflag:s18], $0x2000  }
0x1e8: {  	[sflag:s18] =	ssyncset.done @p0 $0x0  }
0x1e9: {  	s4 =	simm.s32 @p0 $0xDBB8;
	[sflag:s18] =	ssyncadd.s32 @p0 $0xFFFFE000  }
0x1ea: {  	[tilespmem:s8], [sflag:$0x2] =	stream.indirect.gather @p0 [hbm4b:s5+s1], $0x10, s4, s1, $0xb8;
	[tilespmem:$0x145F0] =	vst v63  }
0x1eb: {  	_ =	swait.ge @p0 [sflag:s7], $0x2000  }
0x1ec: {  	[sflag:s7] =	ssyncset.done @p0 $0x0  }
0x1ed: {  	s4 =	simm.s32 @p0 $0xDDB8;
	[sflag:s7] =	ssyncadd.s32 @p0 $0xFFFFE000  }
0x1ee: {  	[spmem:s2] =	stream.indirect.scatter.add.bf16 @p0 [tilespmem:s8], [sflag:$0x4], $0x10, s4, s1, $0xb8;
	[tilespmem:$0x145F0] =	vst v63  }
0x1ef: {  	_ = 	snop  }
0x1f0: {  	[spmem:s6] =	stream.indirect.scatter.add.f32 @p0 [tilespmem:s28], [sflag:$0x6], $0x1, s4, s1, $0xb8;
	[tilespmem:$0x145F0] =	vst v63  }
0x1f1: {  	_ =	swait.ge @p0 [sflag:s10], $0x2000  }
0x1f2: {  	[sflag:s10] =	ssyncset.done @p0 $0x0  }
0x1f3: {  	s4 =	simm.s32 @p0 $0xDFB8;
	[sflag:s10] =	ssyncadd.s32 @p0 $0xFFFFE000  }
0x1f4: {  	[tilespmem:s11], [sflag:$0x1] =	stream.indirect.gather @p0 [hbm4b:s5+s1], $0x10, s4, s1, $0xb8;
	[tilespmem:$0x145F0] =	vst v63  }
0x1f5: {  	_ =	swait.ge @p0 [sflag:s3], $0x2000  }
0x1f6: {  	[sflag:s3] =	ssyncset.done @p0 $0x0  }
0x1f7: {  	s4 =	simm.s32 @p0 $0xE1B8;
	[sflag:s3] =	ssyncadd.s32 @p0 $0xFFFFE000  }
0x1f8: {  	[spmem:s2] =	stream.indirect.scatter.add.bf16 @p0 [tilespmem:s11], [sflag:$0x3], $0x10, s4, s1, $0xb8;
	[tilespmem:$0x145F0] =	vst v63  }
0x1f9: {  	s13 =	simm.s32 @!p0 $0xD1B8;
	s12 =	simm.s32 @!p0 $0x137B8;
	s4 =	simm.s32 @!p0 $0x200  }
0x1fa: {  	[spmem:s6] =	stream.indirect.scatter.add.f32 @!p0 [tilespmem:s12], [sflag:$0x6], $0x1, s13, s4, $0xb8;
	[tilespmem:$0x145F0] =	vst v63  }
0x1fb: {  	s15 =	simm.s32 @!p0 $0xD3B8;
	s14 =	simm.s32 @!p0 $0x2;
	s13 =	simm.s32 @!p0 $0x117B8  }
0x1fc: {  	[tilespmem:s13], [sflag:$0x2] =	stream.indirect.gather @!p0 [hbm4b:s5+s4], $0x10, s15, s4, $0xb8;
	[tilespmem:$0x145F0] =	vst v63  }
0x1fd: {  	_ =	swait.ge @!p0 [sflag:s14], $0x2000  }
0x1fe: {  	[sflag:s14] =	ssyncset.done @!p0 $0x0  }
0x1ff: {  	s16 =	simm.s32 @!p0 $0x3;
	s15 =	simm.s32 @!p0 $0xD5B8;
	[sflag:s14] =	ssyncadd.s32 @!p0 $0xFFFFE000  }
0x200: {  	[spmem:s2] =	stream.indirect.scatter.add.bf16 @!p0 [tilespmem:s13], [sflag:$0x4], $0x10, s15, s4, $0xb8;
	[tilespmem:$0x145F0] =	vst v63  }
0x201: {  	_ =	swait.ge @!p0 [sflag:s16], $0x2000  }
0x202: {  	s19 =	simm.s32 @!p0 $0xD7B8;
	[sflag:s16] =	ssyncset.done @!p0 $0x0  }
0x203: {  	s17 =	simm.s32 @!p0 $0xF7B8;
	s15 =	simm.s32 @!p0 $0x1;
	[sflag:s16] =	ssyncadd.s32 @!p0 $0xFFFFE000  }
0x204: {  	[tilespmem:s17], [sflag:$0x1] =	stream.indirect.gather @!p0 [hbm4b:s5+s4], $0x10, s19, s4, $0xb8;
	[tilespmem:$0x145F0] =	vst v63  }
0x205: {  	_ =	swait.ge @!p0 [sflag:s15], $0x2000  }
0x206: {  	[sflag:s15] =	ssyncset.done @!p0 $0x0  }
0x207: {  	s20 =	simm.s32 @!p0 $0xD9B8;
	[sflag:s15] =	ssyncadd.s32 @!p0 $0xFFFFE000  }
0x208: {  	[spmem:s2] =	stream.indirect.scatter.add.bf16 @!p0 [tilespmem:s17], [sflag:$0x3], $0x10, s20, s4, $0xb8;
	[tilespmem:$0x145F0] =	vst v63  }
0x209: {  	s19 =	simm.s32 @!p0 $0x4  }
0x20a: {  	[spmem:s6] =	stream.indirect.scatter.add.f32 @!p0 [tilespmem:s12], [sflag:$0x6], $0x1, s20, s4, $0xb8;
	[tilespmem:$0x145F0] =	vst v63  }
0x20b: {  	_ =	swait.ge @!p0 [sflag:s19], $0x2000  }
0x20c: {  	[sflag:s19] =	ssyncset.done @!p0 $0x0  }
0x20d: {  	s20 =	simm.s32 @!p0 $0xDBB8;
	[sflag:s19] =	ssyncadd.s32 @!p0 $0xFFFFE000  }
0x20e: {  	[tilespmem:s13], [sflag:$0x2] =	stream.indirect.gather @!p0 [hbm4b:s5+s4], $0x10, s20, s4, $0xb8;
	[tilespmem:$0x145F0] =	vst v63  }
0x20f: {  	_ =	swait.ge @!p0 [sflag:s14], $0x2000  }
0x210: {  	[sflag:s14] =	ssyncset.done @!p0 $0x0  }
0x211: {  	s20 =	simm.s32 @!p0 $0xDDB8;
	[sflag:s14] =	ssyncadd.s32 @!p0 $0xFFFFE000  }
0x212: {  	[spmem:s2] =	stream.indirect.scatter.add.bf16 @!p0 [tilespmem:s13], [sflag:$0x4], $0x10, s20, s4, $0xb8;
	[tilespmem:$0x145F0] =	vst v63  }
0x213: {  	_ =	swait.ge @!p0 [sflag:s16], $0x2000  }
0x214: {  	[sflag:s16] =	ssyncset.done @!p0 $0x0  }
0x215: {  	s20 =	simm.s32 @!p0 $0xDFB8;
	[sflag:s16] =	ssyncadd.s32 @!p0 $0xFFFFE000  }
0x216: {  	[tilespmem:s17], [sflag:$0x1] =	stream.indirect.gather @!p0 [hbm4b:s5+s4], $0x10, s20, s4, $0xb8;
	[tilespmem:$0x145F0] =	vst v63  }
0x217: {  	_ =	swait.ge @!p0 [sflag:s15], $0x2000  }
0x218: {  	[sflag:s15] =	ssyncset.done @!p0 $0x0  }
0x219: {  	s20 =	simm.s32 @!p0 $0xE1B8;
	[sflag:s15] =	ssyncadd.s32 @!p0 $0xFFFFE000  }
0x21a: {  	[spmem:s2] =	stream.indirect.scatter.add.bf16 @!p0 [tilespmem:s17], [sflag:$0x3], $0x10, s20, s4, $0xb8;
	[tilespmem:$0x145F0] =	vst v63  }
0x21b: {  	s26 =	simm.s32 @!p0 $0x6  }
0x21c: {  	[spmem:s6] =	stream.indirect.scatter.add.f32 @!p0 [tilespmem:s12], [sflag:$0x6], $0x1, s20, s4, $0xb8;
	[tilespmem:$0x145F0] =	vst v63  }
0x21d: {  	_ =	swait.ge @!p0 [sflag:s26], $0x200  }
0x21e: {  	[sflag:s26] =	ssyncset.done @!p0 $0x0  }
0x21f: {  	s22 =	simm.s32 $0x6;
	[sflag:s26] =	ssyncadd.s32 @!p0 $0xFFFFFE00  }
0x220: {  	_ =	swait.ge [sflag:s22], $0x200  }
0x221: {  	[sflag:s22] =	ssyncset.done $0x0  }
0x222: {  	[sflag:s22] =	ssyncadd.s32 $0xFFFFFE00  }
0x223: {  	_ =	swait.ge [sflag:s22], $0x200  }
0x224: {  	[sflag:s22] =	ssyncset.done $0x0  }
0x225: {  	s30 =	simm.s32 $0x4;
	[sflag:s22] =	ssyncadd.s32 $0xFFFFFE00  }
0x226: {  	_ =	swait.ge [sflag:s30], $0x2000  }
0x227: {  	[sflag:s30] =	ssyncset.done $0x0  }
0x228: {  	s31 =	simm.s32 $0x3;
	[sflag:s30] =	ssyncadd.s32 $0xFFFFE000  }
0x229: {  	_ =	swait.ge [sflag:s31], $0x2000  }
0x22a: {  	[sflag:s31] =	ssyncset.done $0x0  }
0x22b: {  	[sflag:s31] =	ssyncadd.s32 $0xFFFFE000  }
0x22c: {  	_ =	swait.ge [sflag:s21], $0x1400  }
0x22d: {  	s0 =	rddreg [dreg:$0x4];
	[sflag:s21] =	ssyncset.done $0x0  }
0x22e: {  	s20 =	sadd.s32 s9, s0;
	[sflag:s21] =	ssyncadd.s32 $0xFFFFEC00;
	s9 =	simm.s32 $0x0  }
0x22f: {  	[tilespmem:s29], [sflag:$0x5] =	stream.linear.gather [hbm4b:s20+s9], $0x1400, $0x38;
	[tilespmem:$0x145F0] =	vst v63  }
0x230: {  	s29 =	simm.s32 $0xE3B8  }
0x231: {  	[tilespmem:s24], [sflag:$0x1] =	stream.indirect.gather [hbm4b:s5+s23], $0x10, s29, s23, $0xb8;
	[tilespmem:$0x145F0] =	vst v63  }
0x232: {  	_ =	swait.ge [sflag:s25], $0x2000  }
0x233: {  	[sflag:s25] =	ssyncset.done $0x0  }
0x234: {  	s20 =	rddreg [dreg:$0x7];
	[sflag:s25] =	ssyncadd.s32 $0xFFFFE000  }
0x235: {  	[spmem:s2] =	stream.indirect.scatter.add.bf16 [tilespmem:s24], [sflag:$0x3], $0x10, s20, s23, $0xb8;
	[tilespmem:$0x145F0] =	vst v63  }
0x236: {  	s0 =	simm.s32 @p0 $0xE7B8  }
0x237: {  	[tilespmem:s8], [sflag:$0x2] =	stream.indirect.gather @p0 [hbm4b:s5+s1], $0x10, s0, s1, $0xb8;
	[tilespmem:$0x145F0] =	vst v63  }
0x238: {  	_ =	swait.ge @p0 [sflag:s7], $0x2000  }
0x239: {  	[sflag:s7] =	ssyncset.done @p0 $0x0  }
0x23a: {  	s0 =	simm.s32 @p0 $0xE9B8;
	[sflag:s7] =	ssyncadd.s32 @p0 $0xFFFFE000  }
0x23b: {  	[spmem:s2] =	stream.indirect.scatter.add.bf16 @p0 [tilespmem:s8], [sflag:$0x4], $0x10, s0, s1, $0xb8;
	[tilespmem:$0x145F0] =	vst v63  }
0x23c: {  	_ = 	snop  }
0x23d: {  	[spmem:s6] =	stream.indirect.scatter.add.f32 @p0 [tilespmem:s28], [sflag:$0x6], $0x1, s0, s1, $0xb8;
	[tilespmem:$0x145F0] =	vst v63  }
0x23e: {  	_ =	swait.ge @p0 [sflag:s10], $0x2000  }
0x23f: {  	[sflag:s10] =	ssyncset.done @p0 $0x0  }
0x240: {  	s0 =	simm.s32 @p0 $0xEBB8;
	[sflag:s10] =	ssyncadd.s32 @p0 $0xFFFFE000  }
0x241: {  	[tilespmem:s11], [sflag:$0x1] =	stream.indirect.gather @p0 [hbm4b:s5+s1], $0x10, s0, s1, $0xb8;
	[tilespmem:$0x145F0] =	vst v63  }
0x242: {  	_ =	swait.ge @p0 [sflag:s3], $0x2000  }
0x243: {  	[sflag:s3] =	ssyncset.done @p0 $0x0  }
0x244: {  	s0 =	simm.s32 @p0 $0xEDB8;
	[sflag:s3] =	ssyncadd.s32 @p0 $0xFFFFE000  }
0x245: {  	[spmem:s2] =	stream.indirect.scatter.add.bf16 @p0 [tilespmem:s11], [sflag:$0x3], $0x10, s0, s1, $0xb8;
	[tilespmem:$0x145F0] =	vst v63  }
0x246: {  	_ =	swait.ge @p0 [sflag:s18], $0x2000  }
0x247: {  	[sflag:s18] =	ssyncset.done @p0 $0x0  }
0x248: {  	s0 =	simm.s32 @p0 $0xEFB8;
	[sflag:s18] =	ssyncadd.s32 @p0 $0xFFFFE000  }
0x249: {  	[tilespmem:s8], [sflag:$0x2] =	stream.indirect.gather @p0 [hbm4b:s5+s1], $0x10, s0, s1, $0xb8;
	[tilespmem:$0x145F0] =	vst v63  }
0x24a: {  	_ =	swait.ge @p0 [sflag:s7], $0x2000  }
0x24b: {  	[sflag:s7] =	ssyncset.done @p0 $0x0  }
0x24c: {  	s0 =	simm.s32 @p0 $0xF1B8;
	[sflag:s7] =	ssyncadd.s32 @p0 $0xFFFFE000  }
0x24d: {  	[spmem:s2] =	stream.indirect.scatter.add.bf16 @p0 [tilespmem:s8], [sflag:$0x4], $0x10, s0, s1, $0xb8;
	[tilespmem:$0x145F0] =	vst v63  }
0x24e: {  	_ = 	snop  }
0x24f: {  	[spmem:s6] =	stream.indirect.scatter.add.f32 @p0 [tilespmem:s28], [sflag:$0x6], $0x1, s0, s1, $0xb8;
	[tilespmem:$0x145F0] =	vst v63  }
0x250: {  	_ =	swait.ge @p0 [sflag:s10], $0x2000  }
0x251: {  	[sflag:s10] =	ssyncset.done @p0 $0x0  }
0x252: {  	s0 =	simm.s32 @p0 $0xF3B8;
	[sflag:s10] =	ssyncadd.s32 @p0 $0xFFFFE000  }
0x253: {  	[tilespmem:s11], [sflag:$0x1] =	stream.indirect.gather @p0 [hbm4b:s5+s1], $0x10, s0, s1, $0xb8;
	[tilespmem:$0x145F0] =	vst v63  }
0x254: {  	_ =	swait.ge @p0 [sflag:s3], $0x2000  }
0x255: {  	[sflag:s3] =	ssyncset.done @p0 $0x0  }
0x256: {  	s0 =	simm.s32 @p0 $0xF5B8;
	[sflag:s3] =	ssyncadd.s32 @p0 $0xFFFFE000  }
0x257: {  	[spmem:s2] =	stream.indirect.scatter.add.bf16 @p0 [tilespmem:s11], [sflag:$0x3], $0x10, s0, s1, $0xb8;
	[tilespmem:$0x145F0] =	vst v63  }
0x258: {  	s0 =	simm.s32 @!p0 $0xE5B8  }
0x259: {  	[spmem:s6] =	stream.indirect.scatter.add.f32 @!p0 [tilespmem:s12], [sflag:$0x6], $0x1, s0, s4, $0xb8;
	[tilespmem:$0x145F0] =	vst v63  }
0x25a: {  	s0 =	simm.s32 @!p0 $0xE7B8  }
0x25b: {  	[tilespmem:s13], [sflag:$0x2] =	stream.indirect.gather @!p0 [hbm4b:s5+s4], $0x10, s0, s4, $0xb8;
	[tilespmem:$0x145F0] =	vst v63  }
0x25c: {  	_ =	swait.ge @!p0 [sflag:s14], $0x2000  }
0x25d: {  	[sflag:s14] =	ssyncset.done @!p0 $0x0  }
0x25e: {  	s0 =	simm.s32 @!p0 $0xE9B8;
	[sflag:s14] =	ssyncadd.s32 @!p0 $0xFFFFE000  }
0x25f: {  	[spmem:s2] =	stream.indirect.scatter.add.bf16 @!p0 [tilespmem:s13], [sflag:$0x4], $0x10, s0, s4, $0xb8;
	[tilespmem:$0x145F0] =	vst v63  }
0x260: {  	_ =	swait.ge @!p0 [sflag:s16], $0x2000  }
0x261: {  	[sflag:s16] =	ssyncset.done @!p0 $0x0  }
0x262: {  	s0 =	simm.s32 @!p0 $0xEBB8;
	[sflag:s16] =	ssyncadd.s32 @!p0 $0xFFFFE000  }
0x263: {  	[tilespmem:s17], [sflag:$0x1] =	stream.indirect.gather @!p0 [hbm4b:s5+s4], $0x10, s0, s4, $0xb8;
	[tilespmem:$0x145F0] =	vst v63  }
0x264: {  	_ =	swait.ge @!p0 [sflag:s15], $0x2000  }
0x265: {  	[sflag:s15] =	ssyncset.done @!p0 $0x0  }
0x266: {  	s0 =	simm.s32 @!p0 $0xEDB8;
	[sflag:s15] =	ssyncadd.s32 @!p0 $0xFFFFE000  }
0x267: {  	[spmem:s2] =	stream.indirect.scatter.add.bf16 @!p0 [tilespmem:s17], [sflag:$0x3], $0x10, s0, s4, $0xb8;
	[tilespmem:$0x145F0] =	vst v63  }
0x268: {  	_ = 	snop  }
0x269: {  	[spmem:s6] =	stream.indirect.scatter.add.f32 @!p0 [tilespmem:s12], [sflag:$0x6], $0x1, s0, s4, $0xb8;
	[tilespmem:$0x145F0] =	vst v63  }
0x26a: {  	_ =	swait.ge @!p0 [sflag:s19], $0x2000  }
0x26b: {  	[sflag:s19] =	ssyncset.done @!p0 $0x0  }
0x26c: {  	s0 =	simm.s32 @!p0 $0xEFB8;
	[sflag:s19] =	ssyncadd.s32 @!p0 $0xFFFFE000  }
0x26d: {  	[tilespmem:s13], [sflag:$0x2] =	stream.indirect.gather @!p0 [hbm4b:s5+s4], $0x10, s0, s4, $0xb8;
	[tilespmem:$0x145F0] =	vst v63  }
0x26e: {  	_ =	swait.ge @!p0 [sflag:s14], $0x2000  }
0x26f: {  	[sflag:s14] =	ssyncset.done @!p0 $0x0  }
0x270: {  	s0 =	simm.s32 @!p0 $0xF1B8;
	[sflag:s14] =	ssyncadd.s32 @!p0 $0xFFFFE000  }
0x271: {  	[spmem:s2] =	stream.indirect.scatter.add.bf16 @!p0 [tilespmem:s13], [sflag:$0x4], $0x10, s0, s4, $0xb8;
	[tilespmem:$0x145F0] =	vst v63  }
0x272: {  	_ =	swait.ge @!p0 [sflag:s16], $0x2000  }
0x273: {  	[sflag:s16] =	ssyncset.done @!p0 $0x0  }
0x274: {  	s0 =	simm.s32 @!p0 $0xF3B8;
	[sflag:s16] =	ssyncadd.s32 @!p0 $0xFFFFE000  }
0x275: {  	[tilespmem:s17], [sflag:$0x1] =	stream.indirect.gather @!p0 [hbm4b:s5+s4], $0x10, s0, s4, $0xb8;
	[tilespmem:$0x145F0] =	vst v63  }
0x276: {  	_ =	swait.ge @!p0 [sflag:s15], $0x2000  }
0x277: {  	[sflag:s15] =	ssyncset.done @!p0 $0x0  }
0x278: {  	s0 =	simm.s32 @!p0 $0xF5B8;
	[sflag:s15] =	ssyncadd.s32 @!p0 $0xFFFFE000  }
0x279: {  	[spmem:s2] =	stream.indirect.scatter.add.bf16 @!p0 [tilespmem:s17], [sflag:$0x3], $0x10, s0, s4, $0xb8;
	[tilespmem:$0x145F0] =	vst v63  }
0x27a: {  	_ = 	snop  }
0x27b: {  	[spmem:s6] =	stream.indirect.scatter.add.f32 @!p0 [tilespmem:s12], [sflag:$0x6], $0x1, s0, s4, $0xb8;
	[tilespmem:$0x145F0] =	vst v63  }
0x27c: {  	_ =	swait.ge @!p0 [sflag:s26], $0x200  }
0x27d: {  	[sflag:s26] =	ssyncset.done @!p0 $0x0  }
0x27e: {  	[sflag:s26] =	ssyncadd.s32 @!p0 $0xFFFFFE00  }
0x27f: {  	_ =	swait.ge [sflag:s22], $0x200  }
0x280: {  	[sflag:s22] =	ssyncset.done $0x0  }
0x281: {  	[sflag:s22] =	ssyncadd.s32 $0xFFFFFE00  }
0x282: {  	_ =	swait.ge [sflag:s22], $0x200  }
0x283: {  	[sflag:s22] =	ssyncset.done $0x0  }
0x284: {  	[sflag:s22] =	ssyncadd.s32 $0xFFFFFE00  }
0x285: {  	_ =	swait.ge [sflag:s30], $0x2000  }
0x286: {  	[sflag:s30] =	ssyncset.done $0x0  }
0x287: {  	[sflag:s30] =	ssyncadd.s32 $0xFFFFE000  }
0x288: {  	_ =	swait.ge [sflag:s31], $0x2000  }
0x289: {  	[sflag:s31] =	ssyncset.done $0x0  }
0x28a: {  	[sflag:s31] =	ssyncadd.s32 $0xFFFFE000  }
0x28b: {  	_ =	swait.ge [sflag:s21], $0x1400  }
0x28c: {  	[sflag:s21] =	ssyncset.done $0x0  }
0x28d: {  	[sflag:s21] =	ssyncadd.s32 $0xFFFFEC00  }
0x28e: {  	[bflag:$0x0] =	sbarrier.arrive $0xFFFF  }
0x28f: {  	s13 =	rddreg [dreg:$0x9]  }
0x290: {  	s28 =	rddreg [dreg:$0xd]  }
0x291: {  	s6 =	simm.s32 $0x7;
	s1 =	rddreg [dreg:$0x10]  }
0x292: {  	[hbm:s28], [sflag:s13] =	dma.local [spmem:s1], $0x1870  }
0x293: {  	_ =	swait.ge [sflag:s6], $0x1870  }
0x294: {  	[sflag:s6] =	ssyncset.done $0x0  }
0x295: {  	s7 =	simm.s32 $0x139B8;
	s12 =	rddreg [dreg:$0xb];
	[sflag:s6] =	ssyncadd.s32 $0xFFFFE790  }
0x296: {  	[tilespmem:s7], [sflag:$0x7] =	stream.linear.gather [spmem:s12], $0xC38, $0x38;
	[tilespmem:$0x145F0] =	vst v63  }
0x297: {  	_ =	swait.ge [sflag:s6], $0xC38  }
0x298: {  	[sflag:s6] =	ssyncset.done $0x0  }
0x299: {  	s29 =	rddreg [dreg:$0xe];
	[sflag:s6] =	ssyncadd.s32 $0xFFFFF3C8  }
0x29a: {  	[hbm4b:s29+s9] =	stream.linear.scatter [tilespmem:s7], [sflag:$0x7], $0xC38, $0x38;
	[tilespmem:$0x145F0] =	vst v63  }
0x29b: {  	_ =	swait.ge [sflag:s6], $0xC38  }
0x29c: {  	s30 =	rddreg [dreg:$0x11]  }
0x29d: {  	s31 =	rddreg [dreg:$0xf];
	s3 =	sadd.s32 $0x1, s30  }
0x29e: {  	p1 =	sne.s32 s3, s31  }
.Ltmp1:
0x29f: {  	_ = 	snop;
	(pc) =	sbr.rel @p1 .LBB2_1-.Ltmp1, $3  }
0x2a0: {  	_ =	sdelay $0x1  }
0x2a1: {  	[sflag:s6] =	ssyncset.done $0x0  }
0x2a2: {  	[sflag:s6] =	ssyncadd.s32 $0xFFFFF3C8  }
0x2a3: {  	_ =	sfence.sel $0x180000  }
0x2a4: {  	[bflag:$0x0] =	sbarrier.arrive $0xFFFF  }
0x2a5: {  	_ =	strace $0x90000047  }
0x2a6: {  	s0 =	stileid.u32;
	[bflag:$0x2] =	sbarrier.arrive $0xFFFF  }
0x2a7: {  	p0 =	sne.s32 s0, $0x0;
	s0 =	rddreg [dreg:$0x3]  }
0x2a8: {  	s0 =	sadd.s32 @!p0 $0x100000, s0  }
0x2a9: {  	[sflag:s0] =	ssyncadd.tile.s32 @!p0 $0x1;
	_ =	shalt  }
.Lfunc_end2:
_tile_overlayer_lowered:
.L_overlay_start_2:
0x2aa: {  	(tag) =	ssettag $0x2  }
0x2ab: {  	s0 =	rddreg [dreg:$0x0];
	s2 =	stileid.u32  }
0x2ac: {  	s1 =	rddreg [dreg:$0x1];
	p0 =	sne.s32 s2, $0x0  }
0x2ad: {  	s3 =	rddreg [dreg:$0x2];
	[bflag:$0x3] =	sbarrier.arrive $0xFFFF;
	s2 =	simm.s32 @!p0 $0x1C07  }
0x2ae: {  	[timem:s3], [sflag:s2] =	dma.local @!p0 [hbm:s0], s1  }
0x2af: {  	s0 =	simm.s32 @!p0 $0x7  }
0x2b0: {  	_ =	swait.ge @!p0 [sflag:s0], s1  }
0x2b1: {  	s1 =	ssub.s32 @!p0 $0x0, s1;
	[sflag:s0] =	ssyncset.done @!p0 $0x0  }
0x2b2: {  	[sflag:s0] =	ssyncadd.s32 @!p0 s1  }
0x2b3: {  	[bflag:$0x3] =	sbarrier.arrive $0xFFFF  }
0x2b4: {  	_ =	shalt  }

</sc_bundles>
